<compile_context>
chip_gen: v7x
topology: tpu7x:2x2x1
jax: 0.10.2.dev20260603
libtpu: 0.0.44.dev20260713+nightly
codegen_flags: <defaults>
</compile_context>

<pallas_src>
import functools

import jax
import jax.numpy as jnp
from jax import lax
from jax.experimental import pallas as pl
from jax.experimental.pallas import tpu as pltpu
from jax.experimental.pallas import tpu_sc as plsc

N = 10000
D = 128
E = 320000

NP = 10240
NW = 32
EPW = NP
EP = NW * EPW
CH = 128
NCH = EPW // CH
RPT = NP // 16
BR = 256

_mesh = dict(core_axis_name="c", subcore_axis_name="s")



@functools.partial(
    pl.kernel,
    mesh=plsc.VectorSubcoreMesh(**_mesh),
    out_type=jax.ShapeDtypeStruct((2, NP, D), jnp.float32),
    scratch_types=[
        pltpu.VMEM((NCH, CH), jnp.int32),
        pltpu.VMEM((CH, D), jnp.float32),
        pltpu.VMEM_SHARED((NP, D), jnp.float32),
    ],
)
def _deg_kernel(dst_hbm, out_hbm, didx, rows, dacc):
    c = lax.axis_index("c")
    s = lax.axis_index("s")
    wid = c * 16 + s

    def zfill(j, carry):
        for i in range(D // 16):
            rows[j, pl.ds(i * 16, 16)] = jnp.zeros((16,), jnp.float32)
        return carry

    lax.fori_loop(0, CH, zfill, 0)

    def zloop(t, carry):
        pltpu.sync_copy(rows, dacc.at[pl.ds(s * RPT + t * CH, CH)])
        return carry

    lax.fori_loop(0, RPT // CH, zloop, 0)

    def ofill(j, carry):
        for i in range(D // 16):
            rows[j, pl.ds(i * 16, 16)] = jnp.ones((16,), jnp.float32)
        return carry

    lax.fori_loop(0, CH, ofill, 0)
    pltpu.sync_copy(dst_hbm.at[wid], didx)
    plsc.subcore_barrier()

    def body(j, carry):
        pltpu.sync_copy(rows, dacc.at[didx.at[j]], add=True)
        return carry

    lax.fori_loop(0, NCH, body, 0)
    plsc.subcore_barrier()
    pltpu.sync_copy(dacc.at[pl.ds(s * RPT, RPT)],
                    out_hbm.at[c, pl.ds(s * RPT, RPT)])


@functools.partial(
    pl.kernel,
    mesh=plsc.VectorSubcoreMesh(**_mesh),
    out_type=jax.ShapeDtypeStruct((2, NP, D), jnp.float32),
    scratch_types=[
        pltpu.VMEM((NCH, CH), jnp.int32),
        pltpu.VMEM((NCH, CH), jnp.int32),
        pltpu.VMEM((CH, D), jnp.float32),
        pltpu.VMEM_SHARED((NP, D), jnp.float32),
    ],
)
def _agg_kernel(hp_hbm, src_hbm, dst_hbm, out_hbm, sidx, didx, rows, acc):
    c = lax.axis_index("c")
    s = lax.axis_index("s")
    wid = c * 16 + s

    def zfill(j, carry):
        for i in range(D // 16):
            rows[j, pl.ds(i * 16, 16)] = jnp.zeros((16,), jnp.float32)
        return carry

    lax.fori_loop(0, CH, zfill, 0)

    def zloop(t, carry):
        pltpu.sync_copy(rows, acc.at[pl.ds(s * RPT + t * CH, CH)])
        return carry

    lax.fori_loop(0, RPT // CH, zloop, 0)
    pltpu.sync_copy(src_hbm.at[wid], sidx)
    pltpu.sync_copy(dst_hbm.at[wid], didx)
    plsc.subcore_barrier()

    def body(j, carry):
        pltpu.sync_copy(hp_hbm.at[sidx.at[j]], rows)
        pltpu.sync_copy(rows, acc.at[didx.at[j]], add=True)
        return carry

    lax.fori_loop(0, NCH, body, 0)
    plsc.subcore_barrier()
    pltpu.sync_copy(acc.at[pl.ds(s * RPT, RPT)],
                    out_hbm.at[c, pl.ds(s * RPT, RPT)])



def _mm0_body(deg0_ref, deg1_ref, x_ref, w_ref, dis_ref, h_ref, hp_ref):
    deg = deg0_ref[...] + deg1_ref[...] + 1.0
    dis = lax.rsqrt(deg)
    h = jnp.dot(x_ref[...], w_ref[...], preferred_element_type=jnp.float32)
    dis_ref[...] = dis
    h_ref[...] = h
    hp_ref[...] = dis * h


_mm0 = pl.pallas_call(
    _mm0_body,
    grid=(NP // BR,),
    in_specs=[
        pl.BlockSpec((BR, 1), lambda i: (i, 0)),
        pl.BlockSpec((BR, 1), lambda i: (i, 0)),
        pl.BlockSpec((BR, D), lambda i: (i, 0)),
        pl.BlockSpec((D, D), lambda i: (0, 0)),
    ],
    out_specs=[
        pl.BlockSpec((BR, 1), lambda i: (i, 0)),
        pl.BlockSpec((BR, D), lambda i: (i, 0)),
        pl.BlockSpec((BR, D), lambda i: (i, 0)),
    ],
    out_shape=[
        jax.ShapeDtypeStruct((NP, 1), jnp.float32),
        jax.ShapeDtypeStruct((NP, D), jnp.float32),
        jax.ShapeDtypeStruct((NP, D), jnp.float32),
    ],
)


def _layer_body(acc_ref, h_ref, dis_ref, b_ref, w_ref,
                hn_ref, hpn_ref, sum_ref):
    i = pl.program_id(0)
    dis = dis_ref[...]
    xv = (dis * (acc_ref[0] + acc_ref[1])
          + dis * dis * h_ref[...] + b_ref[...])
    rows = lax.broadcasted_iota(jnp.int32, (BR, 1), 0) + i * BR
    xm = jnp.where(rows < N, xv, 0.0)

    @pl.when(i == 0)
    def _():
        sum_ref[...] = jnp.zeros_like(sum_ref)

    sum_ref[...] += jnp.sum(xm, axis=0, keepdims=True) * (1.0 / N)
    hn = jnp.dot(xv, w_ref[...], preferred_element_type=jnp.float32)
    hn_ref[...] = hn
    hpn_ref[...] = dis * hn


_layer = pl.pallas_call(
    _layer_body,
    grid=(NP // BR,),
    in_specs=[
        pl.BlockSpec((2, BR, D), lambda i: (0, i, 0)),
        pl.BlockSpec((BR, D), lambda i: (i, 0)),
        pl.BlockSpec((BR, 1), lambda i: (i, 0)),
        pl.BlockSpec((1, D), lambda i: (0, 0)),
        pl.BlockSpec((D, D), lambda i: (0, 0)),
    ],
    out_specs=[
        pl.BlockSpec((BR, D), lambda i: (i, 0)),
        pl.BlockSpec((BR, D), lambda i: (i, 0)),
        pl.BlockSpec((1, D), lambda i: (0, 0)),
    ],
    out_shape=[
        jax.ShapeDtypeStruct((NP, D), jnp.float32),
        jax.ShapeDtypeStruct((NP, D), jnp.float32),
        jax.ShapeDtypeStruct((1, D), jnp.float32),
    ],
)


def _last_body(acc_ref, h_ref, dis_ref, b_ref, sum_ref):
    i = pl.program_id(0)
    dis = dis_ref[...]
    xv = (dis * (acc_ref[0] + acc_ref[1])
          + dis * dis * h_ref[...] + b_ref[...])
    rows = lax.broadcasted_iota(jnp.int32, (BR, 1), 0) + i * BR
    xm = jnp.where(rows < N, xv, 0.0)

    @pl.when(i == 0)
    def _():
        sum_ref[...] = jnp.zeros_like(sum_ref)

    sum_ref[...] += jnp.sum(xm, axis=0, keepdims=True) * (1.0 / N)


_last = pl.pallas_call(
    _last_body,
    grid=(NP // BR,),
    in_specs=[
        pl.BlockSpec((2, BR, D), lambda i: (0, i, 0)),
        pl.BlockSpec((BR, D), lambda i: (i, 0)),
        pl.BlockSpec((BR, 1), lambda i: (i, 0)),
        pl.BlockSpec((1, D), lambda i: (0, 0)),
    ],
    out_specs=pl.BlockSpec((1, D), lambda i: (0, 0)),
    out_shape=jax.ShapeDtypeStruct((1, D), jnp.float32),
)



def kernel(x, edge_index, W1, b1, W2, b2, W3, b3, W4, b4):
    src = edge_index[0]
    dst = edge_index[1]
    xp = jnp.pad(x, ((0, NP - N), (0, 0)))
    pad_idx = jnp.full((EP - E,), NP - 1, dtype=jnp.int32)
    srcp = jnp.concatenate([src, pad_idx]).reshape(NW, NCH, CH)
    dstp = jnp.concatenate([dst, pad_idx]).reshape(NW, NCH, CH)

    deg2 = _deg_kernel(dstp)
    deg0 = lax.slice(deg2[0], (0, 0), (NP, 1))
    deg1 = lax.slice(deg2[1], (0, 0), (NP, 1))

    dis, h1, hp1 = _mm0(deg0, deg1, xp, W1)

    acc = _agg_kernel(hp1, srcp, dstp)
    h2, hp2, s1 = _layer(acc, h1, dis, b1.reshape(1, D), W2)
    acc = _agg_kernel(hp2, srcp, dstp)
    h3, hp3, s2 = _layer(acc, h2, dis, b2.reshape(1, D), W3)
    acc = _agg_kernel(hp3, srcp, dstp)
    h4, hp4, s3 = _layer(acc, h3, dis, b3.reshape(1, D), W4)
    acc = _agg_kernel(hp4, srcp, dstp)
    s4 = _last(acc, h4, dis, b4.reshape(1, D))

    return jnp.concatenate([s1[0], s2[0], s3[0], s4[0]])

# --- scband reference (transcript-rebuilt; emitter-appended) ---
"""Pipeline reference for scband-sim-gcn-88064009437430 (READ-ONLY COPY).

The authoritative reference and input builder live on the scoring server;
editing this copy changes nothing except your own understanding.
"""

import jax, jax.numpy as jnp
import numpy as np

N = 10000
E = 320000
D = 128


def setup_inputs(seed: int = 0) -> dict:
    key = jax.random.key(seed)
    ks = jax.random.split(key, 10)
    inp = {}
    inp["x"] = jax.random.normal(ks[0], (N, D), dtype=jnp.float32)
    inp["edge_index"] = jax.random.randint(ks[1], (2, E), 0, N, dtype=jnp.int32)
    scale = 1.0 / np.sqrt(D)
    for i in range(4):
        inp[f"W{i+1}"] = jax.random.normal(ks[2 + i], (D, D), dtype=jnp.float32) * scale
        inp[f"b{i+1}"] = jnp.zeros((D,), dtype=jnp.float32)
    return inp


def gcn_conv(x, src, dst, W, b):
    # GCNConv: out = D^{-1/2} (A + I) D^{-1/2} X W + b
    n = x.shape[0]
    h = x @ W
    loop = jnp.arange(n, dtype=src.dtype)
    s = jnp.concatenate([src, loop])
    d = jnp.concatenate([dst, loop])
    deg = jnp.zeros((n,), dtype=h.dtype).at[d].add(1.0)
    deg_inv_sqrt = jnp.where(deg > 0, 1.0 / jnp.sqrt(deg), 0.0)
    norm = deg_inv_sqrt[s] * deg_inv_sqrt[d]
    msgs = h[s] * norm[:, None]
    out = jnp.zeros_like(h).at[d].add(msgs)
    return out + b


def reference(x, edge_index, W1, b1, W2, b2, W3, b3, W4, b4):
    src = edge_index[0]
    dst = edge_index[1]
    x1 = gcn_conv(x, src, dst, W1, b1)
    x2 = gcn_conv(x1, src, dst, W2, b2)
    x3 = gcn_conv(x2, src, dst, W3, b3)
    x4 = gcn_conv(x3, src, dst, W4, b4)
    x_all = jnp.concatenate([x1, x2, x3, x4], axis=1)
    return jnp.mean(x_all, axis=0)

if __name__ == "__main__":
    import jax
    _d = setup_inputs()
    print(jax.jit(kernel)(*tuple(_d.values())))

</pallas_src>

<mosaic_0001>
#map = affine_map<(d0, d1) -> (0, 0)>
#map1 = affine_map<(d0, d1) -> (0, 0, 0)>
module attributes {stable_mosaic.version = 14 : i64} {
  func.func @_agg_kernel(%arg0: i32, %arg1: i32, %arg2: memref<10240x128xf32, #tpu.memory_space<hbm>>, %arg3: memref<32x80x128xi32, #tpu.memory_space<hbm>>, %arg4: memref<32x80x128xi32, #tpu.memory_space<hbm>>, %arg5: memref<2x10240x128xf32, #tpu.memory_space<hbm>>, %arg6: memref<80x128xi32, #tpu.memory_space<vmem>>, %arg7: memref<80x128xi32, #tpu.memory_space<vmem>>, %arg8: memref<128x128xf32, #tpu.memory_space<vmem>>, %arg9: memref<10240x128xf32, #tpu.memory_space<vmem_shared>>) attributes {dimension_semantics = [#tpu.dimension_semantics<core_parallel>, #tpu.dimension_semantics<subcore_parallel>], iteration_bounds = array<i64: 2, 16>, scalar_prefetch = 0 : i64, scratch_operands = 4 : i64, tpu.core_type = #tpu.core_type<sc_vector_subcore>, window_params = [{transform_indices = #map}, {transform_indices = #map1}, {transform_indices = #map1}, {transform_indices = #map1}]} {
    %mul3A = arith.constant 16 : i32
    %mul3A_0 = arith.muli %arg0, %mul3A : i32
    %add3A = arith.addi %mul3A_0, %arg1 : i32
    %scan3A = arith.constant 0 : i32
    %scan3A_1 = arith.constant 0 : i32
    %scan3A_2 = arith.constant 128 : i32
    %scan3A_3 = arith.addi %scan3A_1, %scan3A_2 : i32
    %scan3A_4 = arith.constant 1 : i32
    scf.for %scan3A_23 = %scan3A_1 to %scan3A_3 step %scan3A_4  : i32 {
      %broadcast_in_dim3A = arith.constant 0.000000e+00 : f32
      %broadcast_in_dim3A_24 = vector.broadcast %broadcast_in_dim3A : f32 to vector<16xf32>
      %swap3A = arith.index_cast %scan3A_23 : i32 to index
      %swap3A_25 = arith.constant 0 : index
      %swap3A_26 = tpu.vector_load %arg8[%swap3A, %swap3A_25] {strides = array<i32>} : memref<128x128xf32, #tpu.memory_space<vmem>>, vector<1x16xf32>,
      %swap3A_27 = vector.shape_cast %swap3A_26 : vector<1x16xf32> to vector<16xf32>
      %swap3A_28 = vector.shape_cast %broadcast_in_dim3A_24 : vector<16xf32> to vector<1x16xf32>
      tpu.vector_store %arg8[%swap3A, %swap3A_25], %swap3A_28 {strides = array<i32>} : memref<128x128xf32, #tpu.memory_space<vmem>>, vector<1x16xf32>,
      %broadcast_in_dim3A_29 = arith.constant 0.000000e+00 : f32
      %broadcast_in_dim3A_30 = vector.broadcast %broadcast_in_dim3A_29 : f32 to vector<16xf32>
      %swap3A_31 = arith.index_cast %scan3A_23 : i32 to index
      %swap3A_32 = arith.constant 16 : index
      %swap3A_33 = tpu.vector_load %arg8[%swap3A_31, %swap3A_32] {strides = array<i32>} : memref<128x128xf32, #tpu.memory_space<vmem>>, vector<1x16xf32>,
      %swap3A_34 = vector.shape_cast %swap3A_33 : vector<1x16xf32> to vector<16xf32>
      %swap3A_35 = vector.shape_cast %broadcast_in_dim3A_30 : vector<16xf32> to vector<1x16xf32>
      tpu.vector_store %arg8[%swap3A_31, %swap3A_32], %swap3A_35 {strides = array<i32>} : memref<128x128xf32, #tpu.memory_space<vmem>>, vector<1x16xf32>,
      %broadcast_in_dim3A_36 = arith.constant 0.000000e+00 : f32
      %broadcast_in_dim3A_37 = vector.broadcast %broadcast_in_dim3A_36 : f32 to vector<16xf32>
      %swap3A_38 = arith.index_cast %scan3A_23 : i32 to index
      %swap3A_39 = arith.constant 32 : index
      %swap3A_40 = tpu.vector_load %arg8[%swap3A_38, %swap3A_39] {strides = array<i32>} : memref<128x128xf32, #tpu.memory_space<vmem>>, vector<1x16xf32>,
      %swap3A_41 = vector.shape_cast %swap3A_40 : vector<1x16xf32> to vector<16xf32>
      %swap3A_42 = vector.shape_cast %broadcast_in_dim3A_37 : vector<16xf32> to vector<1x16xf32>
      tpu.vector_store %arg8[%swap3A_38, %swap3A_39], %swap3A_42 {strides = array<i32>} : memref<128x128xf32, #tpu.memory_space<vmem>>, vector<1x16xf32>,
      %broadcast_in_dim3A_43 = arith.constant 0.000000e+00 : f32
      %broadcast_in_dim3A_44 = vector.broadcast %broadcast_in_dim3A_43 : f32 to vector<16xf32>
      %swap3A_45 = arith.index_cast %scan3A_23 : i32 to index
      %swap3A_46 = arith.constant 48 : index
      %swap3A_47 = tpu.vector_load %arg8[%swap3A_45, %swap3A_46] {strides = array<i32>} : memref<128x128xf32, #tpu.memory_space<vmem>>, vector<1x16xf32>,
      %swap3A_48 = vector.shape_cast %swap3A_47 : vector<1x16xf32> to vector<16xf32>
      %swap3A_49 = vector.shape_cast %broadcast_in_dim3A_44 : vector<16xf32> to vector<1x16xf32>
      tpu.vector_store %arg8[%swap3A_45, %swap3A_46], %swap3A_49 {strides = array<i32>} : memref<128x128xf32, #tpu.memory_space<vmem>>, vector<1x16xf32>,
      %broadcast_in_dim3A_50 = arith.constant 0.000000e+00 : f32
      %broadcast_in_dim3A_51 = vector.broadcast %broadcast_in_dim3A_50 : f32 to vector<16xf32>
      %swap3A_52 = arith.index_cast %scan3A_23 : i32 to index
      %swap3A_53 = arith.constant 64 : index
      %swap3A_54 = tpu.vector_load %arg8[%swap3A_52, %swap3A_53] {strides = array<i32>} : memref<128x128xf32, #tpu.memory_space<vmem>>, vector<1x16xf32>,
      %swap3A_55 = vector.shape_cast %swap3A_54 : vector<1x16xf32> to vector<16xf32>
      %swap3A_56 = vector.shape_cast %broadcast_in_dim3A_51 : vector<16xf32> to vector<1x16xf32>
      tpu.vector_store %arg8[%swap3A_52, %swap3A_53], %swap3A_56 {strides = array<i32>} : memref<128x128xf32, #tpu.memory_space<vmem>>, vector<1x16xf32>,
      %broadcast_in_dim3A_57 = arith.constant 0.000000e+00 : f32
      %broadcast_in_dim3A_58 = vector.broadcast %broadcast_in_dim3A_57 : f32 to vector<16xf32>
      %swap3A_59 = arith.index_cast %scan3A_23 : i32 to index
      %swap3A_60 = arith.constant 80 : index
      %swap3A_61 = tpu.vector_load %arg8[%swap3A_59, %swap3A_60] {strides = array<i32>} : memref<128x128xf32, #tpu.memory_space<vmem>>, vector<1x16xf32>,
      %swap3A_62 = vector.shape_cast %swap3A_61 : vector<1x16xf32> to vector<16xf32>
      %swap3A_63 = vector.shape_cast %broadcast_in_dim3A_58 : vector<16xf32> to vector<1x16xf32>
      tpu.vector_store %arg8[%swap3A_59, %swap3A_60], %swap3A_63 {strides = array<i32>} : memref<128x128xf32, #tpu.memory_space<vmem>>, vector<1x16xf32>,
      %broadcast_in_dim3A_64 = arith.constant 0.000000e+00 : f32
      %broadcast_in_dim3A_65 = vector.broadcast %broadcast_in_dim3A_64 : f32 to vector<16xf32>
      %swap3A_66 = arith.index_cast %scan3A_23 : i32 to index
      %swap3A_67 = arith.constant 96 : index
      %swap3A_68 = tpu.vector_load %arg8[%swap3A_66, %swap3A_67] {strides = array<i32>} : memref<128x128xf32, #tpu.memory_space<vmem>>, vector<1x16xf32>,
      %swap3A_69 = vector.shape_cast %swap3A_68 : vector<1x16xf32> to vector<16xf32>
      %swap3A_70 = vector.shape_cast %broadcast_in_dim3A_65 : vector<16xf32> to vector<1x16xf32>
      tpu.vector_store %arg8[%swap3A_66, %swap3A_67], %swap3A_70 {strides = array<i32>} : memref<128x128xf32, #tpu.memory_space<vmem>>, vector<1x16xf32>,
      %broadcast_in_dim3A_71 = arith.constant 0.000000e+00 : f32
      %broadcast_in_dim3A_72 = vector.broadcast %broadcast_in_dim3A_71 : f32 to vector<16xf32>
      %swap3A_73 = arith.index_cast %scan3A_23 : i32 to index
      %swap3A_74 = arith.constant 112 : index
      %swap3A_75 = tpu.vector_load %arg8[%swap3A_73, %swap3A_74] {strides = array<i32>} : memref<128x128xf32, #tpu.memory_space<vmem>>, vector<1x16xf32>,
      %swap3A_76 = vector.shape_cast %swap3A_75 : vector<1x16xf32> to vector<16xf32>
      %swap3A_77 = vector.shape_cast %broadcast_in_dim3A_72 : vector<16xf32> to vector<1x16xf32>
      tpu.vector_store %arg8[%swap3A_73, %swap3A_74], %swap3A_77 {strides = array<i32>} : memref<128x128xf32, #tpu.memory_space<vmem>>, vector<1x16xf32>,
    }
    %scan3A_5 = arith.constant 128 : i32
    %scan3A_6 = arith.constant 0 : i32
    %scan3A_7 = arith.constant 0 : i32
    %scan3A_8 = arith.constant 5 : i32
    %scan3A_9 = arith.addi %scan3A_7, %scan3A_8 : i32
    %scan3A_10 = arith.constant 1 : i32
    scf.for %scan3A_23 = %scan3A_7 to %scan3A_9 step %scan3A_10  : i32 {
      %mul3A_24 = arith.constant 640 : i32
      %mul3A_25 = arith.muli %arg1, %mul3A_24 : i32
      %mul3A_26 = arith.constant 128 : i32
      %mul3A_27 = arith.muli %scan3A_23, %mul3A_26 : i32
      %add3A_28 = arith.addi %mul3A_25, %mul3A_27 : i32
      "tpu.region"() ({
        %run_scoped3A = tpu.sem_alloc : memref<!tpu.dma_semaphore, #tpu.memory_space<semaphore_mem>>
        %dma_start3A = arith.constant 0 : i32
        %dma_start3A_29 = tpu.memref_slice %arg9[%add3A_28, %dma_start3A] : memref<10240x128xf32, #tpu.memory_space<vmem_shared>> -> memref<128x128xf32, #tpu.memory_space<vmem_shared>>
        %dma_start3A_30 = arith.constant 0 : i32
        %dma_start3A_31 = tpu.memref_slice %arg9[%add3A_28, %dma_start3A_30] : memref<10240x128xf32, #tpu.memory_space<vmem_shared>> -> memref<128x128xf32, #tpu.memory_space<vmem_shared>>
        tpu.enqueue_dma source(%arg8 : memref<128x128xf32, #tpu.memory_space<vmem>>) target(%dma_start3A_31 : memref<128x128xf32, #tpu.memory_space<vmem_shared>>) target_semaphore(%run_scoped3A : memref<!tpu.dma_semaphore, #tpu.memory_space<semaphore_mem>>)
        %dma_wait3A = arith.constant 0 : i32
        %dma_wait3A_32 = tpu.memref_slice %arg9[%add3A_28, %dma_wait3A] : memref<10240x128xf32, #tpu.memory_space<vmem_shared>> -> memref<128x128xf32, #tpu.memory_space<vmem_shared>>
        %dma_wait3A_33 = arith.constant 0 : i32
        %dma_wait3A_34 = tpu.memref_slice %arg9[%add3A_28, %dma_wait3A_33] : memref<10240x128xf32, #tpu.memory_space<vmem_shared>> -> memref<128x128xf32, #tpu.memory_space<vmem_shared>>
        tpu.wait_dma2 semaphore(%run_scoped3A : memref<!tpu.dma_semaphore, #tpu.memory_space<semaphore_mem>>) src(%arg8 : memref<128x128xf32, #tpu.memory_space<vmem>>) dst(%dma_wait3A_34 : memref<128x128xf32, #tpu.memory_space<vmem_shared>>)
        tpu.yield
      }) : () -> ()
    }
    %scan3A_11 = arith.constant 5 : i32
    "tpu.region"() ({
      %run_scoped3A = tpu.sem_alloc : memref<!tpu.dma_semaphore, #tpu.memory_space<semaphore_mem>>
      %dma_start3A = arith.constant 0 : i32
      %dma_start3A_23 = arith.constant 0 : i32
      %dma_start3A_24 = tpu.memref_slice %arg3[%add3A, %dma_start3A, %dma_start3A_23] : memref<32x80x128xi32, #tpu.memory_space<hbm>> -> memref<1x80x128xi32, #tpu.memory_space<hbm>>
      %dma_start3A_25 = tpu.memref_squeeze %dma_start3A_24 : memref<1x80x128xi32, #tpu.memory_space<hbm>> -> memref<80x128xi32, #tpu.memory_space<hbm>>
      %dma_start3A_26 = arith.constant 0 : i32
      %dma_start3A_27 = arith.constant 0 : i32
      %dma_start3A_28 = tpu.memref_slice %arg3[%add3A, %dma_start3A_26, %dma_start3A_27] : memref<32x80x128xi32, #tpu.memory_space<hbm>> -> memref<1x80x128xi32, #tpu.memory_space<hbm>>
      %dma_start3A_29 = tpu.memref_squeeze %dma_start3A_28 : memref<1x80x128xi32, #tpu.memory_space<hbm>> -> memref<80x128xi32, #tpu.memory_space<hbm>>
      tpu.enqueue_dma source(%dma_start3A_29 : memref<80x128xi32, #tpu.memory_space<hbm>>) target(%arg6 : memref<80x128xi32, #tpu.memory_space<vmem>>) target_semaphore(%run_scoped3A : memref<!tpu.dma_semaphore, #tpu.memory_space<semaphore_mem>>)
      %dma_wait3A = arith.constant 0 : i32
      %dma_wait3A_30 = arith.constant 0 : i32
      %dma_wait3A_31 = tpu.memref_slice %arg3[%add3A, %dma_wait3A, %dma_wait3A_30] : memref<32x80x128xi32, #tpu.memory_space<hbm>> -> memref<1x80x128xi32, #tpu.memory_space<hbm>>
      %dma_wait3A_32 = tpu.memref_squeeze %dma_wait3A_31 : memref<1x80x128xi32, #tpu.memory_space<hbm>> -> memref<80x128xi32, #tpu.memory_space<hbm>>
      %dma_wait3A_33 = arith.constant 0 : i32
      %dma_wait3A_34 = arith.constant 0 : i32
      %dma_wait3A_35 = tpu.memref_slice %arg3[%add3A, %dma_wait3A_33, %dma_wait3A_34] : memref<32x80x128xi32, #tpu.memory_space<hbm>> -> memref<1x80x128xi32, #tpu.memory_space<hbm>>
      %dma_wait3A_36 = tpu.memref_squeeze %dma_wait3A_35 : memref<1x80x128xi32, #tpu.memory_space<hbm>> -> memref<80x128xi32, #tpu.memory_space<hbm>>
      tpu.wait_dma2 semaphore(%run_scoped3A : memref<!tpu.dma_semaphore, #tpu.memory_space<semaphore_mem>>) src(%dma_wait3A_36 : memref<80x128xi32, #tpu.memory_space<hbm>>) dst(%arg6 : memref<80x128xi32, #tpu.memory_space<vmem>>)
      tpu.yield
    }) : () -> ()
    "tpu.region"() ({
      %run_scoped3A = tpu.sem_alloc : memref<!tpu.dma_semaphore, #tpu.memory_space<semaphore_mem>>
      %dma_start3A = arith.constant 0 : i32
      %dma_start3A_23 = arith.constant 0 : i32
      %dma_start3A_24 = tpu.memref_slice %arg4[%add3A, %dma_start3A, %dma_start3A_23] : memref<32x80x128xi32, #tpu.memory_space<hbm>> -> memref<1x80x128xi32, #tpu.memory_space<hbm>>
      %dma_start3A_25 = tpu.memref_squeeze %dma_start3A_24 : memref<1x80x128xi32, #tpu.memory_space<hbm>> -> memref<80x128xi32, #tpu.memory_space<hbm>>
      %dma_start3A_26 = arith.constant 0 : i32
      %dma_start3A_27 = arith.constant 0 : i32
      %dma_start3A_28 = tpu.memref_slice %arg4[%add3A, %dma_start3A_26, %dma_start3A_27] : memref<32x80x128xi32, #tpu.memory_space<hbm>> -> memref<1x80x128xi32, #tpu.memory_space<hbm>>
      %dma_start3A_29 = tpu.memref_squeeze %dma_start3A_28 : memref<1x80x128xi32, #tpu.memory_space<hbm>> -> memref<80x128xi32, #tpu.memory_space<hbm>>
      tpu.enqueue_dma source(%dma_start3A_29 : memref<80x128xi32, #tpu.memory_space<hbm>>) target(%arg7 : memref<80x128xi32, #tpu.memory_space<vmem>>) target_semaphore(%run_scoped3A : memref<!tpu.dma_semaphore, #tpu.memory_space<semaphore_mem>>)
      %dma_wait3A = arith.constant 0 : i32
      %dma_wait3A_30 = arith.constant 0 : i32
      %dma_wait3A_31 = tpu.memref_slice %arg4[%add3A, %dma_wait3A, %dma_wait3A_30] : memref<32x80x128xi32, #tpu.memory_space<hbm>> -> memref<1x80x128xi32, #tpu.memory_space<hbm>>
      %dma_wait3A_32 = tpu.memref_squeeze %dma_wait3A_31 : memref<1x80x128xi32, #tpu.memory_space<hbm>> -> memref<80x128xi32, #tpu.memory_space<hbm>>
      %dma_wait3A_33 = arith.constant 0 : i32
      %dma_wait3A_34 = arith.constant 0 : i32
      %dma_wait3A_35 = tpu.memref_slice %arg4[%add3A, %dma_wait3A_33, %dma_wait3A_34] : memref<32x80x128xi32, #tpu.memory_space<hbm>> -> memref<1x80x128xi32, #tpu.memory_space<hbm>>
      %dma_wait3A_36 = tpu.memref_squeeze %dma_wait3A_35 : memref<1x80x128xi32, #tpu.memory_space<hbm>> -> memref<80x128xi32, #tpu.memory_space<hbm>>
      tpu.wait_dma2 semaphore(%run_scoped3A : memref<!tpu.dma_semaphore, #tpu.memory_space<semaphore_mem>>) src(%dma_wait3A_36 : memref<80x128xi32, #tpu.memory_space<hbm>>) dst(%arg7 : memref<80x128xi32, #tpu.memory_space<vmem>>)
      tpu.yield
    }) : () -> ()
    %barrier3A = arith.constant 0 : index
    tpu.barrier barrier_id(%barrier3A)
    %scan3A_12 = arith.constant 0 : i32
    %scan3A_13 = arith.constant 0 : i32
    %scan3A_14 = arith.constant 80 : i32
    %scan3A_15 = arith.addi %scan3A_13, %scan3A_14 : i32
    %scan3A_16 = arith.constant 1 : i32
    scf.for %scan3A_23 = %scan3A_13 to %scan3A_15 step %scan3A_16  : i32 {
      "tpu.region"() ({
        %run_scoped3A = tpu.sem_alloc : memref<!tpu.dma_semaphore, #tpu.memory_space<semaphore_mem>>
        %dma_start3A = arith.constant 0 : i32
        %dma_start3A_24 = tpu.memref_slice %arg6[%scan3A_23, %dma_start3A] : memref<80x128xi32, #tpu.memory_space<vmem>> -> memref<1x128xi32, #tpu.memory_space<vmem>>
        %dma_start3A_25 = tpu.memref_squeeze %dma_start3A_24 : memref<1x128xi32, #tpu.memory_space<vmem>> -> memref<128xi32, #tpu.memory_space<vmem>>
        %dma_start3A_26 = arith.constant 0 : i32
        %dma_start3A_27 = arith.constant 0 : i32
        %dma_start3A_28 = tpu.memref_slice %arg2[%dma_start3A_26, %dma_start3A_27] : memref<10240x128xf32, #tpu.memory_space<hbm>> -> memref<10240x128xf32, #tpu.memory_space<hbm>>
        tpu.enqueue_indirect_dma source(%dma_start3A_28 : memref<10240x128xf32, #tpu.memory_space<hbm>>) target(%arg8 : memref<128x128xf32, #tpu.memory_space<vmem>>) offsets(%dma_start3A_25 : memref<128xi32, #tpu.memory_space<vmem>>) semaphore(%run_scoped3A : memref<!tpu.dma_semaphore, #tpu.memory_space<semaphore_mem>>)
        %dma_wait3A = arith.constant 0 : i32
        %dma_wait3A_29 = tpu.memref_slice %arg6[%scan3A_23, %dma_wait3A] : memref<80x128xi32, #tpu.memory_space<vmem>> -> memref<1x128xi32, #tpu.memory_space<vmem>>
        %dma_wait3A_30 = tpu.memref_squeeze %dma_wait3A_29 : memref<1x128xi32, #tpu.memory_space<vmem>> -> memref<128xi32, #tpu.memory_space<vmem>>
        %dma_wait3A_31 = arith.constant 0 : i32
        %dma_wait3A_32 = arith.constant 0 : i32
        %dma_wait3A_33 = tpu.memref_slice %arg2[%dma_wait3A_31, %dma_wait3A_32] : memref<10240x128xf32, #tpu.memory_space<hbm>> -> memref<10240x128xf32, #tpu.memory_space<hbm>>
        tpu.wait_indirect_dma semaphore(%run_scoped3A : memref<!tpu.dma_semaphore, #tpu.memory_space<semaphore_mem>>) src(%dma_wait3A_33 : memref<10240x128xf32, #tpu.memory_space<hbm>>) dst(%arg8 : memref<128x128xf32, #tpu.memory_space<vmem>>)
        tpu.yield
      }) : () -> ()
      "tpu.region"() ({
        %run_scoped3A = tpu.sem_alloc : memref<!tpu.dma_semaphore, #tpu.memory_space<semaphore_mem>>
        %dma_start3A = arith.constant 0 : i32
        %dma_start3A_24 = tpu.memref_slice %arg7[%scan3A_23, %dma_start3A] : memref<80x128xi32, #tpu.memory_space<vmem>> -> memref<1x128xi32, #tpu.memory_space<vmem>>
        %dma_start3A_25 = tpu.memref_squeeze %dma_start3A_24 : memref<1x128xi32, #tpu.memory_space<vmem>> -> memref<128xi32, #tpu.memory_space<vmem>>
        %dma_start3A_26 = arith.constant 0 : i32
        %dma_start3A_27 = arith.constant 0 : i32
        %dma_start3A_28 = tpu.memref_slice %arg9[%dma_start3A_26, %dma_start3A_27] : memref<10240x128xf32, #tpu.memory_space<vmem_shared>> -> memref<10240x128xf32, #tpu.memory_space<vmem_shared>>
        tpu.enqueue_indirect_dma source(%arg8 : memref<128x128xf32, #tpu.memory_space<vmem>>) target(%dma_start3A_28 : memref<10240x128xf32, #tpu.memory_space<vmem_shared>>) offsets(%dma_start3A_25 : memref<128xi32, #tpu.memory_space<vmem>>) semaphore(%run_scoped3A : memref<!tpu.dma_semaphore, #tpu.memory_space<semaphore_mem>>) {add = true}
        %dma_wait3A = arith.constant 0 : i32
        %dma_wait3A_29 = tpu.memref_slice %arg7[%scan3A_23, %dma_wait3A] : memref<80x128xi32, #tpu.memory_space<vmem>> -> memref<1x128xi32, #tpu.memory_space<vmem>>
        %dma_wait3A_30 = tpu.memref_squeeze %dma_wait3A_29 : memref<1x128xi32, #tpu.memory_space<vmem>> -> memref<128xi32, #tpu.memory_space<vmem>>
        %dma_wait3A_31 = arith.constant 0 : i32
        %dma_wait3A_32 = arith.constant 0 : i32
        %dma_wait3A_33 = tpu.memref_slice %arg9[%dma_wait3A_31, %dma_wait3A_32] : memref<10240x128xf32, #tpu.memory_space<vmem_shared>> -> memref<10240x128xf32, #tpu.memory_space<vmem_shared>>
        tpu.wait_indirect_dma semaphore(%run_scoped3A : memref<!tpu.dma_semaphore, #tpu.memory_space<semaphore_mem>>) src(%arg8 : memref<128x128xf32, #tpu.memory_space<vmem>>) dst(%dma_wait3A_33 : memref<10240x128xf32, #tpu.memory_space<vmem_shared>>)
        tpu.yield
      }) : () -> ()
    }
    %scan3A_17 = arith.constant 80 : i32
    %barrier3A_18 = arith.constant 0 : index
    tpu.barrier barrier_id(%barrier3A_18)
    %mul3A_19 = arith.constant 640 : i32
    %mul3A_20 = arith.muli %arg1, %mul3A_19 : i32
    %mul3A_21 = arith.constant 640 : i32
    %mul3A_22 = arith.muli %arg1, %mul3A_21 : i32
    "tpu.region"() ({
      %run_scoped3A = tpu.sem_alloc : memref<!tpu.dma_semaphore, #tpu.memory_space<semaphore_mem>>
      %dma_start3A = arith.constant 0 : i32
      %dma_start3A_23 = tpu.memref_slice %arg5[%arg0, %mul3A_22, %dma_start3A] : memref<2x10240x128xf32, #tpu.memory_space<hbm>> -> memref<1x640x128xf32, #tpu.memory_space<hbm>>
      %dma_start3A_24 = tpu.memref_squeeze %dma_start3A_23 : memref<1x640x128xf32, #tpu.memory_space<hbm>> -> memref<640x128xf32, #tpu.memory_space<hbm>>
      %dma_start3A_25 = arith.constant 0 : i32
      %dma_start3A_26 = tpu.memref_slice %arg9[%mul3A_20, %dma_start3A_25] : memref<10240x128xf32, #tpu.memory_space<vmem_shared>> -> memref<640x128xf32, #tpu.memory_space<vmem_shared>>
      tpu.enqueue_dma source(%dma_start3A_26 : memref<640x128xf32, #tpu.memory_space<vmem_shared>>) target(%dma_start3A_24 : memref<640x128xf32, #tpu.memory_space<hbm>>) target_semaphore(%run_scoped3A : memref<!tpu.dma_semaphore, #tpu.memory_space<semaphore_mem>>)
      %dma_wait3A = arith.constant 0 : i32
      %dma_wait3A_27 = tpu.memref_slice %arg5[%arg0, %mul3A_22, %dma_wait3A] : memref<2x10240x128xf32, #tpu.memory_space<hbm>> -> memref<1x640x128xf32, #tpu.memory_space<hbm>>
      %dma_wait3A_28 = tpu.memref_squeeze %dma_wait3A_27 : memref<1x640x128xf32, #tpu.memory_space<hbm>> -> memref<640x128xf32, #tpu.memory_space<hbm>>
      %dma_wait3A_29 = arith.constant 0 : i32
      %dma_wait3A_30 = tpu.memref_slice %arg9[%mul3A_20, %dma_wait3A_29] : memref<10240x128xf32, #tpu.memory_space<vmem_shared>> -> memref<640x128xf32, #tpu.memory_space<vmem_shared>>
      tpu.wait_dma2 semaphore(%run_scoped3A : memref<!tpu.dma_semaphore, #tpu.memory_space<semaphore_mem>>) src(%dma_wait3A_30 : memref<640x128xf32, #tpu.memory_space<vmem_shared>>) dst(%dma_wait3A_28 : memref<640x128xf32, #tpu.memory_space<hbm>>)
      tpu.yield
    }) : () -> ()
    return
  }
}

#map = affine_map<(d0, d1) -> (0, 0)>
#map1 = affine_map<(d0, d1) -> (0, 0, 0)>
module attributes {stable_mosaic.version = 14 : i64} {
  func.func @_agg_kernel(%arg0: i32, %arg1: i32, %arg2: memref<10240x128xf32, #tpu.memory_space<hbm>>, %arg3: memref<32x80x128xi32, #tpu.memory_space<hbm>>, %arg4: memref<32x80x128xi32, #tpu.memory_space<hbm>>, %arg5: memref<2x10240x128xf32, #tpu.memory_space<hbm>>, %arg6: memref<80x128xi32, #tpu.memory_space<vmem>>, %arg7: memref<80x128xi32, #tpu.memory_space<vmem>>, %arg8: memref<128x128xf32, #tpu.memory_space<vmem>>, %arg9: memref<10240x128xf32, #tpu.memory_space<vmem_shared>>) attributes {dimension_semantics = [#tpu.dimension_semantics<core_parallel>, #tpu.dimension_semantics<subcore_parallel>], iteration_bounds = array<i64: 2, 16>, scalar_prefetch = 0 : i64, scratch_operands = 4 : i64, tpu.core_type = #tpu.core_type<sc_vector_subcore>, window_params = [{transform_indices = #map}, {transform_indices = #map1}, {transform_indices = #map1}, {transform_indices = #map1}]} {
    %mul3A = arith.constant 16 : i32
    %mul3A_0 = arith.muli %arg0, %mul3A : i32
    %add3A = arith.addi %mul3A_0, %arg1 : i32
    %scan3A = arith.constant 0 : i32
    %scan3A_1 = arith.constant 0 : i32
    %scan3A_2 = arith.constant 128 : i32
    %scan3A_3 = arith.addi %scan3A_1, %scan3A_2 : i32
    %scan3A_4 = arith.constant 1 : i32
    scf.for %scan3A_23 = %scan3A_1 to %scan3A_3 step %scan3A_4  : i32 {
      %broadcast_in_dim3A = arith.constant 0.000000e+00 : f32
      %broadcast_in_dim3A_24 = vector.broadcast %broadcast_in_dim3A : f32 to vector<16xf32>
      %swap3A = arith.index_cast %scan3A_23 : i32 to index
      %swap3A_25 = arith.constant 0 : index
      %swap3A_26 = tpu.vector_load %arg8[%swap3A, %swap3A_25] {strides = array<i32>} : memref<128x128xf32, #tpu.memory_space<vmem>>, vector<1x16xf32>,
      %swap3A_27 = vector.shape_cast %swap3A_26 : vector<1x16xf32> to vector<16xf32>
      %swap3A_28 = vector.shape_cast %broadcast_in_dim3A_24 : vector<16xf32> to vector<1x16xf32>
      tpu.vector_store %arg8[%swap3A, %swap3A_25], %swap3A_28 {strides = array<i32>} : memref<128x128xf32, #tpu.memory_space<vmem>>, vector<1x16xf32>,
      %broadcast_in_dim3A_29 = arith.constant 0.000000e+00 : f32
      %broadcast_in_dim3A_30 = vector.broadcast %broadcast_in_dim3A_29 : f32 to vector<16xf32>
      %swap3A_31 = arith.index_cast %scan3A_23 : i32 to index
      %swap3A_32 = arith.constant 16 : index
      %swap3A_33 = tpu.vector_load %arg8[%swap3A_31, %swap3A_32] {strides = array<i32>} : memref<128x128xf32, #tpu.memory_space<vmem>>, vector<1x16xf32>,
      %swap3A_34 = vector.shape_cast %swap3A_33 : vector<1x16xf32> to vector<16xf32>
      %swap3A_35 = vector.shape_cast %broadcast_in_dim3A_30 : vector<16xf32> to vector<1x16xf32>
      tpu.vector_store %arg8[%swap3A_31, %swap3A_32], %swap3A_35 {strides = array<i32>} : memref<128x128xf32, #tpu.memory_space<vmem>>, vector<1x16xf32>,
      %broadcast_in_dim3A_36 = arith.constant 0.000000e+00 : f32
      %broadcast_in_dim3A_37 = vector.broadcast %broadcast_in_dim3A_36 : f32 to vector<16xf32>
      %swap3A_38 = arith.index_cast %scan3A_23 : i32 to index
      %swap3A_39 = arith.constant 32 : index
      %swap3A_40 = tpu.vector_load %arg8[%swap3A_38, %swap3A_39] {strides = array<i32>} : memref<128x128xf32, #tpu.memory_space<vmem>>, vector<1x16xf32>,
      %swap3A_41 = vector.shape_cast %swap3A_40 : vector<1x16xf32> to vector<16xf32>
      %swap3A_42 = vector.shape_cast %broadcast_in_dim3A_37 : vector<16xf32> to vector<1x16xf32>
      tpu.vector_store %arg8[%swap3A_38, %swap3A_39], %swap3A_42 {strides = array<i32>} : memref<128x128xf32, #tpu.memory_space<vmem>>, vector<1x16xf32>,
      %broadcast_in_dim3A_43 = arith.constant 0.000000e+00 : f32
      %broadcast_in_dim3A_44 = vector.broadcast %broadcast_in_dim3A_43 : f32 to vector<16xf32>
      %swap3A_45 = arith.index_cast %scan3A_23 : i32 to index
      %swap3A_46 = arith.constant 48 : index
      %swap3A_47 = tpu.vector_load %arg8[%swap3A_45, %swap3A_46] {strides = array<i32>} : memref<128x128xf32, #tpu.memory_space<vmem>>, vector<1x16xf32>,
      %swap3A_48 = vector.shape_cast %swap3A_47 : vector<1x16xf32> to vector<16xf32>
      %swap3A_49 = vector.shape_cast %broadcast_in_dim3A_44 : vector<16xf32> to vector<1x16xf32>
      tpu.vector_store %arg8[%swap3A_45, %swap3A_46], %swap3A_49 {strides = array<i32>} : memref<128x128xf32, #tpu.memory_space<vmem>>, vector<1x16xf32>,
      %broadcast_in_dim3A_50 = arith.constant 0.000000e+00 : f32
      %broadcast_in_dim3A_51 = vector.broadcast %broadcast_in_dim3A_50 : f32 to vector<16xf32>
      %swap3A_52 = arith.index_cast %scan3A_23 : i32 to index
      %swap3A_53 = arith.constant 64 : index
      %swap3A_54 = tpu.vector_load %arg8[%swap3A_52, %swap3A_53] {strides = array<i32>} : memref<128x128xf32, #tpu.memory_space<vmem>>, vector<1x16xf32>,
      %swap3A_55 = vector.shape_cast %swap3A_54 : vector<1x16xf32> to vector<16xf32>
      %swap3A_56 = vector.shape_cast %broadcast_in_dim3A_51 : vector<16xf32> to vector<1x16xf32>
      tpu.vector_store %arg8[%swap3A_52, %swap3A_53], %swap3A_56 {strides = array<i32>} : memref<128x128xf32, #tpu.memory_space<vmem>>, vector<1x16xf32>,
      %broadcast_in_dim3A_57 = arith.constant 0.000000e+00 : f32
      %broadcast_in_dim3A_58 = vector.broadcast %broadcast_in_dim3A_57 : f32 to vector<16xf32>
      %swap3A_59 = arith.index_cast %scan3A_23 : i32 to index
      %swap3A_60 = arith.constant 80 : index
      %swap3A_61 = tpu.vector_load %arg8[%swap3A_59, %swap3A_60] {strides = array<i32>} : memref<128x128xf32, #tpu.memory_space<vmem>>, vector<1x16xf32>,
      %swap3A_62 = vector.shape_cast %swap3A_61 : vector<1x16xf32> to vector<16xf32>
      %swap3A_63 = vector.shape_cast %broadcast_in_dim3A_58 : vector<16xf32> to vector<1x16xf32>
      tpu.vector_store %arg8[%swap3A_59, %swap3A_60], %swap3A_63 {strides = array<i32>} : memref<128x128xf32, #tpu.memory_space<vmem>>, vector<1x16xf32>,
      %broadcast_in_dim3A_64 = arith.constant 0.000000e+00 : f32
      %broadcast_in_dim3A_65 = vector.broadcast %broadcast_in_dim3A_64 : f32 to vector<16xf32>
      %swap3A_66 = arith.index_cast %scan3A_23 : i32 to index
      %swap3A_67 = arith.constant 96 : index
      %swap3A_68 = tpu.vector_load %arg8[%swap3A_66, %swap3A_67] {strides = array<i32>} : memref<128x128xf32, #tpu.memory_space<vmem>>, vector<1x16xf32>,
      %swap3A_69 = vector.shape_cast %swap3A_68 : vector<1x16xf32> to vector<16xf32>
      %swap3A_70 = vector.shape_cast %broadcast_in_dim3A_65 : vector<16xf32> to vector<1x16xf32>
      tpu.vector_store %arg8[%swap3A_66, %swap3A_67], %swap3A_70 {strides = array<i32>} : memref<128x128xf32, #tpu.memory_space<vmem>>, vector<1x16xf32>,
      %broadcast_in_dim3A_71 = arith.constant 0.000000e+00 : f32
      %broadcast_in_dim3A_72 = vector.broadcast %broadcast_in_dim3A_71 : f32 to vector<16xf32>
      %swap3A_73 = arith.index_cast %scan3A_23 : i32 to index
      %swap3A_74 = arith.constant 112 : index
      %swap3A_75 = tpu.vector_load %arg8[%swap3A_73, %swap3A_74] {strides = array<i32>} : memref<128x128xf32, #tpu.memory_space<vmem>>, vector<1x16xf32>,
      %swap3A_76 = vector.shape_cast %swap3A_75 : vector<1x16xf32> to vector<16xf32>
      %swap3A_77 = vector.shape_cast %broadcast_in_dim3A_72 : vector<16xf32> to vector<1x16xf32>
      tpu.vector_store %arg8[%swap3A_73, %swap3A_74], %swap3A_77 {strides = array<i32>} : memref<128x128xf32, #tpu.memory_space<vmem>>, vector<1x16xf32>,
    }
    %scan3A_5 = arith.constant 128 : i32
    %scan3A_6 = arith.constant 0 : i32
    %scan3A_7 = arith.constant 0 : i32
    %scan3A_8 = arith.constant 5 : i32
    %scan3A_9 = arith.addi %scan3A_7, %scan3A_8 : i32
    %scan3A_10 = arith.constant 1 : i32
    scf.for %scan3A_23 = %scan3A_7 to %scan3A_9 step %scan3A_10  : i32 {
      %mul3A_24 = arith.constant 640 : i32
      %mul3A_25 = arith.muli %arg1, %mul3A_24 : i32
      %mul3A_26 = arith.constant 128 : i32
      %mul3A_27 = arith.muli %scan3A_23, %mul3A_26 : i32
      %add3A_28 = arith.addi %mul3A_25, %mul3A_27 : i32
      "tpu.region"() ({
        %run_scoped3A = tpu.sem_alloc : memref<!tpu.dma_semaphore, #tpu.memory_space<semaphore_mem>>
        %dma_start3A = arith.constant 0 : i32
        %dma_start3A_29 = tpu.memref_slice %arg9[%add3A_28, %dma_start3A] : memref<10240x128xf32, #tpu.memory_space<vmem_shared>> -> memref<128x128xf32, #tpu.memory_space<vmem_shared>>
        %dma_start3A_30 = arith.constant 0 : i32
        %dma_start3A_31 = tpu.memref_slice %arg9[%add3A_28, %dma_start3A_30] : memref<10240x128xf32, #tpu.memory_space<vmem_shared>> -> memref<128x128xf32, #tpu.memory_space<vmem_shared>>
        tpu.enqueue_dma source(%arg8 : memref<128x128xf32, #tpu.memory_space<vmem>>) target(%dma_start3A_31 : memref<128x128xf32, #tpu.memory_space<vmem_shared>>) target_semaphore(%run_scoped3A : memref<!tpu.dma_semaphore, #tpu.memory_space<semaphore_mem>>)
        %dma_wait3A = arith.constant 0 : i32
        %dma_wait3A_32 = tpu.memref_slice %arg9[%add3A_28, %dma_wait3A] : memref<10240x128xf32, #tpu.memory_space<vmem_shared>> -> memref<128x128xf32, #tpu.memory_space<vmem_shared>>
        %dma_wait3A_33 = arith.constant 0 : i32
        %dma_wait3A_34 = tpu.memref_slice %arg9[%add3A_28, %dma_wait3A_33] : memref<10240x128xf32, #tpu.memory_space<vmem_shared>> -> memref<128x128xf32, #tpu.memory_space<vmem_shared>>
        tpu.wait_dma2 semaphore(%run_scoped3A : memref<!tpu.dma_semaphore, #tpu.memory_space<semaphore_mem>>) src(%arg8 : memref<128x128xf32, #tpu.memory_space<vmem>>) dst(%dma_wait3A_34 : memref<128x128xf32, #tpu.memory_space<vmem_shared>>)
        tpu.yield
      }) : () -> ()
    }
    %scan3A_11 = arith.constant 5 : i32
    "tpu.region"() ({
      %run_scoped3A = tpu.sem_alloc : memref<!tpu.dma_semaphore, #tpu.memory_space<semaphore_mem>>
      %dma_start3A = arith.constant 0 : i32
      %dma_start3A_23 = arith.constant 0 : i32
      %dma_start3A_24 = tpu.memref_slice %arg3[%add3A, %dma_start3A, %dma_start3A_23] : memref<32x80x128xi32, #tpu.memory_space<hbm>> -> memref<1x80x128xi32, #tpu.memory_space<hbm>>
      %dma_start3A_25 = tpu.memref_squeeze %dma_start3A_24 : memref<1x80x128xi32, #tpu.memory_space<hbm>> -> memref<80x128xi32, #tpu.memory_space<hbm>>
      %dma_start3A_26 = arith.constant 0 : i32
      %dma_start3A_27 = arith.constant 0 : i32
      %dma_start3A_28 = tpu.memref_slice %arg3[%add3A, %dma_start3A_26, %dma_start3A_27] : memref<32x80x128xi32, #tpu.memory_space<hbm>> -> memref<1x80x128xi32, #tpu.memory_space<hbm>>
      %dma_start3A_29 = tpu.memref_squeeze %dma_start3A_28 : memref<1x80x128xi32, #tpu.memory_space<hbm>> -> memref<80x128xi32, #tpu.memory_space<hbm>>
      tpu.enqueue_dma source(%dma_start3A_29 : memref<80x128xi32, #tpu.memory_space<hbm>>) target(%arg6 : memref<80x128xi32, #tpu.memory_space<vmem>>) target_semaphore(%run_scoped3A : memref<!tpu.dma_semaphore, #tpu.memory_space<semaphore_mem>>)
      %dma_wait3A = arith.constant 0 : i32
      %dma_wait3A_30 = arith.constant 0 : i32
      %dma_wait3A_31 = tpu.memref_slice %arg3[%add3A, %dma_wait3A, %dma_wait3A_30] : memref<32x80x128xi32, #tpu.memory_space<hbm>> -> memref<1x80x128xi32, #tpu.memory_space<hbm>>
      %dma_wait3A_32 = tpu.memref_squeeze %dma_wait3A_31 : memref<1x80x128xi32, #tpu.memory_space<hbm>> -> memref<80x128xi32, #tpu.memory_space<hbm>>
      %dma_wait3A_33 = arith.constant 0 : i32
      %dma_wait3A_34 = arith.constant 0 : i32
      %dma_wait3A_35 = tpu.memref_slice %arg3[%add3A, %dma_wait3A_33, %dma_wait3A_34] : memref<32x80x128xi32, #tpu.memory_space<hbm>> -> memref<1x80x128xi32, #tpu.memory_space<hbm>>
      %dma_wait3A_36 = tpu.memref_squeeze %dma_wait3A_35 : memref<1x80x128xi32, #tpu.memory_space<hbm>> -> memref<80x128xi32, #tpu.memory_space<hbm>>
      tpu.wait_dma2 semaphore(%run_scoped3A : memref<!tpu.dma_semaphore, #tpu.memory_space<semaphore_mem>>) src(%dma_wait3A_36 : memref<80x128xi32, #tpu.memory_space<hbm>>) dst(%arg6 : memref<80x128xi32, #tpu.memory_space<vmem>>)
      tpu.yield
    }) : () -> ()
    "tpu.region"() ({
      %run_scoped3A = tpu.sem_alloc : memref<!tpu.dma_semaphore, #tpu.memory_space<semaphore_mem>>
      %dma_start3A = arith.constant 0 : i32
      %dma_start3A_23 = arith.constant 0 : i32
      %dma_start3A_24 = tpu.memref_slice %arg4[%add3A, %dma_start3A, %dma_start3A_23] : memref<32x80x128xi32, #tpu.memory_space<hbm>> -> memref<1x80x128xi32, #tpu.memory_space<hbm>>
      %dma_start3A_25 = tpu.memref_squeeze %dma_start3A_24 : memref<1x80x128xi32, #tpu.memory_space<hbm>> -> memref<80x128xi32, #tpu.memory_space<hbm>>
      %dma_start3A_26 = arith.constant 0 : i32
      %dma_start3A_27 = arith.constant 0 : i32
      %dma_start3A_28 = tpu.memref_slice %arg4[%add3A, %dma_start3A_26, %dma_start3A_27] : memref<32x80x128xi32, #tpu.memory_space<hbm>> -> memref<1x80x128xi32, #tpu.memory_space<hbm>>
      %dma_start3A_29 = tpu.memref_squeeze %dma_start3A_28 : memref<1x80x128xi32, #tpu.memory_space<hbm>> -> memref<80x128xi32, #tpu.memory_space<hbm>>
      tpu.enqueue_dma source(%dma_start3A_29 : memref<80x128xi32, #tpu.memory_space<hbm>>) target(%arg7 : memref<80x128xi32, #tpu.memory_space<vmem>>) target_semaphore(%run_scoped3A : memref<!tpu.dma_semaphore, #tpu.memory_space<semaphore_mem>>)
      %dma_wait3A = arith.constant 0 : i32
      %dma_wait3A_30 = arith.constant 0 : i32
      %dma_wait3A_31 = tpu.memref_slice %arg4[%add3A, %dma_wait3A, %dma_wait3A_30] : memref<32x80x128xi32, #tpu.memory_space<hbm>> -> memref<1x80x128xi32, #tpu.memory_space<hbm>>
      %dma_wait3A_32 = tpu.memref_squeeze %dma_wait3A_31 : memref<1x80x128xi32, #tpu.memory_space<hbm>> -> memref<80x128xi32, #tpu.memory_space<hbm>>
      %dma_wait3A_33 = arith.constant 0 : i32
      %dma_wait3A_34 = arith.constant 0 : i32
      %dma_wait3A_35 = tpu.memref_slice %arg4[%add3A, %dma_wait3A_33, %dma_wait3A_34] : memref<32x80x128xi32, #tpu.memory_space<hbm>> -> memref<1x80x128xi32, #tpu.memory_space<hbm>>
      %dma_wait3A_36 = tpu.memref_squeeze %dma_wait3A_35 : memref<1x80x128xi32, #tpu.memory_space<hbm>> -> memref<80x128xi32, #tpu.memory_space<hbm>>
      tpu.wait_dma2 semaphore(%run_scoped3A : memref<!tpu.dma_semaphore, #tpu.memory_space<semaphore_mem>>) src(%dma_wait3A_36 : memref<80x128xi32, #tpu.memory_space<hbm>>) dst(%arg7 : memref<80x128xi32, #tpu.memory_space<vmem>>)
      tpu.yield
    }) : () -> ()
    %barrier3A = arith.constant 0 : index
    tpu.barrier barrier_id(%barrier3A)
    %scan3A_12 = arith.constant 0 : i32
    %scan3A_13 = arith.constant 0 : i32
    %scan3A_14 = arith.constant 80 : i32
    %scan3A_15 = arith.addi %scan3A_13, %scan3A_14 : i32
    %scan3A_16 = arith.constant 1 : i32
    scf.for %scan3A_23 = %scan3A_13 to %scan3A_15 step %scan3A_16  : i32 {
      "tpu.region"() ({
        %run_scoped3A = tpu.sem_alloc : memref<!tpu.dma_semaphore, #tpu.memory_space<semaphore_mem>>
        %dma_start3A = arith.constant 0 : i32
        %dma_start3A_24 = tpu.memref_slice %arg6[%scan3A_23, %dma_start3A] : memref<80x128xi32, #tpu.memory_space<vmem>> -> memref<1x128xi32, #tpu.memory_space<vmem>>
        %dma_start3A_25 = tpu.memref_squeeze %dma_start3A_24 : memref<1x128xi32, #tpu.memory_space<vmem>> -> memref<128xi32, #tpu.memory_space<vmem>>
        %dma_start3A_26 = arith.constant 0 : i32
        %dma_start3A_27 = arith.constant 0 : i32
        %dma_start3A_28 = tpu.memref_slice %arg2[%dma_start3A_26, %dma_start3A_27] : memref<10240x128xf32, #tpu.memory_space<hbm>> -> memref<10240x128xf32, #tpu.memory_space<hbm>>
        tpu.enqueue_indirect_dma source(%dma_start3A_28 : memref<10240x128xf32, #tpu.memory_space<hbm>>) target(%arg8 : memref<128x128xf32, #tpu.memory_space<vmem>>) offsets(%dma_start3A_25 : memref<128xi32, #tpu.memory_space<vmem>>) semaphore(%run_scoped3A : memref<!tpu.dma_semaphore, #tpu.memory_space<semaphore_mem>>)
        %dma_wait3A = arith.constant 0 : i32
        %dma_wait3A_29 = tpu.memref_slice %arg6[%scan3A_23, %dma_wait3A] : memref<80x128xi32, #tpu.memory_space<vmem>> -> memref<1x128xi32, #tpu.memory_space<vmem>>
        %dma_wait3A_30 = tpu.memref_squeeze %dma_wait3A_29 : memref<1x128xi32, #tpu.memory_space<vmem>> -> memref<128xi32, #tpu.memory_space<vmem>>
        %dma_wait3A_31 = arith.constant 0 : i32
        %dma_wait3A_32 = arith.constant 0 : i32
        %dma_wait3A_33 = tpu.memref_slice %arg2[%dma_wait3A_31, %dma_wait3A_32] : memref<10240x128xf32, #tpu.memory_space<hbm>> -> memref<10240x128xf32, #tpu.memory_space<hbm>>
        tpu.wait_indirect_dma semaphore(%run_scoped3A : memref<!tpu.dma_semaphore, #tpu.memory_space<semaphore_mem>>) src(%dma_wait3A_33 : memref<10240x128xf32, #tpu.memory_space<hbm>>) dst(%arg8 : memref<128x128xf32, #tpu.memory_space<vmem>>)
        tpu.yield
      }) : () -> ()
      "tpu.region"() ({
        %run_scoped3A = tpu.sem_alloc : memref<!tpu.dma_semaphore, #tpu.memory_space<semaphore_mem>>
        %dma_start3A = arith.constant 0 : i32
        %dma_start3A_24 = tpu.memref_slice %arg7[%scan3A_23, %dma_start3A] : memref<80x128xi32, #tpu.memory_space<vmem>> -> memref<1x128xi32, #tpu.memory_space<vmem>>
        %dma_start3A_25 = tpu.memref_squeeze %dma_start3A_24 : memref<1x128xi32, #tpu.memory_space<vmem>> -> memref<128xi32, #tpu.memory_space<vmem>>
        %dma_start3A_26 = arith.constant 0 : i32
        %dma_start3A_27 = arith.constant 0 : i32
        %dma_start3A_28 = tpu.memref_slice %arg9[%dma_start3A_26, %dma_start3A_27] : memref<10240x128xf32, #tpu.memory_space<vmem_shared>> -> memref<10240x128xf32, #tpu.memory_space<vmem_shared>>
        tpu.enqueue_indirect_dma source(%arg8 : memref<128x128xf32, #tpu.memory_space<vmem>>) target(%dma_start3A_28 : memref<10240x128xf32, #tpu.memory_space<vmem_shared>>) offsets(%dma_start3A_25 : memref<128xi32, #tpu.memory_space<vmem>>) semaphore(%run_scoped3A : memref<!tpu.dma_semaphore, #tpu.memory_space<semaphore_mem>>) {add = true}
        %dma_wait3A = arith.constant 0 : i32
        %dma_wait3A_29 = tpu.memref_slice %arg7[%scan3A_23, %dma_wait3A] : memref<80x128xi32, #tpu.memory_space<vmem>> -> memref<1x128xi32, #tpu.memory_space<vmem>>
        %dma_wait3A_30 = tpu.memref_squeeze %dma_wait3A_29 : memref<1x128xi32, #tpu.memory_space<vmem>> -> memref<128xi32, #tpu.memory_space<vmem>>
        %dma_wait3A_31 = arith.constant 0 : i32
        %dma_wait3A_32 = arith.constant 0 : i32
        %dma_wait3A_33 = tpu.memref_slice %arg9[%dma_wait3A_31, %dma_wait3A_32] : memref<10240x128xf32, #tpu.memory_space<vmem_shared>> -> memref<10240x128xf32, #tpu.memory_space<vmem_shared>>
        tpu.wait_indirect_dma semaphore(%run_scoped3A : memref<!tpu.dma_semaphore, #tpu.memory_space<semaphore_mem>>) src(%arg8 : memref<128x128xf32, #tpu.memory_space<vmem>>) dst(%dma_wait3A_33 : memref<10240x128xf32, #tpu.memory_space<vmem_shared>>)
        tpu.yield
      }) : () -> ()
    }
    %scan3A_17 = arith.constant 80 : i32
    %barrier3A_18 = arith.constant 0 : index
    tpu.barrier barrier_id(%barrier3A_18)
    %mul3A_19 = arith.constant 640 : i32
    %mul3A_20 = arith.muli %arg1, %mul3A_19 : i32
    %mul3A_21 = arith.constant 640 : i32
    %mul3A_22 = arith.muli %arg1, %mul3A_21 : i32
    "tpu.region"() ({
      %run_scoped3A = tpu.sem_alloc : memref<!tpu.dma_semaphore, #tpu.memory_space<semaphore_mem>>
      %dma_start3A = arith.constant 0 : i32
      %dma_start3A_23 = tpu.memref_slice %arg5[%arg0, %mul3A_22, %dma_start3A] : memref<2x10240x128xf32, #tpu.memory_space<hbm>> -> memref<1x640x128xf32, #tpu.memory_space<hbm>>
      %dma_start3A_24 = tpu.memref_squeeze %dma_start3A_23 : memref<1x640x128xf32, #tpu.memory_space<hbm>> -> memref<640x128xf32, #tpu.memory_space<hbm>>
      %dma_start3A_25 = arith.constant 0 : i32
      %dma_start3A_26 = tpu.memref_slice %arg9[%mul3A_20, %dma_start3A_25] : memref<10240x128xf32, #tpu.memory_space<vmem_shared>> -> memref<640x128xf32, #tpu.memory_space<vmem_shared>>
      tpu.enqueue_dma source(%dma_start3A_26 : memref<640x128xf32, #tpu.memory_space<vmem_shared>>) target(%dma_start3A_24 : memref<640x128xf32, #tpu.memory_space<hbm>>) target_semaphore(%run_scoped3A : memref<!tpu.dma_semaphore, #tpu.memory_space<semaphore_mem>>)
      %dma_wait3A = arith.constant 0 : i32
      %dma_wait3A_27 = tpu.memref_slice %arg5[%arg0, %mul3A_22, %dma_wait3A] : memref<2x10240x128xf32, #tpu.memory_space<hbm>> -> memref<1x640x128xf32, #tpu.memory_space<hbm>>
      %dma_wait3A_28 = tpu.memref_squeeze %dma_wait3A_27 : memref<1x640x128xf32, #tpu.memory_space<hbm>> -> memref<640x128xf32, #tpu.memory_space<hbm>>
      %dma_wait3A_29 = arith.constant 0 : i32
      %dma_wait3A_30 = tpu.memref_slice %arg9[%mul3A_20, %dma_wait3A_29] : memref<10240x128xf32, #tpu.memory_space<vmem_shared>> -> memref<640x128xf32, #tpu.memory_space<vmem_shared>>
      tpu.wait_dma2 semaphore(%run_scoped3A : memref<!tpu.dma_semaphore, #tpu.memory_space<semaphore_mem>>) src(%dma_wait3A_30 : memref<640x128xf32, #tpu.memory_space<vmem_shared>>) dst(%dma_wait3A_28 : memref<640x128xf32, #tpu.memory_space<hbm>>)
      tpu.yield
    }) : () -> ()
    return
  }
}

#map = affine_map<(d0, d1) -> (0, 0, 0)>
module attributes {stable_mosaic.version = 14 : i64} {
  func.func @_deg_kernel(%arg0: i32, %arg1: i32, %arg2: memref<32x80x128xi32, #tpu.memory_space<hbm>>, %arg3: memref<2x10240x128xf32, #tpu.memory_space<hbm>>, %arg4: memref<80x128xi32, #tpu.memory_space<vmem>>, %arg5: memref<128x128xf32, #tpu.memory_space<vmem>>, %arg6: memref<10240x128xf32, #tpu.memory_space<vmem_shared>>) attributes {dimension_semantics = [#tpu.dimension_semantics<core_parallel>, #tpu.dimension_semantics<subcore_parallel>], iteration_bounds = array<i64: 2, 16>, scalar_prefetch = 0 : i64, scratch_operands = 3 : i64, tpu.core_type = #tpu.core_type<sc_vector_subcore>, window_params = [{transform_indices = #map}, {transform_indices = #map}]} {
    %mul3A = arith.constant 16 : i32
    %mul3A_0 = arith.muli %arg0, %mul3A : i32
    %add3A = arith.addi %mul3A_0, %arg1 : i32
    %scan3A = arith.constant 0 : i32
    %scan3A_1 = arith.constant 0 : i32
    %scan3A_2 = arith.constant 128 : i32
    %scan3A_3 = arith.addi %scan3A_1, %scan3A_2 : i32
    %scan3A_4 = arith.constant 1 : i32
    scf.for %scan3A_29 = %scan3A_1 to %scan3A_3 step %scan3A_4  : i32 {
      %broadcast_in_dim3A = arith.constant 0.000000e+00 : f32
      %broadcast_in_dim3A_30 = vector.broadcast %broadcast_in_dim3A : f32 to vector<16xf32>
      %swap3A = arith.index_cast %scan3A_29 : i32 to index
      %swap3A_31 = arith.constant 0 : index
      %swap3A_32 = tpu.vector_load %arg5[%swap3A, %swap3A_31] {strides = array<i32>} : memref<128x128xf32, #tpu.memory_space<vmem>>, vector<1x16xf32>,
      %swap3A_33 = vector.shape_cast %swap3A_32 : vector<1x16xf32> to vector<16xf32>
      %swap3A_34 = vector.shape_cast %broadcast_in_dim3A_30 : vector<16xf32> to vector<1x16xf32>
      tpu.vector_store %arg5[%swap3A, %swap3A_31], %swap3A_34 {strides = array<i32>} : memref<128x128xf32, #tpu.memory_space<vmem>>, vector<1x16xf32>,
      %broadcast_in_dim3A_35 = arith.constant 0.000000e+00 : f32
      %broadcast_in_dim3A_36 = vector.broadcast %broadcast_in_dim3A_35 : f32 to vector<16xf32>
      %swap3A_37 = arith.index_cast %scan3A_29 : i32 to index
      %swap3A_38 = arith.constant 16 : index
      %swap3A_39 = tpu.vector_load %arg5[%swap3A_37, %swap3A_38] {strides = array<i32>} : memref<128x128xf32, #tpu.memory_space<vmem>>, vector<1x16xf32>,
      %swap3A_40 = vector.shape_cast %swap3A_39 : vector<1x16xf32> to vector<16xf32>
      %swap3A_41 = vector.shape_cast %broadcast_in_dim3A_36 : vector<16xf32> to vector<1x16xf32>
      tpu.vector_store %arg5[%swap3A_37, %swap3A_38], %swap3A_41 {strides = array<i32>} : memref<128x128xf32, #tpu.memory_space<vmem>>, vector<1x16xf32>,
      %broadcast_in_dim3A_42 = arith.constant 0.000000e+00 : f32
      %broadcast_in_dim3A_43 = vector.broadcast %broadcast_in_dim3A_42 : f32 to vector<16xf32>
      %swap3A_44 = arith.index_cast %scan3A_29 : i32 to index
      %swap3A_45 = arith.constant 32 : index
      %swap3A_46 = tpu.vector_load %arg5[%swap3A_44, %swap3A_45] {strides = array<i32>} : memref<128x128xf32, #tpu.memory_space<vmem>>, vector<1x16xf32>,
      %swap3A_47 = vector.shape_cast %swap3A_46 : vector<1x16xf32> to vector<16xf32>
      %swap3A_48 = vector.shape_cast %broadcast_in_dim3A_43 : vector<16xf32> to vector<1x16xf32>
      tpu.vector_store %arg5[%swap3A_44, %swap3A_45], %swap3A_48 {strides = array<i32>} : memref<128x128xf32, #tpu.memory_space<vmem>>, vector<1x16xf32>,
      %broadcast_in_dim3A_49 = arith.constant 0.000000e+00 : f32
      %broadcast_in_dim3A_50 = vector.broadcast %broadcast_in_dim3A_49 : f32 to vector<16xf32>
      %swap3A_51 = arith.index_cast %scan3A_29 : i32 to index
      %swap3A_52 = arith.constant 48 : index
      %swap3A_53 = tpu.vector_load %arg5[%swap3A_51, %swap3A_52] {strides = array<i32>} : memref<128x128xf32, #tpu.memory_space<vmem>>, vector<1x16xf32>,
      %swap3A_54 = vector.shape_cast %swap3A_53 : vector<1x16xf32> to vector<16xf32>
      %swap3A_55 = vector.shape_cast %broadcast_in_dim3A_50 : vector<16xf32> to vector<1x16xf32>
      tpu.vector_store %arg5[%swap3A_51, %swap3A_52], %swap3A_55 {strides = array<i32>} : memref<128x128xf32, #tpu.memory_space<vmem>>, vector<1x16xf32>,
      %broadcast_in_dim3A_56 = arith.constant 0.000000e+00 : f32
      %broadcast_in_dim3A_57 = vector.broadcast %broadcast_in_dim3A_56 : f32 to vector<16xf32>
      %swap3A_58 = arith.index_cast %scan3A_29 : i32 to index
      %swap3A_59 = arith.constant 64 : index
      %swap3A_60 = tpu.vector_load %arg5[%swap3A_58, %swap3A_59] {strides = array<i32>} : memref<128x128xf32, #tpu.memory_space<vmem>>, vector<1x16xf32>,
      %swap3A_61 = vector.shape_cast %swap3A_60 : vector<1x16xf32> to vector<16xf32>
      %swap3A_62 = vector.shape_cast %broadcast_in_dim3A_57 : vector<16xf32> to vector<1x16xf32>
      tpu.vector_store %arg5[%swap3A_58, %swap3A_59], %swap3A_62 {strides = array<i32>} : memref<128x128xf32, #tpu.memory_space<vmem>>, vector<1x16xf32>,
      %broadcast_in_dim3A_63 = arith.constant 0.000000e+00 : f32
      %broadcast_in_dim3A_64 = vector.broadcast %broadcast_in_dim3A_63 : f32 to vector<16xf32>
      %swap3A_65 = arith.index_cast %scan3A_29 : i32 to index
      %swap3A_66 = arith.constant 80 : index
      %swap3A_67 = tpu.vector_load %arg5[%swap3A_65, %swap3A_66] {strides = array<i32>} : memref<128x128xf32, #tpu.memory_space<vmem>>, vector<1x16xf32>,
      %swap3A_68 = vector.shape_cast %swap3A_67 : vector<1x16xf32> to vector<16xf32>
      %swap3A_69 = vector.shape_cast %broadcast_in_dim3A_64 : vector<16xf32> to vector<1x16xf32>
      tpu.vector_store %arg5[%swap3A_65, %swap3A_66], %swap3A_69 {strides = array<i32>} : memref<128x128xf32, #tpu.memory_space<vmem>>, vector<1x16xf32>,
      %broadcast_in_dim3A_70 = arith.constant 0.000000e+00 : f32
      %broadcast_in_dim3A_71 = vector.broadcast %broadcast_in_dim3A_70 : f32 to vector<16xf32>
      %swap3A_72 = arith.index_cast %scan3A_29 : i32 to index
      %swap3A_73 = arith.constant 96 : index
      %swap3A_74 = tpu.vector_load %arg5[%swap3A_72, %swap3A_73] {strides = array<i32>} : memref<128x128xf32, #tpu.memory_space<vmem>>, vector<1x16xf32>,
      %swap3A_75 = vector.shape_cast %swap3A_74 : vector<1x16xf32> to vector<16xf32>
      %swap3A_76 = vector.shape_cast %broadcast_in_dim3A_71 : vector<16xf32> to vector<1x16xf32>
      tpu.vector_store %arg5[%swap3A_72, %swap3A_73], %swap3A_76 {strides = array<i32>} : memref<128x128xf32, #tpu.memory_space<vmem>>, vector<1x16xf32>,
      %broadcast_in_dim3A_77 = arith.constant 0.000000e+00 : f32
      %broadcast_in_dim3A_78 = vector.broadcast %broadcast_in_dim3A_77 : f32 to vector<16xf32>
      %swap3A_79 = arith.index_cast %scan3A_29 : i32 to index
      %swap3A_80 = arith.constant 112 : index
      %swap3A_81 = tpu.vector_load %arg5[%swap3A_79, %swap3A_80] {strides = array<i32>} : memref<128x128xf32, #tpu.memory_space<vmem>>, vector<1x16xf32>,
      %swap3A_82 = vector.shape_cast %swap3A_81 : vector<1x16xf32> to vector<16xf32>
      %swap3A_83 = vector.shape_cast %broadcast_in_dim3A_78 : vector<16xf32> to vector<1x16xf32>
      tpu.vector_store %arg5[%swap3A_79, %swap3A_80], %swap3A_83 {strides = array<i32>} : memref<128x128xf32, #tpu.memory_space<vmem>>, vector<1x16xf32>,
    }
    %scan3A_5 = arith.constant 128 : i32
    %scan3A_6 = arith.constant 0 : i32
    %scan3A_7 = arith.constant 0 : i32
    %scan3A_8 = arith.constant 5 : i32
    %scan3A_9 = arith.addi %scan3A_7, %scan3A_8 : i32
    %scan3A_10 = arith.constant 1 : i32
    scf.for %scan3A_29 = %scan3A_7 to %scan3A_9 step %scan3A_10  : i32 {
      %mul3A_30 = arith.constant 640 : i32
      %mul3A_31 = arith.muli %arg1, %mul3A_30 : i32
      %mul3A_32 = arith.constant 128 : i32
      %mul3A_33 = arith.muli %scan3A_29, %mul3A_32 : i32
      %add3A_34 = arith.addi %mul3A_31, %mul3A_33 : i32
      "tpu.region"() ({
        %run_scoped3A = tpu.sem_alloc : memref<!tpu.dma_semaphore, #tpu.memory_space<semaphore_mem>>
        %dma_start3A = arith.constant 0 : i32
        %dma_start3A_35 = tpu.memref_slice %arg6[%add3A_34, %dma_start3A] : memref<10240x128xf32, #tpu.memory_space<vmem_shared>> -> memref<128x128xf32, #tpu.memory_space<vmem_shared>>
        %dma_start3A_36 = arith.constant 0 : i32
        %dma_start3A_37 = tpu.memref_slice %arg6[%add3A_34, %dma_start3A_36] : memref<10240x128xf32, #tpu.memory_space<vmem_shared>> -> memref<128x128xf32, #tpu.memory_space<vmem_shared>>
        tpu.enqueue_dma source(%arg5 : memref<128x128xf32, #tpu.memory_space<vmem>>) target(%dma_start3A_37 : memref<128x128xf32, #tpu.memory_space<vmem_shared>>) target_semaphore(%run_scoped3A : memref<!tpu.dma_semaphore, #tpu.memory_space<semaphore_mem>>)
        %dma_wait3A = arith.constant 0 : i32
        %dma_wait3A_38 = tpu.memref_slice %arg6[%add3A_34, %dma_wait3A] : memref<10240x128xf32, #tpu.memory_space<vmem_shared>> -> memref<128x128xf32, #tpu.memory_space<vmem_shared>>
        %dma_wait3A_39 = arith.constant 0 : i32
        %dma_wait3A_40 = tpu.memref_slice %arg6[%add3A_34, %dma_wait3A_39] : memref<10240x128xf32, #tpu.memory_space<vmem_shared>> -> memref<128x128xf32, #tpu.memory_space<vmem_shared>>
        tpu.wait_dma2 semaphore(%run_scoped3A : memref<!tpu.dma_semaphore, #tpu.memory_space<semaphore_mem>>) src(%arg5 : memref<128x128xf32, #tpu.memory_space<vmem>>) dst(%dma_wait3A_40 : memref<128x128xf32, #tpu.memory_space<vmem_shared>>)
        tpu.yield
      }) : () -> ()
    }
    %scan3A_11 = arith.constant 5 : i32
    %scan3A_12 = arith.constant 0 : i32
    %scan3A_13 = arith.constant 0 : i32
    %scan3A_14 = arith.constant 128 : i32
    %scan3A_15 = arith.addi %scan3A_13, %scan3A_14 : i32
    %scan3A_16 = arith.constant 1 : i32
    scf.for %scan3A_29 = %scan3A_13 to %scan3A_15 step %scan3A_16  : i32 {
      %broadcast_in_dim3A = arith.constant 1.000000e+00 : f32
      %broadcast_in_dim3A_30 = vector.broadcast %broadcast_in_dim3A : f32 to vector<16xf32>
      %swap3A = arith.index_cast %scan3A_29 : i32 to index
      %swap3A_31 = arith.constant 0 : index
      %swap3A_32 = tpu.vector_load %arg5[%swap3A, %swap3A_31] {strides = array<i32>} : memref<128x128xf32, #tpu.memory_space<vmem>>, vector<1x16xf32>,
      %swap3A_33 = vector.shape_cast %swap3A_32 : vector<1x16xf32> to vector<16xf32>
      %swap3A_34 = vector.shape_cast %broadcast_in_dim3A_30 : vector<16xf32> to vector<1x16xf32>
      tpu.vector_store %arg5[%swap3A, %swap3A_31], %swap3A_34 {strides = array<i32>} : memref<128x128xf32, #tpu.memory_space<vmem>>, vector<1x16xf32>,
      %broadcast_in_dim3A_35 = arith.constant 1.000000e+00 : f32
      %broadcast_in_dim3A_36 = vector.broadcast %broadcast_in_dim3A_35 : f32 to vector<16xf32>
      %swap3A_37 = arith.index_cast %scan3A_29 : i32 to index
      %swap3A_38 = arith.constant 16 : index
      %swap3A_39 = tpu.vector_load %arg5[%swap3A_37, %swap3A_38] {strides = array<i32>} : memref<128x128xf32, #tpu.memory_space<vmem>>, vector<1x16xf32>,
      %swap3A_40 = vector.shape_cast %swap3A_39 : vector<1x16xf32> to vector<16xf32>
      %swap3A_41 = vector.shape_cast %broadcast_in_dim3A_36 : vector<16xf32> to vector<1x16xf32>
      tpu.vector_store %arg5[%swap3A_37, %swap3A_38], %swap3A_41 {strides = array<i32>} : memref<128x128xf32, #tpu.memory_space<vmem>>, vector<1x16xf32>,
      %broadcast_in_dim3A_42 = arith.constant 1.000000e+00 : f32
      %broadcast_in_dim3A_43 = vector.broadcast %broadcast_in_dim3A_42 : f32 to vector<16xf32>
      %swap3A_44 = arith.index_cast %scan3A_29 : i32 to index
      %swap3A_45 = arith.constant 32 : index
      %swap3A_46 = tpu.vector_load %arg5[%swap3A_44, %swap3A_45] {strides = array<i32>} : memref<128x128xf32, #tpu.memory_space<vmem>>, vector<1x16xf32>,
      %swap3A_47 = vector.shape_cast %swap3A_46 : vector<1x16xf32> to vector<16xf32>
      %swap3A_48 = vector.shape_cast %broadcast_in_dim3A_43 : vector<16xf32> to vector<1x16xf32>
      tpu.vector_store %arg5[%swap3A_44, %swap3A_45], %swap3A_48 {strides = array<i32>} : memref<128x128xf32, #tpu.memory_space<vmem>>, vector<1x16xf32>,
      %broadcast_in_dim3A_49 = arith.constant 1.000000e+00 : f32
      %broadcast_in_dim3A_50 = vector.broadcast %broadcast_in_dim3A_49 : f32 to vector<16xf32>
      %swap3A_51 = arith.index_cast %scan3A_29 : i32 to index
      %swap3A_52 = arith.constant 48 : index
      %swap3A_53 = tpu.vector_load %arg5[%swap3A_51, %swap3A_52] {strides = array<i32>} : memref<128x128xf32, #tpu.memory_space<vmem>>, vector<1x16xf32>,
      %swap3A_54 = vector.shape_cast %swap3A_53 : vector<1x16xf32> to vector<16xf32>
      %swap3A_55 = vector.shape_cast %broadcast_in_dim3A_50 : vector<16xf32> to vector<1x16xf32>
      tpu.vector_store %arg5[%swap3A_51, %swap3A_52], %swap3A_55 {strides = array<i32>} : memref<128x128xf32, #tpu.memory_space<vmem>>, vector<1x16xf32>,
      %broadcast_in_dim3A_56 = arith.constant 1.000000e+00 : f32
      %broadcast_in_dim3A_57 = vector.broadcast %broadcast_in_dim3A_56 : f32 to vector<16xf32>
      %swap3A_58 = arith.index_cast %scan3A_29 : i32 to index
      %swap3A_59 = arith.constant 64 : index
      %swap3A_60 = tpu.vector_load %arg5[%swap3A_58, %swap3A_59] {strides = array<i32>} : memref<128x128xf32, #tpu.memory_space<vmem>>, vector<1x16xf32>,
      %swap3A_61 = vector.shape_cast %swap3A_60 : vector<1x16xf32> to vector<16xf32>
      %swap3A_62 = vector.shape_cast %broadcast_in_dim3A_57 : vector<16xf32> to vector<1x16xf32>
      tpu.vector_store %arg5[%swap3A_58, %swap3A_59], %swap3A_62 {strides = array<i32>} : memref<128x128xf32, #tpu.memory_space<vmem>>, vector<1x16xf32>,
      %broadcast_in_dim3A_63 = arith.constant 1.000000e+00 : f32
      %broadcast_in_dim3A_64 = vector.broadcast %broadcast_in_dim3A_63 : f32 to vector<16xf32>
      %swap3A_65 = arith.index_cast %scan3A_29 : i32 to index
      %swap3A_66 = arith.constant 80 : index
      %swap3A_67 = tpu.vector_load %arg5[%swap3A_65, %swap3A_66] {strides = array<i32>} : memref<128x128xf32, #tpu.memory_space<vmem>>, vector<1x16xf32>,
      %swap3A_68 = vector.shape_cast %swap3A_67 : vector<1x16xf32> to vector<16xf32>
      %swap3A_69 = vector.shape_cast %broadcast_in_dim3A_64 : vector<16xf32> to vector<1x16xf32>
      tpu.vector_store %arg5[%swap3A_65, %swap3A_66], %swap3A_69 {strides = array<i32>} : memref<128x128xf32, #tpu.memory_space<vmem>>, vector<1x16xf32>,
      %broadcast_in_dim3A_70 = arith.constant 1.000000e+00 : f32
      %broadcast_in_dim3A_71 = vector.broadcast %broadcast_in_dim3A_70 : f32 to vector<16xf32>
      %swap3A_72 = arith.index_cast %scan3A_29 : i32 to index
      %swap3A_73 = arith.constant 96 : index
      %swap3A_74 = tpu.vector_load %arg5[%swap3A_72, %swap3A_73] {strides = array<i32>} : memref<128x128xf32, #tpu.memory_space<vmem>>, vector<1x16xf32>,
      %swap3A_75 = vector.shape_cast %swap3A_74 : vector<1x16xf32> to vector<16xf32>
      %swap3A_76 = vector.shape_cast %broadcast_in_dim3A_71 : vector<16xf32> to vector<1x16xf32>
      tpu.vector_store %arg5[%swap3A_72, %swap3A_73], %swap3A_76 {strides = array<i32>} : memref<128x128xf32, #tpu.memory_space<vmem>>, vector<1x16xf32>,
      %broadcast_in_dim3A_77 = arith.constant 1.000000e+00 : f32
      %broadcast_in_dim3A_78 = vector.broadcast %broadcast_in_dim3A_77 : f32 to vector<16xf32>
      %swap3A_79 = arith.index_cast %scan3A_29 : i32 to index
      %swap3A_80 = arith.constant 112 : index
      %swap3A_81 = tpu.vector_load %arg5[%swap3A_79, %swap3A_80] {strides = array<i32>} : memref<128x128xf32, #tpu.memory_space<vmem>>, vector<1x16xf32>,
      %swap3A_82 = vector.shape_cast %swap3A_81 : vector<1x16xf32> to vector<16xf32>
      %swap3A_83 = vector.shape_cast %broadcast_in_dim3A_78 : vector<16xf32> to vector<1x16xf32>
      tpu.vector_store %arg5[%swap3A_79, %swap3A_80], %swap3A_83 {strides = array<i32>} : memref<128x128xf32, #tpu.memory_space<vmem>>, vector<1x16xf32>,
    }
    %scan3A_17 = arith.constant 128 : i32
    "tpu.region"() ({
      %run_scoped3A = tpu.sem_alloc : memref<!tpu.dma_semaphore, #tpu.memory_space<semaphore_mem>>
      %dma_start3A = arith.constant 0 : i32
      %dma_start3A_29 = arith.constant 0 : i32
      %dma_start3A_30 = tpu.memref_slice %arg2[%add3A, %dma_start3A, %dma_start3A_29] : memref<32x80x128xi32, #tpu.memory_space<hbm>> -> memref<1x80x128xi32, #tpu.memory_space<hbm>>
      %dma_start3A_31 = tpu.memref_squeeze %dma_start3A_30 : memref<1x80x128xi32, #tpu.memory_space<hbm>> -> memref<80x128xi32, #tpu.memory_space<hbm>>
      %dma_start3A_32 = arith.constant 0 : i32
      %dma_start3A_33 = arith.constant 0 : i32
      %dma_start3A_34 = tpu.memref_slice %arg2[%add3A, %dma_start3A_32, %dma_start3A_33] : memref<32x80x128xi32, #tpu.memory_space<hbm>> -> memref<1x80x128xi32, #tpu.memory_space<hbm>>
      %dma_start3A_35 = tpu.memref_squeeze %dma_start3A_34 : memref<1x80x128xi32, #tpu.memory_space<hbm>> -> memref<80x128xi32, #tpu.memory_space<hbm>>
      tpu.enqueue_dma source(%dma_start3A_35 : memref<80x128xi32, #tpu.memory_space<hbm>>) target(%arg4 : memref<80x128xi32, #tpu.memory_space<vmem>>) target_semaphore(%run_scoped3A : memref<!tpu.dma_semaphore, #tpu.memory_space<semaphore_mem>>)
      %dma_wait3A = arith.constant 0 : i32
      %dma_wait3A_36 = arith.constant 0 : i32
      %dma_wait3A_37 = tpu.memref_slice %arg2[%add3A, %dma_wait3A, %dma_wait3A_36] : memref<32x80x128xi32, #tpu.memory_space<hbm>> -> memref<1x80x128xi32, #tpu.memory_space<hbm>>
      %dma_wait3A_38 = tpu.memref_squeeze %dma_wait3A_37 : memref<1x80x128xi32, #tpu.memory_space<hbm>> -> memref<80x128xi32, #tpu.memory_space<hbm>>
      %dma_wait3A_39 = arith.constant 0 : i32
      %dma_wait3A_40 = arith.constant 0 : i32
      %dma_wait3A_41 = tpu.memref_slice %arg2[%add3A, %dma_wait3A_39, %dma_wait3A_40] : memref<32x80x128xi32, #tpu.memory_space<hbm>> -> memref<1x80x128xi32, #tpu.memory_space<hbm>>
      %dma_wait3A_42 = tpu.memref_squeeze %dma_wait3A_41 : memref<1x80x128xi32, #tpu.memory_space<hbm>> -> memref<80x128xi32, #tpu.memory_space<hbm>>
      tpu.wait_dma2 semaphore(%run_scoped3A : memref<!tpu.dma_semaphore, #tpu.memory_space<semaphore_mem>>) src(%dma_wait3A_42 : memref<80x128xi32, #tpu.memory_space<hbm>>) dst(%arg4 : memref<80x128xi32, #tpu.memory_space<vmem>>)
      tpu.yield
    }) : () -> ()
    %barrier3A = arith.constant 0 : index
    tpu.barrier barrier_id(%barrier3A)
    %scan3A_18 = arith.constant 0 : i32
    %scan3A_19 = arith.constant 0 : i32
    %scan3A_20 = arith.constant 80 : i32
    %scan3A_21 = arith.addi %scan3A_19, %scan3A_20 : i32
    %scan3A_22 = arith.constant 1 : i32
    scf.for %scan3A_29 = %scan3A_19 to %scan3A_21 step %scan3A_22  : i32 {
      "tpu.region"() ({
        %run_scoped3A = tpu.sem_alloc : memref<!tpu.dma_semaphore, #tpu.memory_space<semaphore_mem>>
        %dma_start3A = arith.constant 0 : i32
        %dma_start3A_30 = tpu.memref_slice %arg4[%scan3A_29, %dma_start3A] : memref<80x128xi32, #tpu.memory_space<vmem>> -> memref<1x128xi32, #tpu.memory_space<vmem>>
        %dma_start3A_31 = tpu.memref_squeeze %dma_start3A_30 : memref<1x128xi32, #tpu.memory_space<vmem>> -> memref<128xi32, #tpu.memory_space<vmem>>
        %dma_start3A_32 = arith.constant 0 : i32
        %dma_start3A_33 = arith.constant 0 : i32
        %dma_start3A_34 = tpu.memref_slice %arg6[%dma_start3A_32, %dma_start3A_33] : memref<10240x128xf32, #tpu.memory_space<vmem_shared>> -> memref<10240x128xf32, #tpu.memory_space<vmem_shared>>
        tpu.enqueue_indirect_dma source(%arg5 : memref<128x128xf32, #tpu.memory_space<vmem>>) target(%dma_start3A_34 : memref<10240x128xf32, #tpu.memory_space<vmem_shared>>) offsets(%dma_start3A_31 : memref<128xi32, #tpu.memory_space<vmem>>) semaphore(%run_scoped3A : memref<!tpu.dma_semaphore, #tpu.memory_space<semaphore_mem>>) {add = true}
        %dma_wait3A = arith.constant 0 : i32
        %dma_wait3A_35 = tpu.memref_slice %arg4[%scan3A_29, %dma_wait3A] : memref<80x128xi32, #tpu.memory_space<vmem>> -> memref<1x128xi32, #tpu.memory_space<vmem>>
        %dma_wait3A_36 = tpu.memref_squeeze %dma_wait3A_35 : memref<1x128xi32, #tpu.memory_space<vmem>> -> memref<128xi32, #tpu.memory_space<vmem>>
        %dma_wait3A_37 = arith.constant 0 : i32
        %dma_wait3A_38 = arith.constant 0 : i32
        %dma_wait3A_39 = tpu.memref_slice %arg6[%dma_wait3A_37, %dma_wait3A_38] : memref<10240x128xf32, #tpu.memory_space<vmem_shared>> -> memref<10240x128xf32, #tpu.memory_space<vmem_shared>>
        tpu.wait_indirect_dma semaphore(%run_scoped3A : memref<!tpu.dma_semaphore, #tpu.memory_space<semaphore_mem>>) src(%arg5 : memref<128x128xf32, #tpu.memory_space<vmem>>) dst(%dma_wait3A_39 : memref<10240x128xf32, #tpu.memory_space<vmem_shared>>)
        tpu.yield
      }) : () -> ()
    }
    %scan3A_23 = arith.constant 80 : i32
    %barrier3A_24 = arith.constant 0 : index
    tpu.barrier barrier_id(%barrier3A_24)
    %mul3A_25 = arith.constant 640 : i32
    %mul3A_26 = arith.muli %arg1, %mul3A_25 : i32
    %mul3A_27 = arith.constant 640 : i32
    %mul3A_28 = arith.muli %arg1, %mul3A_27 : i32
    "tpu.region"() ({
      %run_scoped3A = tpu.sem_alloc : memref<!tpu.dma_semaphore, #tpu.memory_space<semaphore_mem>>
      %dma_start3A = arith.constant 0 : i32
      %dma_start3A_29 = tpu.memref_slice %arg3[%arg0, %mul3A_28, %dma_start3A] : memref<2x10240x128xf32, #tpu.memory_space<hbm>> -> memref<1x640x128xf32, #tpu.memory_space<hbm>>
      %dma_start3A_30 = tpu.memref_squeeze %dma_start3A_29 : memref<1x640x128xf32, #tpu.memory_space<hbm>> -> memref<640x128xf32, #tpu.memory_space<hbm>>
      %dma_start3A_31 = arith.constant 0 : i32
      %dma_start3A_32 = tpu.memref_slice %arg6[%mul3A_26, %dma_start3A_31] : memref<10240x128xf32, #tpu.memory_space<vmem_shared>> -> memref<640x128xf32, #tpu.memory_space<vmem_shared>>
      tpu.enqueue_dma source(%dma_start3A_32 : memref<640x128xf32, #tpu.memory_space<vmem_shared>>) target(%dma_start3A_30 : memref<640x128xf32, #tpu.memory_space<hbm>>) target_semaphore(%run_scoped3A : memref<!tpu.dma_semaphore, #tpu.memory_space<semaphore_mem>>)
      %dma_wait3A = arith.constant 0 : i32
      %dma_wait3A_33 = tpu.memref_slice %arg3[%arg0, %mul3A_28, %dma_wait3A] : memref<2x10240x128xf32, #tpu.memory_space<hbm>> -> memref<1x640x128xf32, #tpu.memory_space<hbm>>
      %dma_wait3A_34 = tpu.memref_squeeze %dma_wait3A_33 : memref<1x640x128xf32, #tpu.memory_space<hbm>> -> memref<640x128xf32, #tpu.memory_space<hbm>>
      %dma_wait3A_35 = arith.constant 0 : i32
      %dma_wait3A_36 = tpu.memref_slice %arg6[%mul3A_26, %dma_wait3A_35] : memref<10240x128xf32, #tpu.memory_space<vmem_shared>> -> memref<640x128xf32, #tpu.memory_space<vmem_shared>>
      tpu.wait_dma2 semaphore(%run_scoped3A : memref<!tpu.dma_semaphore, #tpu.memory_space<semaphore_mem>>) src(%dma_wait3A_36 : memref<640x128xf32, #tpu.memory_space<vmem_shared>>) dst(%dma_wait3A_34 : memref<640x128xf32, #tpu.memory_space<hbm>>)
      tpu.yield
    }) : () -> ()
    return
  }
}

#map = affine_map<(d0, d1) -> (0, 0)>
#map1 = affine_map<(d0, d1) -> (0, 0, 0)>
module attributes {stable_mosaic.version = 14 : i64} {
  func.func @_agg_kernel(%arg0: i32, %arg1: i32, %arg2: memref<10240x128xf32, #tpu.memory_space<hbm>>, %arg3: memref<32x80x128xi32, #tpu.memory_space<hbm>>, %arg4: memref<32x80x128xi32, #tpu.memory_space<hbm>>, %arg5: memref<2x10240x128xf32, #tpu.memory_space<hbm>>, %arg6: memref<80x128xi32, #tpu.memory_space<vmem>>, %arg7: memref<80x128xi32, #tpu.memory_space<vmem>>, %arg8: memref<128x128xf32, #tpu.memory_space<vmem>>, %arg9: memref<10240x128xf32, #tpu.memory_space<vmem_shared>>) attributes {dimension_semantics = [#tpu.dimension_semantics<core_parallel>, #tpu.dimension_semantics<subcore_parallel>], iteration_bounds = array<i64: 2, 16>, scalar_prefetch = 0 : i64, scratch_operands = 4 : i64, tpu.core_type = #tpu.core_type<sc_vector_subcore>, window_params = [{transform_indices = #map}, {transform_indices = #map1}, {transform_indices = #map1}, {transform_indices = #map1}]} {
    %mul3A = arith.constant 16 : i32
    %mul3A_0 = arith.muli %arg0, %mul3A : i32
    %add3A = arith.addi %mul3A_0, %arg1 : i32
    %scan3A = arith.constant 0 : i32
    %scan3A_1 = arith.constant 0 : i32
    %scan3A_2 = arith.constant 128 : i32
    %scan3A_3 = arith.addi %scan3A_1, %scan3A_2 : i32
    %scan3A_4 = arith.constant 1 : i32
    scf.for %scan3A_23 = %scan3A_1 to %scan3A_3 step %scan3A_4  : i32 {
      %broadcast_in_dim3A = arith.constant 0.000000e+00 : f32
      %broadcast_in_dim3A_24 = vector.broadcast %broadcast_in_dim3A : f32 to vector<16xf32>
      %swap3A = arith.index_cast %scan3A_23 : i32 to index
      %swap3A_25 = arith.constant 0 : index
      %swap3A_26 = tpu.vector_load %arg8[%swap3A, %swap3A_25] {strides = array<i32>} : memref<128x128xf32, #tpu.memory_space<vmem>>, vector<1x16xf32>,
      %swap3A_27 = vector.shape_cast %swap3A_26 : vector<1x16xf32> to vector<16xf32>
      %swap3A_28 = vector.shape_cast %broadcast_in_dim3A_24 : vector<16xf32> to vector<1x16xf32>
      tpu.vector_store %arg8[%swap3A, %swap3A_25], %swap3A_28 {strides = array<i32>} : memref<128x128xf32, #tpu.memory_space<vmem>>, vector<1x16xf32>,
      %broadcast_in_dim3A_29 = arith.constant 0.000000e+00 : f32
      %broadcast_in_dim3A_30 = vector.broadcast %broadcast_in_dim3A_29 : f32 to vector<16xf32>
      %swap3A_31 = arith.index_cast %scan3A_23 : i32 to index
      %swap3A_32 = arith.constant 16 : index
      %swap3A_33 = tpu.vector_load %arg8[%swap3A_31, %swap3A_32] {strides = array<i32>} : memref<128x128xf32, #tpu.memory_space<vmem>>, vector<1x16xf32>,
      %swap3A_34 = vector.shape_cast %swap3A_33 : vector<1x16xf32> to vector<16xf32>
      %swap3A_35 = vector.shape_cast %broadcast_in_dim3A_30 : vector<16xf32> to vector<1x16xf32>
      tpu.vector_store %arg8[%swap3A_31, %swap3A_32], %swap3A_35 {strides = array<i32>} : memref<128x128xf32, #tpu.memory_space<vmem>>, vector<1x16xf32>,
      %broadcast_in_dim3A_36 = arith.constant 0.000000e+00 : f32
      %broadcast_in_dim3A_37 = vector.broadcast %broadcast_in_dim3A_36 : f32 to vector<16xf32>
      %swap3A_38 = arith.index_cast %scan3A_23 : i32 to index
      %swap3A_39 = arith.constant 32 : index
      %swap3A_40 = tpu.vector_load %arg8[%swap3A_38, %swap3A_39] {strides = array<i32>} : memref<128x128xf32, #tpu.memory_space<vmem>>, vector<1x16xf32>,
      %swap3A_41 = vector.shape_cast %swap3A_40 : vector<1x16xf32> to vector<16xf32>
      %swap3A_42 = vector.shape_cast %broadcast_in_dim3A_37 : vector<16xf32> to vector<1x16xf32>
      tpu.vector_store %arg8[%swap3A_38, %swap3A_39], %swap3A_42 {strides = array<i32>} : memref<128x128xf32, #tpu.memory_space<vmem>>, vector<1x16xf32>,
      %broadcast_in_dim3A_43 = arith.constant 0.000000e+00 : f32
      %broadcast_in_dim3A_44 = vector.broadcast %broadcast_in_dim3A_43 : f32 to vector<16xf32>
      %swap3A_45 = arith.index_cast %scan3A_23 : i32 to index
      %swap3A_46 = arith.constant 48 : index
      %swap3A_47 = tpu.vector_load %arg8[%swap3A_45, %swap3A_46] {strides = array<i32>} : memref<128x128xf32, #tpu.memory_space<vmem>>, vector<1x16xf32>,
      %swap3A_48 = vector.shape_cast %swap3A_47 : vector<1x16xf32> to vector<16xf32>
      %swap3A_49 = vector.shape_cast %broadcast_in_dim3A_44 : vector<16xf32> to vector<1x16xf32>
      tpu.vector_store %arg8[%swap3A_45, %swap3A_46], %swap3A_49 {strides = array<i32>} : memref<128x128xf32, #tpu.memory_space<vmem>>, vector<1x16xf32>,
      %broadcast_in_dim3A_50 = arith.constant 0.000000e+00 : f32
      %broadcast_in_dim3A_51 = vector.broadcast %broadcast_in_dim3A_50 : f32 to vector<16xf32>
      %swap3A_52 = arith.index_cast %scan3A_23 : i32 to index
      %swap3A_53 = arith.constant 64 : index
      %swap3A_54 = tpu.vector_load %arg8[%swap3A_52, %swap3A_53] {strides = array<i32>} : memref<128x128xf32, #tpu.memory_space<vmem>>, vector<1x16xf32>,
      %swap3A_55 = vector.shape_cast %swap3A_54 : vector<1x16xf32> to vector<16xf32>
      %swap3A_56 = vector.shape_cast %broadcast_in_dim3A_51 : vector<16xf32> to vector<1x16xf32>
      tpu.vector_store %arg8[%swap3A_52, %swap3A_53], %swap3A_56 {strides = array<i32>} : memref<128x128xf32, #tpu.memory_space<vmem>>, vector<1x16xf32>,
      %broadcast_in_dim3A_57 = arith.constant 0.000000e+00 : f32
      %broadcast_in_dim3A_58 = vector.broadcast %broadcast_in_dim3A_57 : f32 to vector<16xf32>
      %swap3A_59 = arith.index_cast %scan3A_23 : i32 to index
      %swap3A_60 = arith.constant 80 : index
      %swap3A_61 = tpu.vector_load %arg8[%swap3A_59, %swap3A_60] {strides = array<i32>} : memref<128x128xf32, #tpu.memory_space<vmem>>, vector<1x16xf32>,
      %swap3A_62 = vector.shape_cast %swap3A_61 : vector<1x16xf32> to vector<16xf32>
      %swap3A_63 = vector.shape_cast %broadcast_in_dim3A_58 : vector<16xf32> to vector<1x16xf32>
      tpu.vector_store %arg8[%swap3A_59, %swap3A_60], %swap3A_63 {strides = array<i32>} : memref<128x128xf32, #tpu.memory_space<vmem>>, vector<1x16xf32>,
      %broadcast_in_dim3A_64 = arith.constant 0.000000e+00 : f32
      %broadcast_in_dim3A_65 = vector.broadcast %broadcast_in_dim3A_64 : f32 to vector<16xf32>
      %swap3A_66 = arith.index_cast %scan3A_23 : i32 to index
      %swap3A_67 = arith.constant 96 : index
      %swap3A_68 = tpu.vector_load %arg8[%swap3A_66, %swap3A_67] {strides = array<i32>} : memref<128x128xf32, #tpu.memory_space<vmem>>, vector<1x16xf32>,
      %swap3A_69 = vector.shape_cast %swap3A_68 : vector<1x16xf32> to vector<16xf32>
      %swap3A_70 = vector.shape_cast %broadcast_in_dim3A_65 : vector<16xf32> to vector<1x16xf32>
      tpu.vector_store %arg8[%swap3A_66, %swap3A_67], %swap3A_70 {strides = array<i32>} : memref<128x128xf32, #tpu.memory_space<vmem>>, vector<1x16xf32>,
      %broadcast_in_dim3A_71 = arith.constant 0.000000e+00 : f32
      %broadcast_in_dim3A_72 = vector.broadcast %broadcast_in_dim3A_71 : f32 to vector<16xf32>
      %swap3A_73 = arith.index_cast %scan3A_23 : i32 to index
      %swap3A_74 = arith.constant 112 : index
      %swap3A_75 = tpu.vector_load %arg8[%swap3A_73, %swap3A_74] {strides = array<i32>} : memref<128x128xf32, #tpu.memory_space<vmem>>, vector<1x16xf32>,
      %swap3A_76 = vector.shape_cast %swap3A_75 : vector<1x16xf32> to vector<16xf32>
      %swap3A_77 = vector.shape_cast %broadcast_in_dim3A_72 : vector<16xf32> to vector<1x16xf32>
      tpu.vector_store %arg8[%swap3A_73, %swap3A_74], %swap3A_77 {strides = array<i32>} : memref<128x128xf32, #tpu.memory_space<vmem>>, vector<1x16xf32>,
    }
    %scan3A_5 = arith.constant 128 : i32
    %scan3A_6 = arith.constant 0 : i32
    %scan3A_7 = arith.constant 0 : i32
    %scan3A_8 = arith.constant 5 : i32
    %scan3A_9 = arith.addi %scan3A_7, %scan3A_8 : i32
    %scan3A_10 = arith.constant 1 : i32
    scf.for %scan3A_23 = %scan3A_7 to %scan3A_9 step %scan3A_10  : i32 {
      %mul3A_24 = arith.constant 640 : i32
      %mul3A_25 = arith.muli %arg1, %mul3A_24 : i32
      %mul3A_26 = arith.constant 128 : i32
      %mul3A_27 = arith.muli %scan3A_23, %mul3A_26 : i32
      %add3A_28 = arith.addi %mul3A_25, %mul3A_27 : i32
      "tpu.region"() ({
        %run_scoped3A = tpu.sem_alloc : memref<!tpu.dma_semaphore, #tpu.memory_space<semaphore_mem>>
        %dma_start3A = arith.constant 0 : i32
        %dma_start3A_29 = tpu.memref_slice %arg9[%add3A_28, %dma_start3A] : memref<10240x128xf32, #tpu.memory_space<vmem_shared>> -> memref<128x128xf32, #tpu.memory_space<vmem_shared>>
        %dma_start3A_30 = arith.constant 0 : i32
        %dma_start3A_31 = tpu.memref_slice %arg9[%add3A_28, %dma_start3A_30] : memref<10240x128xf32, #tpu.memory_space<vmem_shared>> -> memref<128x128xf32, #tpu.memory_space<vmem_shared>>
        tpu.enqueue_dma source(%arg8 : memref<128x128xf32, #tpu.memory_space<vmem>>) target(%dma_start3A_31 : memref<128x128xf32, #tpu.memory_space<vmem_shared>>) target_semaphore(%run_scoped3A : memref<!tpu.dma_semaphore, #tpu.memory_space<semaphore_mem>>)
        %dma_wait3A = arith.constant 0 : i32
        %dma_wait3A_32 = tpu.memref_slice %arg9[%add3A_28, %dma_wait3A] : memref<10240x128xf32, #tpu.memory_space<vmem_shared>> -> memref<128x128xf32, #tpu.memory_space<vmem_shared>>
        %dma_wait3A_33 = arith.constant 0 : i32
        %dma_wait3A_34 = tpu.memref_slice %arg9[%add3A_28, %dma_wait3A_33] : memref<10240x128xf32, #tpu.memory_space<vmem_shared>> -> memref<128x128xf32, #tpu.memory_space<vmem_shared>>
        tpu.wait_dma2 semaphore(%run_scoped3A : memref<!tpu.dma_semaphore, #tpu.memory_space<semaphore_mem>>) src(%arg8 : memref<128x128xf32, #tpu.memory_space<vmem>>) dst(%dma_wait3A_34 : memref<128x128xf32, #tpu.memory_space<vmem_shared>>)
        tpu.yield
      }) : () -> ()
    }
    %scan3A_11 = arith.constant 5 : i32
    "tpu.region"() ({
      %run_scoped3A = tpu.sem_alloc : memref<!tpu.dma_semaphore, #tpu.memory_space<semaphore_mem>>
      %dma_start3A = arith.constant 0 : i32
      %dma_start3A_23 = arith.constant 0 : i32
      %dma_start3A_24 = tpu.memref_slice %arg3[%add3A, %dma_start3A, %dma_start3A_23] : memref<32x80x128xi32, #tpu.memory_space<hbm>> -> memref<1x80x128xi32, #tpu.memory_space<hbm>>
      %dma_start3A_25 = tpu.memref_squeeze %dma_start3A_24 : memref<1x80x128xi32, #tpu.memory_space<hbm>> -> memref<80x128xi32, #tpu.memory_space<hbm>>
      %dma_start3A_26 = arith.constant 0 : i32
      %dma_start3A_27 = arith.constant 0 : i32
      %dma_start3A_28 = tpu.memref_slice %arg3[%add3A, %dma_start3A_26, %dma_start3A_27] : memref<32x80x128xi32, #tpu.memory_space<hbm>> -> memref<1x80x128xi32, #tpu.memory_space<hbm>>
      %dma_start3A_29 = tpu.memref_squeeze %dma_start3A_28 : memref<1x80x128xi32, #tpu.memory_space<hbm>> -> memref<80x128xi32, #tpu.memory_space<hbm>>
      tpu.enqueue_dma source(%dma_start3A_29 : memref<80x128xi32, #tpu.memory_space<hbm>>) target(%arg6 : memref<80x128xi32, #tpu.memory_space<vmem>>) target_semaphore(%run_scoped3A : memref<!tpu.dma_semaphore, #tpu.memory_space<semaphore_mem>>)
      %dma_wait3A = arith.constant 0 : i32
      %dma_wait3A_30 = arith.constant 0 : i32
      %dma_wait3A_31 = tpu.memref_slice %arg3[%add3A, %dma_wait3A, %dma_wait3A_30] : memref<32x80x128xi32, #tpu.memory_space<hbm>> -> memref<1x80x128xi32, #tpu.memory_space<hbm>>
      %dma_wait3A_32 = tpu.memref_squeeze %dma_wait3A_31 : memref<1x80x128xi32, #tpu.memory_space<hbm>> -> memref<80x128xi32, #tpu.memory_space<hbm>>
      %dma_wait3A_33 = arith.constant 0 : i32
      %dma_wait3A_34 = arith.constant 0 : i32
      %dma_wait3A_35 = tpu.memref_slice %arg3[%add3A, %dma_wait3A_33, %dma_wait3A_34] : memref<32x80x128xi32, #tpu.memory_space<hbm>> -> memref<1x80x128xi32, #tpu.memory_space<hbm>>
      %dma_wait3A_36 = tpu.memref_squeeze %dma_wait3A_35 : memref<1x80x128xi32, #tpu.memory_space<hbm>> -> memref<80x128xi32, #tpu.memory_space<hbm>>
      tpu.wait_dma2 semaphore(%run_scoped3A : memref<!tpu.dma_semaphore, #tpu.memory_space<semaphore_mem>>) src(%dma_wait3A_36 : memref<80x128xi32, #tpu.memory_space<hbm>>) dst(%arg6 : memref<80x128xi32, #tpu.memory_space<vmem>>)
      tpu.yield
    }) : () -> ()
    "tpu.region"() ({
      %run_scoped3A = tpu.sem_alloc : memref<!tpu.dma_semaphore, #tpu.memory_space<semaphore_mem>>
      %dma_start3A = arith.constant 0 : i32
      %dma_start3A_23 = arith.constant 0 : i32
      %dma_start3A_24 = tpu.memref_slice %arg4[%add3A, %dma_start3A, %dma_start3A_23] : memref<32x80x128xi32, #tpu.memory_space<hbm>> -> memref<1x80x128xi32, #tpu.memory_space<hbm>>
      %dma_start3A_25 = tpu.memref_squeeze %dma_start3A_24 : memref<1x80x128xi32, #tpu.memory_space<hbm>> -> memref<80x128xi32, #tpu.memory_space<hbm>>
      %dma_start3A_26 = arith.constant 0 : i32
      %dma_start3A_27 = arith.constant 0 : i32
      %dma_start3A_28 = tpu.memref_slice %arg4[%add3A, %dma_start3A_26, %dma_start3A_27] : memref<32x80x128xi32, #tpu.memory_space<hbm>> -> memref<1x80x128xi32, #tpu.memory_space<hbm>>
      %dma_start3A_29 = tpu.memref_squeeze %dma_start3A_28 : memref<1x80x128xi32, #tpu.memory_space<hbm>> -> memref<80x128xi32, #tpu.memory_space<hbm>>
      tpu.enqueue_dma source(%dma_start3A_29 : memref<80x128xi32, #tpu.memory_space<hbm>>) target(%arg7 : memref<80x128xi32, #tpu.memory_space<vmem>>) target_semaphore(%run_scoped3A : memref<!tpu.dma_semaphore, #tpu.memory_space<semaphore_mem>>)
      %dma_wait3A = arith.constant 0 : i32
      %dma_wait3A_30 = arith.constant 0 : i32
      %dma_wait3A_31 = tpu.memref_slice %arg4[%add3A, %dma_wait3A, %dma_wait3A_30] : memref<32x80x128xi32, #tpu.memory_space<hbm>> -> memref<1x80x128xi32, #tpu.memory_space<hbm>>
      %dma_wait3A_32 = tpu.memref_squeeze %dma_wait3A_31 : memref<1x80x128xi32, #tpu.memory_space<hbm>> -> memref<80x128xi32, #tpu.memory_space<hbm>>
      %dma_wait3A_33 = arith.constant 0 : i32
      %dma_wait3A_34 = arith.constant 0 : i32
      %dma_wait3A_35 = tpu.memref_slice %arg4[%add3A, %dma_wait3A_33, %dma_wait3A_34] : memref<32x80x128xi32, #tpu.memory_space<hbm>> -> memref<1x80x128xi32, #tpu.memory_space<hbm>>
      %dma_wait3A_36 = tpu.memref_squeeze %dma_wait3A_35 : memref<1x80x128xi32, #tpu.memory_space<hbm>> -> memref<80x128xi32, #tpu.memory_space<hbm>>
      tpu.wait_dma2 semaphore(%run_scoped3A : memref<!tpu.dma_semaphore, #tpu.memory_space<semaphore_mem>>) src(%dma_wait3A_36 : memref<80x128xi32, #tpu.memory_space<hbm>>) dst(%arg7 : memref<80x128xi32, #tpu.memory_space<vmem>>)
      tpu.yield
    }) : () -> ()
    %barrier3A = arith.constant 0 : index
    tpu.barrier barrier_id(%barrier3A)
    %scan3A_12 = arith.constant 0 : i32
    %scan3A_13 = arith.constant 0 : i32
    %scan3A_14 = arith.constant 80 : i32
    %scan3A_15 = arith.addi %scan3A_13, %scan3A_14 : i32
    %scan3A_16 = arith.constant 1 : i32
    scf.for %scan3A_23 = %scan3A_13 to %scan3A_15 step %scan3A_16  : i32 {
      "tpu.region"() ({
        %run_scoped3A = tpu.sem_alloc : memref<!tpu.dma_semaphore, #tpu.memory_space<semaphore_mem>>
        %dma_start3A = arith.constant 0 : i32
        %dma_start3A_24 = tpu.memref_slice %arg6[%scan3A_23, %dma_start3A] : memref<80x128xi32, #tpu.memory_space<vmem>> -> memref<1x128xi32, #tpu.memory_space<vmem>>
        %dma_start3A_25 = tpu.memref_squeeze %dma_start3A_24 : memref<1x128xi32, #tpu.memory_space<vmem>> -> memref<128xi32, #tpu.memory_space<vmem>>
        %dma_start3A_26 = arith.constant 0 : i32
        %dma_start3A_27 = arith.constant 0 : i32
        %dma_start3A_28 = tpu.memref_slice %arg2[%dma_start3A_26, %dma_start3A_27] : memref<10240x128xf32, #tpu.memory_space<hbm>> -> memref<10240x128xf32, #tpu.memory_space<hbm>>
        tpu.enqueue_indirect_dma source(%dma_start3A_28 : memref<10240x128xf32, #tpu.memory_space<hbm>>) target(%arg8 : memref<128x128xf32, #tpu.memory_space<vmem>>) offsets(%dma_start3A_25 : memref<128xi32, #tpu.memory_space<vmem>>) semaphore(%run_scoped3A : memref<!tpu.dma_semaphore, #tpu.memory_space<semaphore_mem>>)
        %dma_wait3A = arith.constant 0 : i32
        %dma_wait3A_29 = tpu.memref_slice %arg6[%scan3A_23, %dma_wait3A] : memref<80x128xi32, #tpu.memory_space<vmem>> -> memref<1x128xi32, #tpu.memory_space<vmem>>
        %dma_wait3A_30 = tpu.memref_squeeze %dma_wait3A_29 : memref<1x128xi32, #tpu.memory_space<vmem>> -> memref<128xi32, #tpu.memory_space<vmem>>
        %dma_wait3A_31 = arith.constant 0 : i32
        %dma_wait3A_32 = arith.constant 0 : i32
        %dma_wait3A_33 = tpu.memref_slice %arg2[%dma_wait3A_31, %dma_wait3A_32] : memref<10240x128xf32, #tpu.memory_space<hbm>> -> memref<10240x128xf32, #tpu.memory_space<hbm>>
        tpu.wait_indirect_dma semaphore(%run_scoped3A : memref<!tpu.dma_semaphore, #tpu.memory_space<semaphore_mem>>) src(%dma_wait3A_33 : memref<10240x128xf32, #tpu.memory_space<hbm>>) dst(%arg8 : memref<128x128xf32, #tpu.memory_space<vmem>>)
        tpu.yield
      }) : () -> ()
      "tpu.region"() ({
        %run_scoped3A = tpu.sem_alloc : memref<!tpu.dma_semaphore, #tpu.memory_space<semaphore_mem>>
        %dma_start3A = arith.constant 0 : i32
        %dma_start3A_24 = tpu.memref_slice %arg7[%scan3A_23, %dma_start3A] : memref<80x128xi32, #tpu.memory_space<vmem>> -> memref<1x128xi32, #tpu.memory_space<vmem>>
        %dma_start3A_25 = tpu.memref_squeeze %dma_start3A_24 : memref<1x128xi32, #tpu.memory_space<vmem>> -> memref<128xi32, #tpu.memory_space<vmem>>
        %dma_start3A_26 = arith.constant 0 : i32
        %dma_start3A_27 = arith.constant 0 : i32
        %dma_start3A_28 = tpu.memref_slice %arg9[%dma_start3A_26, %dma_start3A_27] : memref<10240x128xf32, #tpu.memory_space<vmem_shared>> -> memref<10240x128xf32, #tpu.memory_space<vmem_shared>>
        tpu.enqueue_indirect_dma source(%arg8 : memref<128x128xf32, #tpu.memory_space<vmem>>) target(%dma_start3A_28 : memref<10240x128xf32, #tpu.memory_space<vmem_shared>>) offsets(%dma_start3A_25 : memref<128xi32, #tpu.memory_space<vmem>>) semaphore(%run_scoped3A : memref<!tpu.dma_semaphore, #tpu.memory_space<semaphore_mem>>) {add = true}
        %dma_wait3A = arith.constant 0 : i32
        %dma_wait3A_29 = tpu.memref_slice %arg7[%scan3A_23, %dma_wait3A] : memref<80x128xi32, #tpu.memory_space<vmem>> -> memref<1x128xi32, #tpu.memory_space<vmem>>
        %dma_wait3A_30 = tpu.memref_squeeze %dma_wait3A_29 : memref<1x128xi32, #tpu.memory_space<vmem>> -> memref<128xi32, #tpu.memory_space<vmem>>
        %dma_wait3A_31 = arith.constant 0 : i32
        %dma_wait3A_32 = arith.constant 0 : i32
        %dma_wait3A_33 = tpu.memref_slice %arg9[%dma_wait3A_31, %dma_wait3A_32] : memref<10240x128xf32, #tpu.memory_space<vmem_shared>> -> memref<10240x128xf32, #tpu.memory_space<vmem_shared>>
        tpu.wait_indirect_dma semaphore(%run_scoped3A : memref<!tpu.dma_semaphore, #tpu.memory_space<semaphore_mem>>) src(%arg8 : memref<128x128xf32, #tpu.memory_space<vmem>>) dst(%dma_wait3A_33 : memref<10240x128xf32, #tpu.memory_space<vmem_shared>>)
        tpu.yield
      }) : () -> ()
    }
    %scan3A_17 = arith.constant 80 : i32
    %barrier3A_18 = arith.constant 0 : index
    tpu.barrier barrier_id(%barrier3A_18)
    %mul3A_19 = arith.constant 640 : i32
    %mul3A_20 = arith.muli %arg1, %mul3A_19 : i32
    %mul3A_21 = arith.constant 640 : i32
    %mul3A_22 = arith.muli %arg1, %mul3A_21 : i32
    "tpu.region"() ({
      %run_scoped3A = tpu.sem_alloc : memref<!tpu.dma_semaphore, #tpu.memory_space<semaphore_mem>>
      %dma_start3A = arith.constant 0 : i32
      %dma_start3A_23 = tpu.memref_slice %arg5[%arg0, %mul3A_22, %dma_start3A] : memref<2x10240x128xf32, #tpu.memory_space<hbm>> -> memref<1x640x128xf32, #tpu.memory_space<hbm>>
      %dma_start3A_24 = tpu.memref_squeeze %dma_start3A_23 : memref<1x640x128xf32, #tpu.memory_space<hbm>> -> memref<640x128xf32, #tpu.memory_space<hbm>>
      %dma_start3A_25 = arith.constant 0 : i32
      %dma_start3A_26 = tpu.memref_slice %arg9[%mul3A_20, %dma_start3A_25] : memref<10240x128xf32, #tpu.memory_space<vmem_shared>> -> memref<640x128xf32, #tpu.memory_space<vmem_shared>>
      tpu.enqueue_dma source(%dma_start3A_26 : memref<640x128xf32, #tpu.memory_space<vmem_shared>>) target(%dma_start3A_24 : memref<640x128xf32, #tpu.memory_space<hbm>>) target_semaphore(%run_scoped3A : memref<!tpu.dma_semaphore, #tpu.memory_space<semaphore_mem>>)
      %dma_wait3A = arith.constant 0 : i32
      %dma_wait3A_27 = tpu.memref_slice %arg5[%arg0, %mul3A_22, %dma_wait3A] : memref<2x10240x128xf32, #tpu.memory_space<hbm>> -> memref<1x640x128xf32, #tpu.memory_space<hbm>>
      %dma_wait3A_28 = tpu.memref_squeeze %dma_wait3A_27 : memref<1x640x128xf32, #tpu.memory_space<hbm>> -> memref<640x128xf32, #tpu.memory_space<hbm>>
      %dma_wait3A_29 = arith.constant 0 : i32
      %dma_wait3A_30 = tpu.memref_slice %arg9[%mul3A_20, %dma_wait3A_29] : memref<10240x128xf32, #tpu.memory_space<vmem_shared>> -> memref<640x128xf32, #tpu.memory_space<vmem_shared>>
      tpu.wait_dma2 semaphore(%run_scoped3A : memref<!tpu.dma_semaphore, #tpu.memory_space<semaphore_mem>>) src(%dma_wait3A_30 : memref<640x128xf32, #tpu.memory_space<vmem_shared>>) dst(%dma_wait3A_28 : memref<640x128xf32, #tpu.memory_space<hbm>>)
      tpu.yield
    }) : () -> ()
    return
  }
}

#map = affine_map<(d0, d1) -> (0, 0)>
#map1 = affine_map<(d0, d1) -> (0, 0, 0)>
module attributes {stable_mosaic.version = 14 : i64} {
  func.func @_agg_kernel(%arg0: i32, %arg1: i32, %arg2: memref<10240x128xf32, #tpu.memory_space<hbm>>, %arg3: memref<32x80x128xi32, #tpu.memory_space<hbm>>, %arg4: memref<32x80x128xi32, #tpu.memory_space<hbm>>, %arg5: memref<2x10240x128xf32, #tpu.memory_space<hbm>>, %arg6: memref<80x128xi32, #tpu.memory_space<vmem>>, %arg7: memref<80x128xi32, #tpu.memory_space<vmem>>, %arg8: memref<128x128xf32, #tpu.memory_space<vmem>>, %arg9: memref<10240x128xf32, #tpu.memory_space<vmem_shared>>) attributes {dimension_semantics = [#tpu.dimension_semantics<core_parallel>, #tpu.dimension_semantics<subcore_parallel>], iteration_bounds = array<i64: 2, 16>, scalar_prefetch = 0 : i64, scratch_operands = 4 : i64, tpu.core_type = #tpu.core_type<sc_vector_subcore>, window_params = [{transform_indices = #map}, {transform_indices = #map1}, {transform_indices = #map1}, {transform_indices = #map1}]} {
    %mul3A = arith.constant 16 : i32
    %mul3A_0 = arith.muli %arg0, %mul3A : i32
    %add3A = arith.addi %mul3A_0, %arg1 : i32
    %scan3A = arith.constant 0 : i32
    %scan3A_1 = arith.constant 0 : i32
    %scan3A_2 = arith.constant 128 : i32
    %scan3A_3 = arith.addi %scan3A_1, %scan3A_2 : i32
    %scan3A_4 = arith.constant 1 : i32
    scf.for %scan3A_23 = %scan3A_1 to %scan3A_3 step %scan3A_4  : i32 {
      %broadcast_in_dim3A = arith.constant 0.000000e+00 : f32
      %broadcast_in_dim3A_24 = vector.broadcast %broadcast_in_dim3A : f32 to vector<16xf32>
      %swap3A = arith.index_cast %scan3A_23 : i32 to index
      %swap3A_25 = arith.constant 0 : index
      %swap3A_26 = tpu.vector_load %arg8[%swap3A, %swap3A_25] {strides = array<i32>} : memref<128x128xf32, #tpu.memory_space<vmem>>, vector<1x16xf32>,
      %swap3A_27 = vector.shape_cast %swap3A_26 : vector<1x16xf32> to vector<16xf32>
      %swap3A_28 = vector.shape_cast %broadcast_in_dim3A_24 : vector<16xf32> to vector<1x16xf32>
      tpu.vector_store %arg8[%swap3A, %swap3A_25], %swap3A_28 {strides = array<i32>} : memref<128x128xf32, #tpu.memory_space<vmem>>, vector<1x16xf32>,
      %broadcast_in_dim3A_29 = arith.constant 0.000000e+00 : f32
      %broadcast_in_dim3A_30 = vector.broadcast %broadcast_in_dim3A_29 : f32 to vector<16xf32>
      %swap3A_31 = arith.index_cast %scan3A_23 : i32 to index
      %swap3A_32 = arith.constant 16 : index
      %swap3A_33 = tpu.vector_load %arg8[%swap3A_31, %swap3A_32] {strides = array<i32>} : memref<128x128xf32, #tpu.memory_space<vmem>>, vector<1x16xf32>,
      %swap3A_34 = vector.shape_cast %swap3A_33 : vector<1x16xf32> to vector<16xf32>
      %swap3A_35 = vector.shape_cast %broadcast_in_dim3A_30 : vector<16xf32> to vector<1x16xf32>
      tpu.vector_store %arg8[%swap3A_31, %swap3A_32], %swap3A_35 {strides = array<i32>} : memref<128x128xf32, #tpu.memory_space<vmem>>, vector<1x16xf32>,
      %broadcast_in_dim3A_36 = arith.constant 0.000000e+00 : f32
      %broadcast_in_dim3A_37 = vector.broadcast %broadcast_in_dim3A_36 : f32 to vector<16xf32>
      %swap3A_38 = arith.index_cast %scan3A_23 : i32 to index
      %swap3A_39 = arith.constant 32 : index
      %swap3A_40 = tpu.vector_load %arg8[%swap3A_38, %swap3A_39] {strides = array<i32>} : memref<128x128xf32, #tpu.memory_space<vmem>>, vector<1x16xf32>,
      %swap3A_41 = vector.shape_cast %swap3A_40 : vector<1x16xf32> to vector<16xf32>
      %swap3A_42 = vector.shape_cast %broadcast_in_dim3A_37 : vector<16xf32> to vector<1x16xf32>
      tpu.vector_store %arg8[%swap3A_38, %swap3A_39], %swap3A_42 {strides = array<i32>} : memref<128x128xf32, #tpu.memory_space<vmem>>, vector<1x16xf32>,
      %broadcast_in_dim3A_43 = arith.constant 0.000000e+00 : f32
      %broadcast_in_dim3A_44 = vector.broadcast %broadcast_in_dim3A_43 : f32 to vector<16xf32>
      %swap3A_45 = arith.index_cast %scan3A_23 : i32 to index
      %swap3A_46 = arith.constant 48 : index
      %swap3A_47 = tpu.vector_load %arg8[%swap3A_45, %swap3A_46] {strides = array<i32>} : memref<128x128xf32, #tpu.memory_space<vmem>>, vector<1x16xf32>,
      %swap3A_48 = vector.shape_cast %swap3A_47 : vector<1x16xf32> to vector<16xf32>
      %swap3A_49 = vector.shape_cast %broadcast_in_dim3A_44 : vector<16xf32> to vector<1x16xf32>
      tpu.vector_store %arg8[%swap3A_45, %swap3A_46], %swap3A_49 {strides = array<i32>} : memref<128x128xf32, #tpu.memory_space<vmem>>, vector<1x16xf32>,
      %broadcast_in_dim3A_50 = arith.constant 0.000000e+00 : f32
      %broadcast_in_dim3A_51 = vector.broadcast %broadcast_in_dim3A_50 : f32 to vector<16xf32>
      %swap3A_52 = arith.index_cast %scan3A_23 : i32 to index
      %swap3A_53 = arith.constant 64 : index
      %swap3A_54 = tpu.vector_load %arg8[%swap3A_52, %swap3A_53] {strides = array<i32>} : memref<128x128xf32, #tpu.memory_space<vmem>>, vector<1x16xf32>,
      %swap3A_55 = vector.shape_cast %swap3A_54 : vector<1x16xf32> to vector<16xf32>
      %swap3A_56 = vector.shape_cast %broadcast_in_dim3A_51 : vector<16xf32> to vector<1x16xf32>
      tpu.vector_store %arg8[%swap3A_52, %swap3A_53], %swap3A_56 {strides = array<i32>} : memref<128x128xf32, #tpu.memory_space<vmem>>, vector<1x16xf32>,
      %broadcast_in_dim3A_57 = arith.constant 0.000000e+00 : f32
      %broadcast_in_dim3A_58 = vector.broadcast %broadcast_in_dim3A_57 : f32 to vector<16xf32>
      %swap3A_59 = arith.index_cast %scan3A_23 : i32 to index
      %swap3A_60 = arith.constant 80 : index
      %swap3A_61 = tpu.vector_load %arg8[%swap3A_59, %swap3A_60] {strides = array<i32>} : memref<128x128xf32, #tpu.memory_space<vmem>>, vector<1x16xf32>,
      %swap3A_62 = vector.shape_cast %swap3A_61 : vector<1x16xf32> to vector<16xf32>
      %swap3A_63 = vector.shape_cast %broadcast_in_dim3A_58 : vector<16xf32> to vector<1x16xf32>
      tpu.vector_store %arg8[%swap3A_59, %swap3A_60], %swap3A_63 {strides = array<i32>} : memref<128x128xf32, #tpu.memory_space<vmem>>, vector<1x16xf32>,
      %broadcast_in_dim3A_64 = arith.constant 0.000000e+00 : f32
      %broadcast_in_dim3A_65 = vector.broadcast %broadcast_in_dim3A_64 : f32 to vector<16xf32>
      %swap3A_66 = arith.index_cast %scan3A_23 : i32 to index
      %swap3A_67 = arith.constant 96 : index
      %swap3A_68 = tpu.vector_load %arg8[%swap3A_66, %swap3A_67] {strides = array<i32>} : memref<128x128xf32, #tpu.memory_space<vmem>>, vector<1x16xf32>,
      %swap3A_69 = vector.shape_cast %swap3A_68 : vector<1x16xf32> to vector<16xf32>
      %swap3A_70 = vector.shape_cast %broadcast_in_dim3A_65 : vector<16xf32> to vector<1x16xf32>
      tpu.vector_store %arg8[%swap3A_66, %swap3A_67], %swap3A_70 {strides = array<i32>} : memref<128x128xf32, #tpu.memory_space<vmem>>, vector<1x16xf32>,
      %broadcast_in_dim3A_71 = arith.constant 0.000000e+00 : f32
      %broadcast_in_dim3A_72 = vector.broadcast %broadcast_in_dim3A_71 : f32 to vector<16xf32>
      %swap3A_73 = arith.index_cast %scan3A_23 : i32 to index
      %swap3A_74 = arith.constant 112 : index
      %swap3A_75 = tpu.vector_load %arg8[%swap3A_73, %swap3A_74] {strides = array<i32>} : memref<128x128xf32, #tpu.memory_space<vmem>>, vector<1x16xf32>,
      %swap3A_76 = vector.shape_cast %swap3A_75 : vector<1x16xf32> to vector<16xf32>
      %swap3A_77 = vector.shape_cast %broadcast_in_dim3A_72 : vector<16xf32> to vector<1x16xf32>
      tpu.vector_store %arg8[%swap3A_73, %swap3A_74], %swap3A_77 {strides = array<i32>} : memref<128x128xf32, #tpu.memory_space<vmem>>, vector<1x16xf32>,
    }
    %scan3A_5 = arith.constant 128 : i32
    %scan3A_6 = arith.constant 0 : i32
    %scan3A_7 = arith.constant 0 : i32
    %scan3A_8 = arith.constant 5 : i32
    %scan3A_9 = arith.addi %scan3A_7, %scan3A_8 : i32
    %scan3A_10 = arith.constant 1 : i32
    scf.for %scan3A_23 = %scan3A_7 to %scan3A_9 step %scan3A_10  : i32 {
      %mul3A_24 = arith.constant 640 : i32
      %mul3A_25 = arith.muli %arg1, %mul3A_24 : i32
      %mul3A_26 = arith.constant 128 : i32
      %mul3A_27 = arith.muli %scan3A_23, %mul3A_26 : i32
      %add3A_28 = arith.addi %mul3A_25, %mul3A_27 : i32
      "tpu.region"() ({
        %run_scoped3A = tpu.sem_alloc : memref<!tpu.dma_semaphore, #tpu.memory_space<semaphore_mem>>
        %dma_start3A = arith.constant 0 : i32
        %dma_start3A_29 = tpu.memref_slice %arg9[%add3A_28, %dma_start3A] : memref<10240x128xf32, #tpu.memory_space<vmem_shared>> -> memref<128x128xf32, #tpu.memory_space<vmem_shared>>
        %dma_start3A_30 = arith.constant 0 : i32
        %dma_start3A_31 = tpu.memref_slice %arg9[%add3A_28, %dma_start3A_30] : memref<10240x128xf32, #tpu.memory_space<vmem_shared>> -> memref<128x128xf32, #tpu.memory_space<vmem_shared>>
        tpu.enqueue_dma source(%arg8 : memref<128x128xf32, #tpu.memory_space<vmem>>) target(%dma_start3A_31 : memref<128x128xf32, #tpu.memory_space<vmem_shared>>) target_semaphore(%run_scoped3A : memref<!tpu.dma_semaphore, #tpu.memory_space<semaphore_mem>>)
        %dma_wait3A = arith.constant 0 : i32
        %dma_wait3A_32 = tpu.memref_slice %arg9[%add3A_28, %dma_wait3A] : memref<10240x128xf32, #tpu.memory_space<vmem_shared>> -> memref<128x128xf32, #tpu.memory_space<vmem_shared>>
        %dma_wait3A_33 = arith.constant 0 : i32
        %dma_wait3A_34 = tpu.memref_slice %arg9[%add3A_28, %dma_wait3A_33] : memref<10240x128xf32, #tpu.memory_space<vmem_shared>> -> memref<128x128xf32, #tpu.memory_space<vmem_shared>>
        tpu.wait_dma2 semaphore(%run_scoped3A : memref<!tpu.dma_semaphore, #tpu.memory_space<semaphore_mem>>) src(%arg8 : memref<128x128xf32, #tpu.memory_space<vmem>>) dst(%dma_wait3A_34 : memref<128x128xf32, #tpu.memory_space<vmem_shared>>)
        tpu.yield
      }) : () -> ()
    }
    %scan3A_11 = arith.constant 5 : i32
    "tpu.region"() ({
      %run_scoped3A = tpu.sem_alloc : memref<!tpu.dma_semaphore, #tpu.memory_space<semaphore_mem>>
      %dma_start3A = arith.constant 0 : i32
      %dma_start3A_23 = arith.constant 0 : i32
      %dma_start3A_24 = tpu.memref_slice %arg3[%add3A, %dma_start3A, %dma_start3A_23] : memref<32x80x128xi32, #tpu.memory_space<hbm>> -> memref<1x80x128xi32, #tpu.memory_space<hbm>>
      %dma_start3A_25 = tpu.memref_squeeze %dma_start3A_24 : memref<1x80x128xi32, #tpu.memory_space<hbm>> -> memref<80x128xi32, #tpu.memory_space<hbm>>
      %dma_start3A_26 = arith.constant 0 : i32
      %dma_start3A_27 = arith.constant 0 : i32
      %dma_start3A_28 = tpu.memref_slice %arg3[%add3A, %dma_start3A_26, %dma_start3A_27] : memref<32x80x128xi32, #tpu.memory_space<hbm>> -> memref<1x80x128xi32, #tpu.memory_space<hbm>>
      %dma_start3A_29 = tpu.memref_squeeze %dma_start3A_28 : memref<1x80x128xi32, #tpu.memory_space<hbm>> -> memref<80x128xi32, #tpu.memory_space<hbm>>
      tpu.enqueue_dma source(%dma_start3A_29 : memref<80x128xi32, #tpu.memory_space<hbm>>) target(%arg6 : memref<80x128xi32, #tpu.memory_space<vmem>>) target_semaphore(%run_scoped3A : memref<!tpu.dma_semaphore, #tpu.memory_space<semaphore_mem>>)
      %dma_wait3A = arith.constant 0 : i32
      %dma_wait3A_30 = arith.constant 0 : i32
      %dma_wait3A_31 = tpu.memref_slice %arg3[%add3A, %dma_wait3A, %dma_wait3A_30] : memref<32x80x128xi32, #tpu.memory_space<hbm>> -> memref<1x80x128xi32, #tpu.memory_space<hbm>>
      %dma_wait3A_32 = tpu.memref_squeeze %dma_wait3A_31 : memref<1x80x128xi32, #tpu.memory_space<hbm>> -> memref<80x128xi32, #tpu.memory_space<hbm>>
      %dma_wait3A_33 = arith.constant 0 : i32
      %dma_wait3A_34 = arith.constant 0 : i32
      %dma_wait3A_35 = tpu.memref_slice %arg3[%add3A, %dma_wait3A_33, %dma_wait3A_34] : memref<32x80x128xi32, #tpu.memory_space<hbm>> -> memref<1x80x128xi32, #tpu.memory_space<hbm>>
      %dma_wait3A_36 = tpu.memref_squeeze %dma_wait3A_35 : memref<1x80x128xi32, #tpu.memory_space<hbm>> -> memref<80x128xi32, #tpu.memory_space<hbm>>
      tpu.wait_dma2 semaphore(%run_scoped3A : memref<!tpu.dma_semaphore, #tpu.memory_space<semaphore_mem>>) src(%dma_wait3A_36 : memref<80x128xi32, #tpu.memory_space<hbm>>) dst(%arg6 : memref<80x128xi32, #tpu.memory_space<vmem>>)
      tpu.yield
    }) : () -> ()
    "tpu.region"() ({
      %run_scoped3A = tpu.sem_alloc : memref<!tpu.dma_semaphore, #tpu.memory_space<semaphore_mem>>
      %dma_start3A = arith.constant 0 : i32
      %dma_start3A_23 = arith.constant 0 : i32
      %dma_start3A_24 = tpu.memref_slice %arg4[%add3A, %dma_start3A, %dma_start3A_23] : memref<32x80x128xi32, #tpu.memory_space<hbm>> -> memref<1x80x128xi32, #tpu.memory_space<hbm>>
      %dma_start3A_25 = tpu.memref_squeeze %dma_start3A_24 : memref<1x80x128xi32, #tpu.memory_space<hbm>> -> memref<80x128xi32, #tpu.memory_space<hbm>>
      %dma_start3A_26 = arith.constant 0 : i32
      %dma_start3A_27 = arith.constant 0 : i32
      %dma_start3A_28 = tpu.memref_slice %arg4[%add3A, %dma_start3A_26, %dma_start3A_27] : memref<32x80x128xi32, #tpu.memory_space<hbm>> -> memref<1x80x128xi32, #tpu.memory_space<hbm>>
      %dma_start3A_29 = tpu.memref_squeeze %dma_start3A_28 : memref<1x80x128xi32, #tpu.memory_space<hbm>> -> memref<80x128xi32, #tpu.memory_space<hbm>>
      tpu.enqueue_dma source(%dma_start3A_29 : memref<80x128xi32, #tpu.memory_space<hbm>>) target(%arg7 : memref<80x128xi32, #tpu.memory_space<vmem>>) target_semaphore(%run_scoped3A : memref<!tpu.dma_semaphore, #tpu.memory_space<semaphore_mem>>)
      %dma_wait3A = arith.constant 0 : i32
      %dma_wait3A_30 = arith.constant 0 : i32
      %dma_wait3A_31 = tpu.memref_slice %arg4[%add3A, %dma_wait3A, %dma_wait3A_30] : memref<32x80x128xi32, #tpu.memory_space<hbm>> -> memref<1x80x128xi32, #tpu.memory_space<hbm>>
      %dma_wait3A_32 = tpu.memref_squeeze %dma_wait3A_31 : memref<1x80x128xi32, #tpu.memory_space<hbm>> -> memref<80x128xi32, #tpu.memory_space<hbm>>
      %dma_wait3A_33 = arith.constant 0 : i32
      %dma_wait3A_34 = arith.constant 0 : i32
      %dma_wait3A_35 = tpu.memref_slice %arg4[%add3A, %dma_wait3A_33, %dma_wait3A_34] : memref<32x80x128xi32, #tpu.memory_space<hbm>> -> memref<1x80x128xi32, #tpu.memory_space<hbm>>
      %dma_wait3A_36 = tpu.memref_squeeze %dma_wait3A_35 : memref<1x80x128xi32, #tpu.memory_space<hbm>> -> memref<80x128xi32, #tpu.memory_space<hbm>>
      tpu.wait_dma2 semaphore(%run_scoped3A : memref<!tpu.dma_semaphore, #tpu.memory_space<semaphore_mem>>) src(%dma_wait3A_36 : memref<80x128xi32, #tpu.memory_space<hbm>>) dst(%arg7 : memref<80x128xi32, #tpu.memory_space<vmem>>)
      tpu.yield
    }) : () -> ()
    %barrier3A = arith.constant 0 : index
    tpu.barrier barrier_id(%barrier3A)
    %scan3A_12 = arith.constant 0 : i32
    %scan3A_13 = arith.constant 0 : i32
    %scan3A_14 = arith.constant 80 : i32
    %scan3A_15 = arith.addi %scan3A_13, %scan3A_14 : i32
    %scan3A_16 = arith.constant 1 : i32
    scf.for %scan3A_23 = %scan3A_13 to %scan3A_15 step %scan3A_16  : i32 {
      "tpu.region"() ({
        %run_scoped3A = tpu.sem_alloc : memref<!tpu.dma_semaphore, #tpu.memory_space<semaphore_mem>>
        %dma_start3A = arith.constant 0 : i32
        %dma_start3A_24 = tpu.memref_slice %arg6[%scan3A_23, %dma_start3A] : memref<80x128xi32, #tpu.memory_space<vmem>> -> memref<1x128xi32, #tpu.memory_space<vmem>>
        %dma_start3A_25 = tpu.memref_squeeze %dma_start3A_24 : memref<1x128xi32, #tpu.memory_space<vmem>> -> memref<128xi32, #tpu.memory_space<vmem>>
        %dma_start3A_26 = arith.constant 0 : i32
        %dma_start3A_27 = arith.constant 0 : i32
        %dma_start3A_28 = tpu.memref_slice %arg2[%dma_start3A_26, %dma_start3A_27] : memref<10240x128xf32, #tpu.memory_space<hbm>> -> memref<10240x128xf32, #tpu.memory_space<hbm>>
        tpu.enqueue_indirect_dma source(%dma_start3A_28 : memref<10240x128xf32, #tpu.memory_space<hbm>>) target(%arg8 : memref<128x128xf32, #tpu.memory_space<vmem>>) offsets(%dma_start3A_25 : memref<128xi32, #tpu.memory_space<vmem>>) semaphore(%run_scoped3A : memref<!tpu.dma_semaphore, #tpu.memory_space<semaphore_mem>>)
        %dma_wait3A = arith.constant 0 : i32
        %dma_wait3A_29 = tpu.memref_slice %arg6[%scan3A_23, %dma_wait3A] : memref<80x128xi32, #tpu.memory_space<vmem>> -> memref<1x128xi32, #tpu.memory_space<vmem>>
        %dma_wait3A_30 = tpu.memref_squeeze %dma_wait3A_29 : memref<1x128xi32, #tpu.memory_space<vmem>> -> memref<128xi32, #tpu.memory_space<vmem>>
        %dma_wait3A_31 = arith.constant 0 : i32
        %dma_wait3A_32 = arith.constant 0 : i32
        %dma_wait3A_33 = tpu.memref_slice %arg2[%dma_wait3A_31, %dma_wait3A_32] : memref<10240x128xf32, #tpu.memory_space<hbm>> -> memref<10240x128xf32, #tpu.memory_space<hbm>>
        tpu.wait_indirect_dma semaphore(%run_scoped3A : memref<!tpu.dma_semaphore, #tpu.memory_space<semaphore_mem>>) src(%dma_wait3A_33 : memref<10240x128xf32, #tpu.memory_space<hbm>>) dst(%arg8 : memref<128x128xf32, #tpu.memory_space<vmem>>)
        tpu.yield
      }) : () -> ()
      "tpu.region"() ({
        %run_scoped3A = tpu.sem_alloc : memref<!tpu.dma_semaphore, #tpu.memory_space<semaphore_mem>>
        %dma_start3A = arith.constant 0 : i32
        %dma_start3A_24 = tpu.memref_slice %arg7[%scan3A_23, %dma_start3A] : memref<80x128xi32, #tpu.memory_space<vmem>> -> memref<1x128xi32, #tpu.memory_space<vmem>>
        %dma_start3A_25 = tpu.memref_squeeze %dma_start3A_24 : memref<1x128xi32, #tpu.memory_space<vmem>> -> memref<128xi32, #tpu.memory_space<vmem>>
        %dma_start3A_26 = arith.constant 0 : i32
        %dma_start3A_27 = arith.constant 0 : i32
        %dma_start3A_28 = tpu.memref_slice %arg9[%dma_start3A_26, %dma_start3A_27] : memref<10240x128xf32, #tpu.memory_space<vmem_shared>> -> memref<10240x128xf32, #tpu.memory_space<vmem_shared>>
        tpu.enqueue_indirect_dma source(%arg8 : memref<128x128xf32, #tpu.memory_space<vmem>>) target(%dma_start3A_28 : memref<10240x128xf32, #tpu.memory_space<vmem_shared>>) offsets(%dma_start3A_25 : memref<128xi32, #tpu.memory_space<vmem>>) semaphore(%run_scoped3A : memref<!tpu.dma_semaphore, #tpu.memory_space<semaphore_mem>>) {add = true}
        %dma_wait3A = arith.constant 0 : i32
        %dma_wait3A_29 = tpu.memref_slice %arg7[%scan3A_23, %dma_wait3A] : memref<80x128xi32, #tpu.memory_space<vmem>> -> memref<1x128xi32, #tpu.memory_space<vmem>>
        %dma_wait3A_30 = tpu.memref_squeeze %dma_wait3A_29 : memref<1x128xi32, #tpu.memory_space<vmem>> -> memref<128xi32, #tpu.memory_space<vmem>>
        %dma_wait3A_31 = arith.constant 0 : i32
        %dma_wait3A_32 = arith.constant 0 : i32
        %dma_wait3A_33 = tpu.memref_slice %arg9[%dma_wait3A_31, %dma_wait3A_32] : memref<10240x128xf32, #tpu.memory_space<vmem_shared>> -> memref<10240x128xf32, #tpu.memory_space<vmem_shared>>
        tpu.wait_indirect_dma semaphore(%run_scoped3A : memref<!tpu.dma_semaphore, #tpu.memory_space<semaphore_mem>>) src(%arg8 : memref<128x128xf32, #tpu.memory_space<vmem>>) dst(%dma_wait3A_33 : memref<10240x128xf32, #tpu.memory_space<vmem_shared>>)
        tpu.yield
      }) : () -> ()
    }
    %scan3A_17 = arith.constant 80 : i32
    %barrier3A_18 = arith.constant 0 : index
    tpu.barrier barrier_id(%barrier3A_18)
    %mul3A_19 = arith.constant 640 : i32
    %mul3A_20 = arith.muli %arg1, %mul3A_19 : i32
    %mul3A_21 = arith.constant 640 : i32
    %mul3A_22 = arith.muli %arg1, %mul3A_21 : i32
    "tpu.region"() ({
      %run_scoped3A = tpu.sem_alloc : memref<!tpu.dma_semaphore, #tpu.memory_space<semaphore_mem>>
      %dma_start3A = arith.constant 0 : i32
      %dma_start3A_23 = tpu.memref_slice %arg5[%arg0, %mul3A_22, %dma_start3A] : memref<2x10240x128xf32, #tpu.memory_space<hbm>> -> memref<1x640x128xf32, #tpu.memory_space<hbm>>
      %dma_start3A_24 = tpu.memref_squeeze %dma_start3A_23 : memref<1x640x128xf32, #tpu.memory_space<hbm>> -> memref<640x128xf32, #tpu.memory_space<hbm>>
      %dma_start3A_25 = arith.constant 0 : i32
      %dma_start3A_26 = tpu.memref_slice %arg9[%mul3A_20, %dma_start3A_25] : memref<10240x128xf32, #tpu.memory_space<vmem_shared>> -> memref<640x128xf32, #tpu.memory_space<vmem_shared>>
      tpu.enqueue_dma source(%dma_start3A_26 : memref<640x128xf32, #tpu.memory_space<vmem_shared>>) target(%dma_start3A_24 : memref<640x128xf32, #tpu.memory_space<hbm>>) target_semaphore(%run_scoped3A : memref<!tpu.dma_semaphore, #tpu.memory_space<semaphore_mem>>)
      %dma_wait3A = arith.constant 0 : i32
      %dma_wait3A_27 = tpu.memref_slice %arg5[%arg0, %mul3A_22, %dma_wait3A] : memref<2x10240x128xf32, #tpu.memory_space<hbm>> -> memref<1x640x128xf32, #tpu.memory_space<hbm>>
      %dma_wait3A_28 = tpu.memref_squeeze %dma_wait3A_27 : memref<1x640x128xf32, #tpu.memory_space<hbm>> -> memref<640x128xf32, #tpu.memory_space<hbm>>
      %dma_wait3A_29 = arith.constant 0 : i32
      %dma_wait3A_30 = tpu.memref_slice %arg9[%mul3A_20, %dma_wait3A_29] : memref<10240x128xf32, #tpu.memory_space<vmem_shared>> -> memref<640x128xf32, #tpu.memory_space<vmem_shared>>
      tpu.wait_dma2 semaphore(%run_scoped3A : memref<!tpu.dma_semaphore, #tpu.memory_space<semaphore_mem>>) src(%dma_wait3A_30 : memref<640x128xf32, #tpu.memory_space<vmem_shared>>) dst(%dma_wait3A_28 : memref<640x128xf32, #tpu.memory_space<hbm>>)
      tpu.yield
    }) : () -> ()
    return
  }
}

module attributes {stable_mosaic.version = 14 : i64} {
  func.func @_mm0_body(%arg0: i32, %arg1: memref<256x1xf32, #tpu.memory_space<vmem>>, %arg2: memref<256x1xf32, #tpu.memory_space<vmem>>, %arg3: memref<256x128xf32, #tpu.memory_space<vmem>>, %arg4: memref<128x128xf32, #tpu.memory_space<vmem>>, %arg5: memref<256x1xf32, #tpu.memory_space<vmem>>, %arg6: memref<256x128xf32, #tpu.memory_space<vmem>>, %arg7: memref<256x128xf32, #tpu.memory_space<vmem>>) attributes {dimension_semantics = [#tpu.dimension_semantics<arbitrary>], iteration_bounds = array<i64: 40>, scalar_prefetch = 0 : i64, scratch_operands = 0 : i64, tpu.core_type = #tpu.core_type<tc>, window_params = [{transform_indices = @transform_0, window_bounds = array<i64: 256, 1>}, {transform_indices = @transform_1, window_bounds = array<i64: 256, 1>}, {transform_indices = @transform_2, window_bounds = array<i64: 256, 128>}, {pipeline_mode = #tpu.pipeline_mode<synchronous>, transform_indices = @transform_3, window_bounds = array<i64: 128, 128>}, {transform_indices = @transform_4, window_bounds = array<i64: 256, 1>}, {transform_indices = @transform_5, window_bounds = array<i64: 256, 128>}, {transform_indices = @transform_6, window_bounds = array<i64: 256, 128>}]} {
    %get3A = arith.constant 0 : index
    %get3A_0 = arith.constant 0 : index
    %get3A_1 = vector.load %arg1[%get3A, %get3A_0] : memref<256x1xf32, #tpu.memory_space<vmem>>, vector<256x1xf32>
    %get3A_2 = arith.constant 0 : index
    %get3A_3 = arith.constant 0 : index
    %get3A_4 = vector.load %arg2[%get3A_2, %get3A_3] : memref<256x1xf32, #tpu.memory_space<vmem>>, vector<256x1xf32>
    %add3A = arith.addf %get3A_1, %get3A_4 : vector<256x1xf32>
    %add3A_5 = arith.constant 1.000000e+00 : f32
    %add3A_6 = vector.broadcast %add3A_5 : f32 to vector<256x1xf32>
    %add3A_7 = arith.addf %add3A, %add3A_6 : vector<256x1xf32>
    %rsqrt3A = math.rsqrt %add3A_7 : vector<256x1xf32>
    %get3A_8 = arith.constant 0 : index
    %get3A_9 = arith.constant 0 : index
    %get3A_10 = vector.load %arg3[%get3A_8, %get3A_9] : memref<256x128xf32, #tpu.memory_space<vmem>>, vector<256x128xf32>
    %get3A_11 = arith.constant 0 : index
    %get3A_12 = arith.constant 0 : index
    %get3A_13 = vector.load %arg4[%get3A_11, %get3A_12] : memref<128x128xf32, #tpu.memory_space<vmem>>, vector<128x128xf32>
    %dot_general3A = arith.constant dense<0.000000e+00> : vector<256x128xf32>
    %dot_general3A_14 = tpu.matmul %get3A_10, %get3A_13, %dot_general3A {dimension_numbers = #tpu.dot_dimension_numbers<[1], [0], [0], [1], [0, 0, 1, 1], [], []>, transpose_lhs_hint = false} : vector<256x128xf32>, vector<128x128xf32>, vector<256x128xf32> -> vector<256x128xf32>
    %swap3A = arith.constant 0 : index
    %swap3A_15 = arith.constant 0 : index
    %swap3A_16 = vector.load %arg5[%swap3A, %swap3A_15] : memref<256x1xf32, #tpu.memory_space<vmem>>, vector<256x1xf32>
    tpu.vector_store %arg5[%swap3A, %swap3A_15], %rsqrt3A {strides = array<i32>} : memref<256x1xf32, #tpu.memory_space<vmem>>, vector<256x1xf32>,
    %swap3A_17 = arith.constant 0 : index
    %swap3A_18 = arith.constant 0 : index
    %swap3A_19 = vector.load %arg6[%swap3A_17, %swap3A_18] : memref<256x128xf32, #tpu.memory_space<vmem>>, vector<256x128xf32>
    tpu.vector_store %arg6[%swap3A_17, %swap3A_18], %dot_general3A_14 {strides = array<i32>} : memref<256x128xf32, #tpu.memory_space<vmem>>, vector<256x128xf32>,
    %mul3A = vector.broadcast %rsqrt3A : vector<256x1xf32> to vector<256x128xf32>
    %mul3A_20 = arith.mulf %mul3A, %dot_general3A_14 : vector<256x128xf32>
    %swap3A_21 = arith.constant 0 : index
    %swap3A_22 = arith.constant 0 : index
    %swap3A_23 = vector.load %arg7[%swap3A_21, %swap3A_22] : memref<256x128xf32, #tpu.memory_space<vmem>>, vector<256x128xf32>
    tpu.vector_store %arg7[%swap3A_21, %swap3A_22], %mul3A_20 {strides = array<i32>} : memref<256x128xf32, #tpu.memory_space<vmem>>, vector<256x128xf32>,
    return
  }
  func.func @transform_0(%arg0: i32) -> (i32, i32) {
    %c0_i32 = arith.constant 0 : i32
    %c0_i32_0 = arith.constant 0 : i32
    return %arg0, %c0_i32 : i32, i32
  }
  func.func @transform_1(%arg0: i32) -> (i32, i32) {
    %c0_i32 = arith.constant 0 : i32
    %c0_i32_0 = arith.constant 0 : i32
    return %arg0, %c0_i32 : i32, i32
  }
  func.func @transform_2(%arg0: i32) -> (i32, i32) {
    %c0_i32 = arith.constant 0 : i32
    %c0_i32_0 = arith.constant 0 : i32
    return %arg0, %c0_i32 : i32, i32
  }
  func.func @transform_3(%arg0: i32) -> (i32, i32) {
    %c0_i32 = arith.constant 0 : i32
    %c0_i32_0 = arith.constant 0 : i32
    %c0_i32_1 = arith.constant 0 : i32
    return %c0_i32, %c0_i32_0 : i32, i32
  }
  func.func @transform_4(%arg0: i32) -> (i32, i32) {
    %c0_i32 = arith.constant 0 : i32
    %c0_i32_0 = arith.constant 0 : i32
    return %arg0, %c0_i32 : i32, i32
  }
  func.func @transform_5(%arg0: i32) -> (i32, i32) {
    %c0_i32 = arith.constant 0 : i32
    %c0_i32_0 = arith.constant 0 : i32
    return %arg0, %c0_i32 : i32, i32
  }
  func.func @transform_6(%arg0: i32) -> (i32, i32) {
    %c0_i32 = arith.constant 0 : i32
    %c0_i32_0 = arith.constant 0 : i32
    return %arg0, %c0_i32 : i32, i32
  }
}

module attributes {stable_mosaic.version = 14 : i64} {
  func.func @_layer_body(%arg0: i32, %arg1: memref<2x256x128xf32, #tpu.memory_space<vmem>>, %arg2: memref<256x128xf32, #tpu.memory_space<vmem>>, %arg3: memref<256x1xf32, #tpu.memory_space<vmem>>, %arg4: memref<1x128xf32, #tpu.memory_space<vmem>>, %arg5: memref<128x128xf32, #tpu.memory_space<vmem>>, %arg6: memref<256x128xf32, #tpu.memory_space<vmem>>, %arg7: memref<256x128xf32, #tpu.memory_space<vmem>>, %arg8: memref<1x128xf32, #tpu.memory_space<vmem>>) attributes {dimension_semantics = [#tpu.dimension_semantics<arbitrary>], iteration_bounds = array<i64: 40>, scalar_prefetch = 0 : i64, scratch_operands = 0 : i64, tpu.core_type = #tpu.core_type<tc>, window_params = [{transform_indices = @transform_0, window_bounds = array<i64: 2, 256, 128>}, {transform_indices = @transform_1, window_bounds = array<i64: 256, 128>}, {transform_indices = @transform_2, window_bounds = array<i64: 256, 1>}, {pipeline_mode = #tpu.pipeline_mode<synchronous>, transform_indices = @transform_3, window_bounds = array<i64: 1, 128>}, {pipeline_mode = #tpu.pipeline_mode<synchronous>, transform_indices = @transform_4, window_bounds = array<i64: 128, 128>}, {transform_indices = @transform_5, window_bounds = array<i64: 256, 128>}, {transform_indices = @transform_6, window_bounds = array<i64: 256, 128>}, {pipeline_mode = #tpu.pipeline_mode<synchronous>, transform_indices = @transform_7, window_bounds = array<i64: 1, 128>}]} {
    %get3A = arith.constant 0 : index
    %get3A_0 = arith.constant 0 : index
    %get3A_1 = vector.load %arg3[%get3A, %get3A_0] : memref<256x1xf32, #tpu.memory_space<vmem>>, vector<256x1xf32>
    %get3A_2 = arith.constant 0 : index
    %get3A_3 = arith.constant 0 : index
    %get3A_4 = arith.constant 0 : index
    %get3A_5 = vector.load %arg1[%get3A_2, %get3A_3, %get3A_4] : memref<2x256x128xf32, #tpu.memory_space<vmem>>, vector<1x256x128xf32>
    %get3A_6 = vector.shape_cast %get3A_5 : vector<1x256x128xf32> to vector<256x128xf32>
    %get3A_7 = arith.constant 1 : index
    %get3A_8 = arith.constant 0 : index
    %get3A_9 = arith.constant 0 : index
    %get3A_10 = vector.load %arg1[%get3A_7, %get3A_8, %get3A_9] : memref<2x256x128xf32, #tpu.memory_space<vmem>>, vector<1x256x128xf32>
    %get3A_11 = vector.shape_cast %get3A_10 : vector<1x256x128xf32> to vector<256x128xf32>
    %add3A = arith.addf %get3A_6, %get3A_11 : vector<256x128xf32>
    %mul3A = vector.broadcast %get3A_1 : vector<256x1xf32> to vector<256x128xf32>
    %mul3A_12 = arith.mulf %mul3A, %add3A : vector<256x128xf32>
    %mul3A_13 = arith.mulf %get3A_1, %get3A_1 : vector<256x1xf32>
    %get3A_14 = arith.constant 0 : index
    %get3A_15 = arith.constant 0 : index
    %get3A_16 = vector.load %arg2[%get3A_14, %get3A_15] : memref<256x128xf32, #tpu.memory_space<vmem>>, vector<256x128xf32>
    %mul3A_17 = vector.broadcast %mul3A_13 : vector<256x1xf32> to vector<256x128xf32>
    %mul3A_18 = arith.mulf %mul3A_17, %get3A_16 : vector<256x128xf32>
    %add3A_19 = arith.addf %mul3A_12, %mul3A_18 : vector<256x128xf32>
    %get3A_20 = arith.constant 0 : index
    %get3A_21 = arith.constant 0 : index
    %get3A_22 = vector.load %arg4[%get3A_20, %get3A_21] : memref<1x128xf32, #tpu.memory_space<vmem>>, vector<1x128xf32>
    %add3A_23 = vector.broadcast %get3A_22 : vector<1x128xf32> to vector<256x128xf32>
    %add3A_24 = arith.addf %add3A_19, %add3A_23 : vector<256x128xf32>
    %iota3A = tpu.iota {dimensions = array<i32: 0>} : vector<256x1xi32>
    %mul3A_25 = arith.constant 256 : i32
    %mul3A_26 = arith.muli %arg0, %mul3A_25 : i32
    %add3A_27 = vector.broadcast %mul3A_26 : i32 to vector<256x1xi32>
    %add3A_28 = arith.addi %iota3A, %add3A_27 : vector<256x1xi32>
    %lt3A = arith.constant 10000 : i32
    %lt3A_29 = vector.broadcast %lt3A : i32 to vector<256x1xi32>
    %lt3A_30 = arith.cmpi slt, %add3A_28, %lt3A_29 : vector<256x1xi32>
    %jit3A = arith.constant 0.000000e+00 : f32
    %broadcast_in_dim3A = vector.shape_cast %lt3A_30 : vector<256x1xi1> to vector<256x1xi1>
    %broadcast_in_dim3A_31 = vector.broadcast %broadcast_in_dim3A : vector<256x1xi1> to vector<256x128xi1>
    %broadcast_in_dim3A_32 = vector.broadcast %jit3A : f32 to vector<256x128xf32>
    %select_n3A = arith.select %broadcast_in_dim3A_31, %add3A_24, %broadcast_in_dim3A_32 : vector<256x128xi1>, vector<256x128xf32>
    %eq3A = arith.constant 0 : i32
    %eq3A_33 = arith.cmpi eq, %arg0, %eq3A : i32
    %convert_element_type3A = arith.extui %eq3A_33 : i1 to i32
    %cond3A = arith.constant 0 : i32
    %cond3A_34 = arith.cmpi ne, %convert_element_type3A, %cond3A : i32
    scf.if %cond3A_34 {
      %broadcast_in_dim3A_58 = arith.constant 0.000000e+00 : f32
      %broadcast_in_dim3A_59 = vector.broadcast %broadcast_in_dim3A_58 : f32 to vector<1x128xf32>
      %swap3A_60 = arith.constant 0 : index
      %swap3A_61 = arith.constant 0 : index
      %swap3A_62 = vector.load %arg8[%swap3A_60, %swap3A_61] : memref<1x128xf32, #tpu.memory_space<vmem>>, vector<1x128xf32>
      tpu.vector_store %arg8[%swap3A_60, %swap3A_61], %broadcast_in_dim3A_59 {strides = array<i32>} : memref<1x128xf32, #tpu.memory_space<vmem>>, vector<1x128xf32>,
    } else {
    }
    %get3A_35 = arith.constant 0 : index
    %get3A_36 = arith.constant 0 : index
    %get3A_37 = vector.load %arg8[%get3A_35, %get3A_36] : memref<1x128xf32, #tpu.memory_space<vmem>>, vector<1x128xf32>
    %reduce_sum3A = arith.constant dense<0.000000e+00> : vector<128xf32>
    %reduce_sum3A_38 = vector.multi_reduction <add>, %select_n3A, %reduce_sum3A [0] : vector<256x128xf32> to vector<128xf32>
    %broadcast_in_dim3A_39 = vector.shape_cast %reduce_sum3A_38 : vector<128xf32> to vector<1x128xf32>
    %mul3A_40 = arith.constant 9.99999974E-5 : f32
    %mul3A_41 = vector.broadcast %mul3A_40 : f32 to vector<1x128xf32>
    %mul3A_42 = arith.mulf %broadcast_in_dim3A_39, %mul3A_41 : vector<1x128xf32>
    %add3A_43 = arith.addf %get3A_37, %mul3A_42 : vector<1x128xf32>
    %swap3A = arith.constant 0 : index
    %swap3A_44 = arith.constant 0 : index
    %swap3A_45 = vector.load %arg8[%swap3A, %swap3A_44] : memref<1x128xf32, #tpu.memory_space<vmem>>, vector<1x128xf32>
    tpu.vector_store %arg8[%swap3A, %swap3A_44], %add3A_43 {strides = array<i32>} : memref<1x128xf32, #tpu.memory_space<vmem>>, vector<1x128xf32>,
    %get3A_46 = arith.constant 0 : index
    %get3A_47 = arith.constant 0 : index
    %get3A_48 = vector.load %arg5[%get3A_46, %get3A_47] : memref<128x128xf32, #tpu.memory_space<vmem>>, vector<128x128xf32>
    %dot_general3A = arith.constant dense<0.000000e+00> : vector<256x128xf32>
    %dot_general3A_49 = tpu.matmul %add3A_24, %get3A_48, %dot_general3A {dimension_numbers = #tpu.dot_dimension_numbers<[1], [0], [0], [1], [0, 0, 1, 1], [], []>, transpose_lhs_hint = false} : vector<256x128xf32>, vector<128x128xf32>, vector<256x128xf32> -> vector<256x128xf32>
    %swap3A_50 = arith.constant 0 : index
    %swap3A_51 = arith.constant 0 : index
    %swap3A_52 = vector.load %arg6[%swap3A_50, %swap3A_51] : memref<256x128xf32, #tpu.memory_space<vmem>>, vector<256x128xf32>
    tpu.vector_store %arg6[%swap3A_50, %swap3A_51], %dot_general3A_49 {strides = array<i32>} : memref<256x128xf32, #tpu.memory_space<vmem>>, vector<256x128xf32>,
    %mul3A_53 = vector.broadcast %get3A_1 : vector<256x1xf32> to vector<256x128xf32>
    %mul3A_54 = arith.mulf %mul3A_53, %dot_general3A_49 : vector<256x128xf32>
    %swap3A_55 = arith.constant 0 : index
    %swap3A_56 = arith.constant 0 : index
    %swap3A_57 = vector.load %arg7[%swap3A_55, %swap3A_56] : memref<256x128xf32, #tpu.memory_space<vmem>>, vector<256x128xf32>
    tpu.vector_store %arg7[%swap3A_55, %swap3A_56], %mul3A_54 {strides = array<i32>} : memref<256x128xf32, #tpu.memory_space<vmem>>, vector<256x128xf32>,
    return
  }
  func.func @transform_0(%arg0: i32) -> (i32, i32, i32) {
    %c0_i32 = arith.constant 0 : i32
    %c0_i32_0 = arith.constant 0 : i32
    %c0_i32_1 = arith.constant 0 : i32
    return %c0_i32, %arg0, %c0_i32_0 : i32, i32, i32
  }
  func.func @transform_1(%arg0: i32) -> (i32, i32) {
    %c0_i32 = arith.constant 0 : i32
    %c0_i32_0 = arith.constant 0 : i32
    return %arg0, %c0_i32 : i32, i32
  }
  func.func @transform_2(%arg0: i32) -> (i32, i32) {
    %c0_i32 = arith.constant 0 : i32
    %c0_i32_0 = arith.constant 0 : i32
    return %arg0, %c0_i32 : i32, i32
  }
  func.func @transform_3(%arg0: i32) -> (i32, i32) {
    %c0_i32 = arith.constant 0 : i32
    %c0_i32_0 = arith.constant 0 : i32
    %c0_i32_1 = arith.constant 0 : i32
    return %c0_i32, %c0_i32_0 : i32, i32
  }
  func.func @transform_4(%arg0: i32) -> (i32, i32) {
    %c0_i32 = arith.constant 0 : i32
    %c0_i32_0 = arith.constant 0 : i32
    %c0_i32_1 = arith.constant 0 : i32
    return %c0_i32, %c0_i32_0 : i32, i32
  }
  func.func @transform_5(%arg0: i32) -> (i32, i32) {
    %c0_i32 = arith.constant 0 : i32
    %c0_i32_0 = arith.constant 0 : i32
    return %arg0, %c0_i32 : i32, i32
  }
  func.func @transform_6(%arg0: i32) -> (i32, i32) {
    %c0_i32 = arith.constant 0 : i32
    %c0_i32_0 = arith.constant 0 : i32
    return %arg0, %c0_i32 : i32, i32
  }
  func.func @transform_7(%arg0: i32) -> (i32, i32) {
    %c0_i32 = arith.constant 0 : i32
    %c0_i32_0 = arith.constant 0 : i32
    %c0_i32_1 = arith.constant 0 : i32
    return %c0_i32, %c0_i32_0 : i32, i32
  }
}

module attributes {stable_mosaic.version = 14 : i64} {
  func.func @_last_body(%arg0: i32, %arg1: memref<2x256x128xf32, #tpu.memory_space<vmem>>, %arg2: memref<256x128xf32, #tpu.memory_space<vmem>>, %arg3: memref<256x1xf32, #tpu.memory_space<vmem>>, %arg4: memref<1x128xf32, #tpu.memory_space<vmem>>, %arg5: memref<1x128xf32, #tpu.memory_space<vmem>>) attributes {dimension_semantics = [#tpu.dimension_semantics<arbitrary>], iteration_bounds = array<i64: 40>, scalar_prefetch = 0 : i64, scratch_operands = 0 : i64, tpu.core_type = #tpu.core_type<tc>, window_params = [{transform_indices = @transform_0, window_bounds = array<i64: 2, 256, 128>}, {transform_indices = @transform_1, window_bounds = array<i64: 256, 128>}, {transform_indices = @transform_2, window_bounds = array<i64: 256, 1>}, {pipeline_mode = #tpu.pipeline_mode<synchronous>, transform_indices = @transform_3, window_bounds = array<i64: 1, 128>}, {pipeline_mode = #tpu.pipeline_mode<synchronous>, transform_indices = @transform_4, window_bounds = array<i64: 1, 128>}]} {
    %get3A = arith.constant 0 : index
    %get3A_0 = arith.constant 0 : index
    %get3A_1 = vector.load %arg3[%get3A, %get3A_0] : memref<256x1xf32, #tpu.memory_space<vmem>>, vector<256x1xf32>
    %get3A_2 = arith.constant 0 : index
    %get3A_3 = arith.constant 0 : index
    %get3A_4 = arith.constant 0 : index
    %get3A_5 = vector.load %arg1[%get3A_2, %get3A_3, %get3A_4] : memref<2x256x128xf32, #tpu.memory_space<vmem>>, vector<1x256x128xf32>
    %get3A_6 = vector.shape_cast %get3A_5 : vector<1x256x128xf32> to vector<256x128xf32>
    %get3A_7 = arith.constant 1 : index
    %get3A_8 = arith.constant 0 : index
    %get3A_9 = arith.constant 0 : index
    %get3A_10 = vector.load %arg1[%get3A_7, %get3A_8, %get3A_9] : memref<2x256x128xf32, #tpu.memory_space<vmem>>, vector<1x256x128xf32>
    %get3A_11 = vector.shape_cast %get3A_10 : vector<1x256x128xf32> to vector<256x128xf32>
    %add3A = arith.addf %get3A_6, %get3A_11 : vector<256x128xf32>
    %mul3A = vector.broadcast %get3A_1 : vector<256x1xf32> to vector<256x128xf32>
    %mul3A_12 = arith.mulf %mul3A, %add3A : vector<256x128xf32>
    %mul3A_13 = arith.mulf %get3A_1, %get3A_1 : vector<256x1xf32>
    %get3A_14 = arith.constant 0 : index
    %get3A_15 = arith.constant 0 : index
    %get3A_16 = vector.load %arg2[%get3A_14, %get3A_15] : memref<256x128xf32, #tpu.memory_space<vmem>>, vector<256x128xf32>
    %mul3A_17 = vector.broadcast %mul3A_13 : vector<256x1xf32> to vector<256x128xf32>
    %mul3A_18 = arith.mulf %mul3A_17, %get3A_16 : vector<256x128xf32>
    %add3A_19 = arith.addf %mul3A_12, %mul3A_18 : vector<256x128xf32>
    %get3A_20 = arith.constant 0 : index
    %get3A_21 = arith.constant 0 : index
    %get3A_22 = vector.load %arg4[%get3A_20, %get3A_21] : memref<1x128xf32, #tpu.memory_space<vmem>>, vector<1x128xf32>
    %add3A_23 = vector.broadcast %get3A_22 : vector<1x128xf32> to vector<256x128xf32>
    %add3A_24 = arith.addf %add3A_19, %add3A_23 : vector<256x128xf32>
    %iota3A = tpu.iota {dimensions = array<i32: 0>} : vector<256x1xi32>
    %mul3A_25 = arith.constant 256 : i32
    %mul3A_26 = arith.muli %arg0, %mul3A_25 : i32
    %add3A_27 = vector.broadcast %mul3A_26 : i32 to vector<256x1xi32>
    %add3A_28 = arith.addi %iota3A, %add3A_27 : vector<256x1xi32>
    %lt3A = arith.constant 10000 : i32
    %lt3A_29 = vector.broadcast %lt3A : i32 to vector<256x1xi32>
    %lt3A_30 = arith.cmpi slt, %add3A_28, %lt3A_29 : vector<256x1xi32>
    %jit3A = arith.constant 0.000000e+00 : f32
    %broadcast_in_dim3A = vector.shape_cast %lt3A_30 : vector<256x1xi1> to vector<256x1xi1>
    %broadcast_in_dim3A_31 = vector.broadcast %broadcast_in_dim3A : vector<256x1xi1> to vector<256x128xi1>
    %broadcast_in_dim3A_32 = vector.broadcast %jit3A : f32 to vector<256x128xf32>
    %select_n3A = arith.select %broadcast_in_dim3A_31, %add3A_24, %broadcast_in_dim3A_32 : vector<256x128xi1>, vector<256x128xf32>
    %eq3A = arith.constant 0 : i32
    %eq3A_33 = arith.cmpi eq, %arg0, %eq3A : i32
    %convert_element_type3A = arith.extui %eq3A_33 : i1 to i32
    %cond3A = arith.constant 0 : i32
    %cond3A_34 = arith.cmpi ne, %convert_element_type3A, %cond3A : i32
    scf.if %cond3A_34 {
      %broadcast_in_dim3A_46 = arith.constant 0.000000e+00 : f32
      %broadcast_in_dim3A_47 = vector.broadcast %broadcast_in_dim3A_46 : f32 to vector<1x128xf32>
      %swap3A_48 = arith.constant 0 : index
      %swap3A_49 = arith.constant 0 : index
      %swap3A_50 = vector.load %arg5[%swap3A_48, %swap3A_49] : memref<1x128xf32, #tpu.memory_space<vmem>>, vector<1x128xf32>
      tpu.vector_store %arg5[%swap3A_48, %swap3A_49], %broadcast_in_dim3A_47 {strides = array<i32>} : memref<1x128xf32, #tpu.memory_space<vmem>>, vector<1x128xf32>,
    } else {
    }
    %get3A_35 = arith.constant 0 : index
    %get3A_36 = arith.constant 0 : index
    %get3A_37 = vector.load %arg5[%get3A_35, %get3A_36] : memref<1x128xf32, #tpu.memory_space<vmem>>, vector<1x128xf32>
    %reduce_sum3A = arith.constant dense<0.000000e+00> : vector<128xf32>
    %reduce_sum3A_38 = vector.multi_reduction <add>, %select_n3A, %reduce_sum3A [0] : vector<256x128xf32> to vector<128xf32>
    %broadcast_in_dim3A_39 = vector.shape_cast %reduce_sum3A_38 : vector<128xf32> to vector<1x128xf32>
    %mul3A_40 = arith.constant 9.99999974E-5 : f32
    %mul3A_41 = vector.broadcast %mul3A_40 : f32 to vector<1x128xf32>
    %mul3A_42 = arith.mulf %broadcast_in_dim3A_39, %mul3A_41 : vector<1x128xf32>
    %add3A_43 = arith.addf %get3A_37, %mul3A_42 : vector<1x128xf32>
    %swap3A = arith.constant 0 : index
    %swap3A_44 = arith.constant 0 : index
    %swap3A_45 = vector.load %arg5[%swap3A, %swap3A_44] : memref<1x128xf32, #tpu.memory_space<vmem>>, vector<1x128xf32>
    tpu.vector_store %arg5[%swap3A, %swap3A_44], %add3A_43 {strides = array<i32>} : memref<1x128xf32, #tpu.memory_space<vmem>>, vector<1x128xf32>,
    return
  }
  func.func @transform_0(%arg0: i32) -> (i32, i32, i32) {
    %c0_i32 = arith.constant 0 : i32
    %c0_i32_0 = arith.constant 0 : i32
    %c0_i32_1 = arith.constant 0 : i32
    return %c0_i32, %arg0, %c0_i32_0 : i32, i32, i32
  }
  func.func @transform_1(%arg0: i32) -> (i32, i32) {
    %c0_i32 = arith.constant 0 : i32
    %c0_i32_0 = arith.constant 0 : i32
    return %arg0, %c0_i32 : i32, i32
  }
  func.func @transform_2(%arg0: i32) -> (i32, i32) {
    %c0_i32 = arith.constant 0 : i32
    %c0_i32_0 = arith.constant 0 : i32
    return %arg0, %c0_i32 : i32, i32
  }
  func.func @transform_3(%arg0: i32) -> (i32, i32) {
    %c0_i32 = arith.constant 0 : i32
    %c0_i32_0 = arith.constant 0 : i32
    %c0_i32_1 = arith.constant 0 : i32
    return %c0_i32, %c0_i32_0 : i32, i32
  }
  func.func @transform_4(%arg0: i32) -> (i32, i32) {
    %c0_i32 = arith.constant 0 : i32
    %c0_i32_0 = arith.constant 0 : i32
    %c0_i32_1 = arith.constant 0 : i32
    return %c0_i32, %c0_i32_0 : i32, i32
  }
}

</mosaic_0001>

<sc_bundles>
// kernel: kernel.12.cloned.1.call-start
scs
__scs_entry_jumppad:
0x0: {  	(pc) =	sbr.rel $0x88, $3  }
0x1: {  	(tag) =	ssettag $0x0;
	lr =	simm.s32 $0x1  }
0x2: {  	[smem:$0x3F97] =	sst lr;
	_ =	strace $0xD0000000  }
0x3: {  	_ = 	snop  }
0x4: {  	_ = 	snop  }
0x5: {  	_ = 	snop  }
0x6: {  	_ = 	snop  }
0x7: {  	_ = 	snop  }
__scs_overlays_trampoline_lowered:
0x8: {  	[smem:$0x3FA6] =	sst s0  }
0x9: {  	[smem:$0x3FA7] =	sst s1  }
0xa: {  	[smem:$0x3FA8] =	sst s2  }
0xb: {  	[smem:$0x3FA9] =	sst s3  }
0xc: {  	[smem:$0x3FAA] =	sst s4  }
0xd: {  	[smem:$0x3FAB] =	sst s5  }
0xe: {  	[smem:$0x3FAC] =	sst s6  }
0xf: {  	[smem:$0x3FAD] =	sst s7  }
0x10: {  	[smem:$0x3FAE] =	sst s8  }
0x11: {  	[smem:$0x3FAF] =	sst s9;
	s0 =	simm.s32 @!p0 $0x0  }
0x12: {  	s1 =	sld [smem:$0x3F95];
	s0 =	simm.s32 @p0 $0x1  }
0x13: {  	[smem:$0x3FB0] =	sst s0;
	s0 =	simm.s32 @!p1 $0x0  }
0x14: {  	s2 =	sld [smem:$0x3F94];
	s0 =	simm.s32 @p1 $0x1  }
0x15: {  	[smem:$0x3FB1] =	sst s0;
	s0 =	simm.s32 @!p2 $0x0  }
0x16: {  	s3 =	sld [smem:$0x3FDB];
	s0 =	simm.s32 @p2 $0x1  }
0x17: {  	s4 =	simm.s32 $0x1BF5;
	[smem:$0x3FB3] =	sst s0  }
0x18: {  	s0 =	sld [smem:$0x3F96];
	_ =	swait.ge [sflag:s4], $0x0  }
0x19: {  	s7 =	sld [smem:$0x3F97]  }
0x1a: {  	s8 =	sadd.s32 $0xFFFFE003, lr  }
0x1b: {  	s9 =	sadd.s32 $0xFFFFFEF7, lr;
	s5 =	simm.s32 $0xFFFFFFFF;
	p2 =	slt.u32 s8, $0xFFFFF086  }
0x1c: {  	p1 =	slt.u32 s9, $0xF7A;
	s5 =	simm.s32 @!p2 $0x0  }
0x1d: {  	s5 =	simm.s32 @p1 $0x1;
	p0 =	seq.s32 s7, s2  }
0x1e: {  	s7 =	smul.u32 @!p0 $0xF7A, s2;
	p2 =	seq.s32 @!p0 s5, $0x0  }
0x1f: {  	s9 =	smul.u32 $0xF7A, s1;
	s8 =	simm.s32 @!p0 $0x1BF5;
	p2 =	por !p2, p0  }
0x20: {  	[sflag:s8] =	ssyncset.s32 @!p0 $0xFFFFF086;
	s6 =	sadd.s32 @!p0 s3, s7;
	s7 =	simm.s32 @!p0 $0x108  }
0x21: {  	s3 =	sadd.s32 s3, s9;
	s6 =	sadd.s32 @!p0 $0x88, s6;
	s7 =	simm.s32 @p2 $0x1082  }
0x22: {  	[simem:s7], [sflag:s8] =	dma.local @!p0 [hbm:s6], $0xF7A  }
0x23: {  	s9 =	sor.u32 $0xD0000000, s2;
	s6 =	simm.s32 $0x108;
	_ =	swait.ge @!p0 [sflag:s8], $0x0  }
0x24: {  	s3 =	sadd.s32 $0x88, s3;
	s6 =	simm.s32 @!p1 $0x1082;
	[sflag:s4] =	ssyncset.s32 $0xFFFFF086  }
0x25: {  	[simem:s6], [sflag:s4] =	dma.local [hbm:s3], $0xF7A  }
0x26: {  	[smem:$0x3F97] =	sst s1;
	(tag) =	ssettag s2;
	_ =	strace s9  }
0x27: {  	s1 =	sld [smem:$0x3FA7]  }
0x28: {  	s2 =	sld [smem:$0x3FA8]  }
0x29: {  	s4 =	sld [smem:$0x3FAA]  }
0x2a: {  	p0 =	seq.s32 s5, $0x0;
	s5 =	sld [smem:$0x3FAB]  }
0x2b: {  	s6 =	sld [smem:$0x3FAC]  }
0x2c: {  	s7 =	sld [smem:$0x3FAD]  }
0x2d: {  	s3 =	simm.s32 $0x108;
	s8 =	sld [smem:$0x3FAE]  }
0x2e: {  	s3 =	simm.s32 @!p0 $0x1082;
	s9 =	sld [smem:$0x3FAF]  }
0x2f: {  	lr =	sadd.s32 s0, s3;
	s0 =	sld [smem:$0x3FA6]  }
0x30: {  	s3 =	sld [smem:$0x3FA9]  }
0x31: {  	[smem:$0x3FB2] =	sst s10  }
0x32: {  	s10 =	sld [smem:$0x3FB0];
	_ =	sdelay $0x3  }
0x33: {  	p0 =	seq.s32 s10, $0x1;
	s10 =	sld [smem:$0x3FB2];
	_ =	sdelay $0x3  }
0x34: {  	[smem:$0x3FB2] =	sst s10  }
0x35: {  	s10 =	sld [smem:$0x3FB1];
	_ =	sdelay $0x3  }
0x36: {  	p1 =	seq.s32 s10, $0x1;
	s10 =	sld [smem:$0x3FB2];
	_ =	sdelay $0x3  }
0x37: {  	[smem:$0x3FB2] =	sst s10  }
0x38: {  	s10 =	sld [smem:$0x3FB3]  }
0x39: {  	_ = 	snop;
	(pc) =	sbr.ind lr, $3  }
0x3a: {  	_ = 	snop  }
0x3b: {  	_ = 	snop  }
0x3c: {  	p2 =	seq.s32 s10, $0x1;
	s10 =	sld [smem:$0x3FB2]  }
0x3d: {  	_ =	shalt  }
0x3e: {  	_ =	shalt  }
0x3f: {  	_ =	shalt  }
0x40: {  	_ =	shalt  }
0x41: {  	_ =	shalt  }
0x42: {  	_ =	shalt  }
0x43: {  	_ =	shalt  }
0x44: {  	_ =	shalt  }
0x45: {  	_ =	shalt  }
0x46: {  	_ =	shalt  }
0x47: {  	_ =	shalt  }
0x48: {  	_ =	shalt  }
0x49: {  	_ =	shalt  }
0x4a: {  	_ =	shalt  }
0x4b: {  	_ =	shalt  }
0x4c: {  	_ =	shalt  }
0x4d: {  	_ =	shalt  }
0x4e: {  	_ =	shalt  }
0x4f: {  	_ =	shalt  }
0x50: {  	_ =	shalt  }
0x51: {  	_ =	shalt  }
0x52: {  	_ =	shalt  }
0x53: {  	_ =	shalt  }
0x54: {  	_ =	shalt  }
0x55: {  	_ =	shalt  }
0x56: {  	_ =	shalt  }
0x57: {  	_ =	shalt  }
0x58: {  	_ =	shalt  }
0x59: {  	_ =	shalt  }
0x5a: {  	_ =	shalt  }
0x5b: {  	_ =	shalt  }
0x5c: {  	_ =	shalt  }
0x5d: {  	_ =	shalt  }
0x5e: {  	_ =	shalt  }
0x5f: {  	_ =	shalt  }
0x60: {  	_ =	shalt  }
0x61: {  	_ =	shalt  }
0x62: {  	_ =	shalt  }
0x63: {  	_ =	shalt  }
0x64: {  	_ =	shalt  }
0x65: {  	_ =	shalt  }
0x66: {  	_ =	shalt  }
0x67: {  	_ =	shalt  }
0x68: {  	_ =	shalt  }
0x69: {  	_ =	shalt  }
0x6a: {  	_ =	shalt  }
0x6b: {  	_ =	shalt  }
0x6c: {  	_ =	shalt  }
0x6d: {  	_ =	shalt  }
0x6e: {  	_ =	shalt  }
0x6f: {  	_ =	shalt  }
0x70: {  	_ =	shalt  }
0x71: {  	_ =	shalt  }
0x72: {  	_ =	shalt  }
0x73: {  	_ =	shalt  }
0x74: {  	_ =	shalt  }
0x75: {  	_ =	shalt  }
0x76: {  	_ =	shalt  }
0x77: {  	_ =	shalt  }
0x78: {  	_ =	shalt  }
0x79: {  	_ =	shalt  }
0x7a: {  	_ =	shalt  }
0x7b: {  	_ =	shalt  }
0x7c: {  	_ =	shalt  }
0x7d: {  	_ =	shalt  }
0x7e: {  	_ =	shalt  }
0x7f: {  	_ =	shalt  }
0x80: {  	_ =	shalt  }
0x81: {  	_ =	shalt  }
0x82: {  	_ =	shalt  }
0x83: {  	_ =	shalt  }
0x84: {  	_ =	shalt  }
0x85: {  	_ =	shalt  }
0x86: {  	_ =	shalt  }
0x87: {  	_ =	shalt  }
.Lfunc_end0:
.L_simem_size_0:
called_computation_lowered:
.L_overlay_start_0:
0x88: {  	s2 =	sld [smem:$0x3FD9]  }
0x89: {  	s3 =	sld [smem:$0x3FFE];
	_ =	sdelay $0x1  }
0x8a: {  	s1 =	srdreg.scid  }
0x8b: {  	s0 =	sand.u32 $0x1, s1  }
0x8c: {  	s16 =	sshll.u32 s0, $0xA;
	s2 =	sadd.s32 s3, s2  }
0x8d: {  	s2 =	sadd.s32 s2, s16  }
0x8e: {  	[smem:$0x3FBE] =	sst s2  }
0x8f: {  	_ = 	snop  }
0x90: {  	(tm) =	ssettm $0x1  }
0x91: {  	s17 =	sld [smem:$0x3FFB];
	_ =	sdelay $0x3  }
0x92: {  	_ =	strace s17  }
0x93: {  	s2 =	sld [smem:$0x3FFC];
	_ =	sdelay $0x3  }
0x94: {  	_ =	strace s2  }
0x95: {  	s2 =	sld [smem:$0x3FFD];
	_ =	sdelay $0x3  }
0x96: {  	_ =	strace s2  }
0x97: {  	_ =	strace $0x8FFFFFFF  }
0x98: {  	s18 =	sld [smem:$0x3FDB];
	_ =	sdelay $0x1  }
0x99: {  	s19 =	simm.s32 $_scs_section_size  }
0x9a: {  	s4 =	simm.s32 $_size__tile_overlayer_lowered;
	s5 =	simm.s32 $_tile_overlayer_lowered  }
0x9b: {  	s22 =	simm.s32 $0x1BFF;
	s21 =	sshll.u32 s5, $0x1;
	s2 =	sadd.s32 s19, s18  }
0x9c: {  	s6 =	simm.s32 $0x0;
	s20 =	sshll.u32 s4, $0x1;
	s4 =	sadd.s32 s21, s2  }
0x9d: {  	[timem:s6], [sflag:s22] =	dma.local [hbm:s4], s20  }
0x9e: {  	_ =	swait.ge [sflag:s22], s20  }
0x9f: {  	s3 =	ssub.s32 $0x0, s20;
	[sflag:s22] =	ssyncset.done $0x0  }
0xa0: {  	[sflag:s22] =	ssyncadd.s32 s3;
	_ =	sdelay $0x1  }
0xa1: {  	s23 =	simm.s32 $0x1B8B  }
0xa2: {  	_ =	swait.ge [sflag:s23], $0x1  }
0xa3: {  	[sflag:s23] =	ssyncset.done $0x0  }
0xa4: {  	s25 =	simm.s32 $0x1B8E;
	s24 =	sld [smem:$0x3FFE];
	[sflag:s23] =	ssyncadd.s32 $0xFFFFFFFF  }
0xa5: {  	s26 =	simm.s32 $execute0_lowered;
	[smem:$0x3FD2] =	sst s25  }
0xa6: {  	s4 =	sshll.u32 s26, $0x1;
	_ =	strace $0x80000046;
	[dreg:$0x1] =	wrdreg $0xFFFFFFFF  }
0xa7: {  	s28 =	simm.s32 $_size_execute0_lowered;
	s2 =	sadd.s32 s2, s4;
	[dreg:$0x0] =	wrdreg $0x0  }
0xa8: {  	s4 =	sshll.u32 s28, $0x1;
	[dreg:$0x2] =	wrdreg s2  }
0xa9: {  	[dreg:$0x3] =	wrdreg s4  }
0xaa: {  	[dreg:$0x4] =	wrdreg $0xC0  }
0xab: {  	_ =	task [dreg:s6], $0x5FFFF  }
0xac: {  	[dreg:$0x1] =	wrdreg $0xFFFFFFFF  }
0xad: {  	[dreg:$0x0] =	wrdreg $0x60  }
0xae: {  	[dreg:$0x2] =	wrdreg s24  }
0xaf: {  	[dreg:$0x3] =	wrdreg $0x68000  }
0xb0: {  	[dreg:$0x4] =	wrdreg $0x9  }
0xb1: {  	_ =	task.clear_ibuf [dreg:s6], $0x5FFFF;
	_ =	strace $0x90000046  }
0xb2: {  	s29 =	simm.s32 $0x9;
	_ =	strace $0x80000048  }
0xb3: {  	_ =	swait.ge [sflag:s29], $0x1  }
0xb4: {  	[sflag:s29] =	ssyncadd.s32 $0xFFFFFFFF  }
0xb5: {  	_ =	strace $0x90000048  }
0xb6: {  	_ =	sfence  }
0xb7: {  	s30 =	sld [smem:$0x0];
	_ =	sdelay $0x2  }
0xb8: {  	s31 =	sshll.u32 s1, $0xD;
	s1 =	sshrl.u32 s1, $0x2  }
0xb9: {  	s3 =	sand.u32 $0x4000, s31;
	s1 =	sadd.s32 s1, s30  }
0xba: {  	s0 =	sor.u32 s3, s0;
	s1 =	sshll.u32 s1, $0x11  }
0xbb: {  	s0 =	sor.u32 s1, s0  }
0xbc: {  	s0 =	sadd.s32 $0x8F2B, s0  }
0xbd: {  	[sflag:s0] =	ssyncadd.remote.s32 $0x1  }
0xbe: {  	_ =	sfence.sel $0xFFFF  }
0xbf: {  	[dreg:$0x0] =	wrdreg $0xFFFFFFFF;
	(pc) =	sbr.abs _section_cstart, $3  }
0xc0: {  	[dreg:$0x1] =	wrdreg $0xFFFFFFFF  }
0xc1: {  	_ =	task.clear_ibuf [dreg:s6], $0x2FFFF;
	_ =	strace $0x9FFFFFFF  }
0xc2: {  	(tm) =	ssettm $0x7FFFFFFF  }
0xc3: {  	_ =	shalt  }
tec
execute0_lowered:
.L_overlay_start_1:
0x0: {  	(tag) =	ssettag $0x1  }
0x1: {  	s4 =	rddreg [dreg:$0x0]  }
0x2: {  	s2 =	rddreg [dreg:$0x1]  }
0x3: {  	s1 =	srdreg.scid;
	s0 =	rddreg [dreg:$0x2]  }
0x4: {  	s3 =	simm.s32 $0x0;
	s12 =	simm.s32 $0x2800;
	s5 =	sand.u32 $0x1, s1  }
0x5: {  	s13 =	simm.s32 $0x1;
	s1 =	stileid.u32;
	s7 =	smul.u32 $0x140000, s5  }
0x6: {  	s14 =	simm.s32 $0x80;
	[smem:$0x7FF] =	sst s3;
	s8 =	smul.u32 $0x14000, s1  }
0x7: {  	s6 =	sshll.u32 s5, $0x4;
	_ =	strace $0x80000047;
	s30 =	smul.u32 $0x50000, s1  }
0x8: {  	s5 =	ssub.s32 $0x2, s5;
	s15 =	sshll.u32 s1, $0x6;
	s6 =	sor.u32 s1, s6  }
0x9: {  	s31 =	sshrl.u32 s5, $0x1;
	s6 =	smul.u32 $0x500, s6;
	s7 =	sadd.s32 s8, s7  }
0xa: {  	s15 =	sor.u32 $0x1C01, s15;
	s8 =	sshrl.u32 s30, $0x2;
	s7 =	sshrl.u32 s7, $0x3  }
0xb: {  	s9 =	ssub.s32 s5, s31;
	s6 =	sadd.s32 s6, s4;
	s7 =	sadd.s32 s7, s4  }
0xc: {  	s4 =	sadd.s32 s8, s2;
	s5 =	sadd.s32 $0x3800, s6;
	s6 =	sadd.s32 $0xD800, s7  }
0xd: {  	s7 =	smax.u32 s9, $0x1;
	s8 =	sadd.s32 $0x4000, s4;
	s9 =	sadd.s32 $0x8000, s4  }
0xe: {  	v0 =	vimm.f32 $0.0e+00;
	v1 =	vimm.f32 $1.000000000e+00;
	s10 =	sadd.s32 $0xC000, s4;
	s11 =	sadd.s32 $0x10000, s4;
	s16 =	sshrl.u32 s4, $0x3  }
.LBB2_1:
0xf: {  	s17 =	simm.s32 $0x0;
	s18 =	simm.s32 $0x200  }
.LBB2_2:
0x10: {  	p0 =	sne.s32 s18, $0xFE00;
	[tilespmem:s17+$0x2870] =	vst v0  }
0x11: {  	[tilespmem:s17+$0x2800] =	vst v0  }
0x12: {  	[tilespmem:s17+$0x2810] =	vst v0  }
.Ltmp0:
0x13: {  	[tilespmem:s17+$0x2820] =	vst v0;
	(pc) =	sbr.rel @p0 .LBB2_2-.Ltmp0, $4  }
0x14: {  	[tilespmem:s17+$0x2830] =	vst v0  }
0x15: {  	[tilespmem:s17+$0x2840] =	vst v0  }
0x16: {  	[tilespmem:s17+$0x2850] =	vst v0  }
0x17: {  	[tilespmem:s17+$0x2860] =	vst v0;
	s17 =	sshra.s32 s18, $0x2;
	s18 =	sadd.s32 $0x200, s18  }
0x18: {  	[tilespmem:s17+$0x2870] =	vst v0  }
0x19: {  	[tilespmem:s17+$0x2800] =	vst v0  }
0x1a: {  	[tilespmem:s17+$0x2810] =	vst v0  }
0x1b: {  	[tilespmem:s17+$0x2820] =	vst v0  }
0x1c: {  	[tilespmem:s17+$0x2830] =	vst v0  }
0x1d: {  	[tilespmem:s17+$0x2840] =	vst v0  }
0x1e: {  	[tilespmem:s17+$0x2850] =	vst v0  }
0x1f: {  	[tilespmem:s17+$0x2860] =	vst v0  }
0x20: {  	[spmem:s4] =	stream.linear.scatter [tilespmem:s12], [sflag:$0x1], $0x4000, $0x38;
	[tilespmem:$0x1A800] =	vst v63  }
0x21: {  	_ =	swait.ge [sflag:s13], $0x4000  }
0x22: {  	[sflag:s13] =	ssyncset.done $0x0  }
0x23: {  	[sflag:s13] =	ssyncadd.s32 $0xFFFFC000  }
0x24: {  	[spmem:s8] =	stream.linear.scatter [tilespmem:s12], [sflag:$0x1], $0x4000, $0x38;
	[tilespmem:$0x1A800] =	vst v63  }
0x25: {  	_ =	swait.ge [sflag:s13], $0x4000  }
0x26: {  	[sflag:s13] =	ssyncset.done $0x0  }
0x27: {  	[sflag:s13] =	ssyncadd.s32 $0xFFFFC000  }
0x28: {  	[spmem:s9] =	stream.linear.scatter [tilespmem:s12], [sflag:$0x1], $0x4000, $0x38;
	[tilespmem:$0x1A800] =	vst v63  }
0x29: {  	_ =	swait.ge [sflag:s13], $0x4000  }
0x2a: {  	[sflag:s13] =	ssyncset.done $0x0  }
0x2b: {  	[sflag:s13] =	ssyncadd.s32 $0xFFFFC000  }
0x2c: {  	[spmem:s10] =	stream.linear.scatter [tilespmem:s12], [sflag:$0x1], $0x4000, $0x38;
	[tilespmem:$0x1A800] =	vst v63  }
0x2d: {  	_ =	swait.ge [sflag:s13], $0x4000  }
0x2e: {  	[sflag:s13] =	ssyncset.done $0x0  }
0x2f: {  	[sflag:s13] =	ssyncadd.s32 $0xFFFFC000  }
0x30: {  	[spmem:s11] =	stream.linear.scatter [tilespmem:s12], [sflag:$0x1], $0x4000, $0x38;
	[tilespmem:$0x1A800] =	vst v63  }
0x31: {  	_ =	swait.ge [sflag:s13], $0x4000  }
0x32: {  	[sflag:s13] =	ssyncset.done $0x0  }
0x33: {  	s17 =	simm.s32 $0x0;
	s18 =	simm.s32 $0x200;
	[sflag:s13] =	ssyncadd.s32 $0xFFFFC000  }
.LBB2_4:
0x34: {  	p0 =	sne.s32 s18, $0xFE00;
	[tilespmem:s17+$0x2870] =	vst v1  }
0x35: {  	[tilespmem:s17+$0x2800] =	vst v1  }
0x36: {  	[tilespmem:s17+$0x2810] =	vst v1  }
.Ltmp1:
0x37: {  	[tilespmem:s17+$0x2820] =	vst v1;
	(pc) =	sbr.rel @p0 .LBB2_4-.Ltmp1, $4  }
0x38: {  	[tilespmem:s17+$0x2830] =	vst v1  }
0x39: {  	[tilespmem:s17+$0x2840] =	vst v1  }
0x3a: {  	[tilespmem:s17+$0x2850] =	vst v1  }
0x3b: {  	[tilespmem:s17+$0x2860] =	vst v1;
	s17 =	sshra.s32 s18, $0x2;
	s18 =	sadd.s32 $0x200, s18  }
0x3c: {  	[tilespmem:s17+$0x2870] =	vst v1  }
0x3d: {  	[tilespmem:s17+$0x2800] =	vst v1  }
0x3e: {  	[tilespmem:s17+$0x2810] =	vst v1  }
0x3f: {  	[tilespmem:s17+$0x2820] =	vst v1  }
0x40: {  	[tilespmem:s17+$0x2830] =	vst v1  }
0x41: {  	[tilespmem:s17+$0x2840] =	vst v1  }
0x42: {  	[tilespmem:s17+$0x2850] =	vst v1  }
0x43: {  	[tilespmem:s17+$0x2860] =	vst v1;
	s30 =	simm.s32 $0x0  }
0x44: {  	[tilespmem:s30], [sflag:$0x1] =	stream.linear.gather [hbm4b:s5+s30], $0x2800, $0x38;
	[tilespmem:$0x1A800] =	vst v63  }
0x45: {  	_ =	swait.ge [sflag:s13], $0x2800  }
0x46: {  	[sflag:s13] =	ssyncset.done $0x0  }
0x47: {  	[sflag:s13] =	ssyncadd.s32 $0xFFFFD800  }
0x48: {  	s31 =	simm.s32 $0x0;
	[bflag:$0x0] =	sbarrier.arrive $0xFFFF  }
0x49: {  	[spmem:s2] =	stream.indirect.scatter.add.f32 [tilespmem:s12], [sflag:$0x1], $0x80, s31, s14, $0xb8;
	[tilespmem:$0x1A800] =	vst v63  }
0x4a: {  	_ =	swait.ge [sflag:s13], $0x4000  }
0x4b: {  	s17 =	simm.s32 $0x200;
	[sflag:s13] =	ssyncset.done $0x0  }
.LBB2_6:
0x4c: {  	s18 =	sshra.s32 s17, $0x2;
	[sflag:s13] =	ssyncadd.s32 $0xFFFFC000;
	p0 =	sne.s32 s17, $0x9E00  }
0x4d: {  	[spmem:s2] =	stream.indirect.scatter.add.f32 [tilespmem:s12], [sflag:$0x1], $0x80, s18, s14, $0xb8;
	[tilespmem:$0x1A800] =	vst v63  }
.Ltmp2:
0x4e: {  	_ = 	snop;
	(pc) =	sbr.rel @p0 .LBB2_6-.Ltmp2, $4  }
0x4f: {  	_ = 	snop  }
0x50: {  	s17 =	sadd.s32 $0x200, s17  }
0x51: {  	_ =	swait.ge [sflag:s13], $0x4000  }
0x52: {  	[sflag:s13] =	ssyncset.done $0x0  }
0x53: {  	s3 =	sadd.s32 $0x1, s3  }
0x54: {  	[sflag:s13] =	ssyncadd.s32 $0xFFFFC000;
	p0 =	sne.s32 s3, s7  }
.Ltmp3:
0x55: {  	[bflag:$0x0] =	sbarrier.arrive $0xFFFF;
	(pc) =	sbr.rel @p0 .LBB2_1-.Ltmp3, $4  }
0x56: {  	[hbm:s6], [sflag:s15] =	dma.local [spmem:s16], $0x2800  }
0x57: {  	_ =	swait.ge [sflag:s13], $0x2800  }
0x58: {  	[sflag:s13] =	ssyncset.done $0x0  }
0x59: {  	[sflag:s13] =	ssyncadd.s32 $0xFFFFD800  }
0x5a: {  	_ =	sfence.sel $0x180000  }
0x5b: {  	[bflag:$0x0] =	sbarrier.arrive $0xFFFF  }
0x5c: {  	p0 =	sne.s32 s1, $0x0;
	_ =	strace $0x90000047  }
0x5d: {  	s0 =	sadd.s32 @!p0 $0x100000, s0;
	[bflag:$0x2] =	sbarrier.arrive $0xFFFF  }
0x5e: {  	[sflag:s0] =	ssyncadd.tile.s32 @!p0 $0x1;
	_ =	shalt  }
.Lfunc_end2:
_tile_overlayer_lowered:
.L_overlay_start_2:
0x5f: {  	(tag) =	ssettag $0x2  }
0x60: {  	s0 =	rddreg [dreg:$0x0];
	s2 =	stileid.u32  }
0x61: {  	s1 =	rddreg [dreg:$0x1];
	p0 =	sne.s32 s2, $0x0  }
0x62: {  	s3 =	rddreg [dreg:$0x2];
	[bflag:$0x3] =	sbarrier.arrive $0xFFFF;
	s2 =	simm.s32 @!p0 $0x1C01  }
0x63: {  	[timem:s3], [sflag:s2] =	dma.local @!p0 [hbm:s0], s1  }
0x64: {  	s0 =	simm.s32 @!p0 $0x1  }
0x65: {  	_ =	swait.ge @!p0 [sflag:s0], s1  }
0x66: {  	s1 =	ssub.s32 @!p0 $0x0, s1;
	[sflag:s0] =	ssyncset.done @!p0 $0x0  }
0x67: {  	[sflag:s0] =	ssyncadd.s32 @!p0 s1  }
0x68: {  	[bflag:$0x3] =	sbarrier.arrive $0xFFFF  }
0x69: {  	_ =	shalt  }

// kernel: kernel.15.cloned.1.call-start
scs
__scs_entry_jumppad:
0x0: {  	(pc) =	sbr.rel $0x88, $3  }
0x1: {  	(tag) =	ssettag $0x0;
	lr =	simm.s32 $0x1  }
0x2: {  	[smem:$0x3F97] =	sst lr;
	_ =	strace $0xD0000000  }
0x3: {  	_ = 	snop  }
0x4: {  	_ = 	snop  }
0x5: {  	_ = 	snop  }
0x6: {  	_ = 	snop  }
0x7: {  	_ = 	snop  }
__scs_overlays_trampoline_lowered:
0x8: {  	[smem:$0x3FA6] =	sst s0  }
0x9: {  	[smem:$0x3FA7] =	sst s1  }
0xa: {  	[smem:$0x3FA8] =	sst s2  }
0xb: {  	[smem:$0x3FA9] =	sst s3  }
0xc: {  	[smem:$0x3FAA] =	sst s4  }
0xd: {  	[smem:$0x3FAB] =	sst s5  }
0xe: {  	[smem:$0x3FAC] =	sst s6  }
0xf: {  	[smem:$0x3FAD] =	sst s7  }
0x10: {  	[smem:$0x3FAE] =	sst s8  }
0x11: {  	[smem:$0x3FAF] =	sst s9;
	s0 =	simm.s32 @!p0 $0x0  }
0x12: {  	s1 =	sld [smem:$0x3F95];
	s0 =	simm.s32 @p0 $0x1  }
0x13: {  	[smem:$0x3FB0] =	sst s0;
	s0 =	simm.s32 @!p1 $0x0  }
0x14: {  	s2 =	sld [smem:$0x3F94];
	s0 =	simm.s32 @p1 $0x1  }
0x15: {  	[smem:$0x3FB1] =	sst s0;
	s0 =	simm.s32 @!p2 $0x0  }
0x16: {  	s3 =	sld [smem:$0x3FDB];
	s0 =	simm.s32 @p2 $0x1  }
0x17: {  	s4 =	simm.s32 $0x1BF5;
	[smem:$0x3FB3] =	sst s0  }
0x18: {  	s0 =	sld [smem:$0x3F96];
	_ =	swait.ge [sflag:s4], $0x0  }
0x19: {  	s7 =	sld [smem:$0x3F97]  }
0x1a: {  	s8 =	sadd.s32 $0xFFFFE003, lr  }
0x1b: {  	s9 =	sadd.s32 $0xFFFFFEF7, lr;
	s5 =	simm.s32 $0xFFFFFFFF;
	p2 =	slt.u32 s8, $0xFFFFF086  }
0x1c: {  	p1 =	slt.u32 s9, $0xF7A;
	s5 =	simm.s32 @!p2 $0x0  }
0x1d: {  	s5 =	simm.s32 @p1 $0x1;
	p0 =	seq.s32 s7, s2  }
0x1e: {  	s7 =	smul.u32 @!p0 $0xF7A, s2;
	p2 =	seq.s32 @!p0 s5, $0x0  }
0x1f: {  	s9 =	smul.u32 $0xF7A, s1;
	s8 =	simm.s32 @!p0 $0x1BF5;
	p2 =	por !p2, p0  }
0x20: {  	[sflag:s8] =	ssyncset.s32 @!p0 $0xFFFFF086;
	s6 =	sadd.s32 @!p0 s3, s7;
	s7 =	simm.s32 @!p0 $0x108  }
0x21: {  	s3 =	sadd.s32 s3, s9;
	s6 =	sadd.s32 @!p0 $0x88, s6;
	s7 =	simm.s32 @p2 $0x1082  }
0x22: {  	[simem:s7], [sflag:s8] =	dma.local @!p0 [hbm:s6], $0xF7A  }
0x23: {  	s9 =	sor.u32 $0xD0000000, s2;
	s6 =	simm.s32 $0x108;
	_ =	swait.ge @!p0 [sflag:s8], $0x0  }
0x24: {  	s3 =	sadd.s32 $0x88, s3;
	s6 =	simm.s32 @!p1 $0x1082;
	[sflag:s4] =	ssyncset.s32 $0xFFFFF086  }
0x25: {  	[simem:s6], [sflag:s4] =	dma.local [hbm:s3], $0xF7A  }
0x26: {  	[smem:$0x3F97] =	sst s1;
	(tag) =	ssettag s2;
	_ =	strace s9  }
0x27: {  	s1 =	sld [smem:$0x3FA7]  }
0x28: {  	s2 =	sld [smem:$0x3FA8]  }
0x29: {  	s4 =	sld [smem:$0x3FAA]  }
0x2a: {  	p0 =	seq.s32 s5, $0x0;
	s5 =	sld [smem:$0x3FAB]  }
0x2b: {  	s6 =	sld [smem:$0x3FAC]  }
0x2c: {  	s7 =	sld [smem:$0x3FAD]  }
0x2d: {  	s3 =	simm.s32 $0x108;
	s8 =	sld [smem:$0x3FAE]  }
0x2e: {  	s3 =	simm.s32 @!p0 $0x1082;
	s9 =	sld [smem:$0x3FAF]  }
0x2f: {  	lr =	sadd.s32 s0, s3;
	s0 =	sld [smem:$0x3FA6]  }
0x30: {  	s3 =	sld [smem:$0x3FA9]  }
0x31: {  	[smem:$0x3FB2] =	sst s10  }
0x32: {  	s10 =	sld [smem:$0x3FB0];
	_ =	sdelay $0x3  }
0x33: {  	p0 =	seq.s32 s10, $0x1;
	s10 =	sld [smem:$0x3FB2];
	_ =	sdelay $0x3  }
0x34: {  	[smem:$0x3FB2] =	sst s10  }
0x35: {  	s10 =	sld [smem:$0x3FB1];
	_ =	sdelay $0x3  }
0x36: {  	p1 =	seq.s32 s10, $0x1;
	s10 =	sld [smem:$0x3FB2];
	_ =	sdelay $0x3  }
0x37: {  	[smem:$0x3FB2] =	sst s10  }
0x38: {  	s10 =	sld [smem:$0x3FB3]  }
0x39: {  	_ = 	snop;
	(pc) =	sbr.ind lr, $3  }
0x3a: {  	_ = 	snop  }
0x3b: {  	_ = 	snop  }
0x3c: {  	p2 =	seq.s32 s10, $0x1;
	s10 =	sld [smem:$0x3FB2]  }
0x3d: {  	_ =	shalt  }
0x3e: {  	_ =	shalt  }
0x3f: {  	_ =	shalt  }
0x40: {  	_ =	shalt  }
0x41: {  	_ =	shalt  }
0x42: {  	_ =	shalt  }
0x43: {  	_ =	shalt  }
0x44: {  	_ =	shalt  }
0x45: {  	_ =	shalt  }
0x46: {  	_ =	shalt  }
0x47: {  	_ =	shalt  }
0x48: {  	_ =	shalt  }
0x49: {  	_ =	shalt  }
0x4a: {  	_ =	shalt  }
0x4b: {  	_ =	shalt  }
0x4c: {  	_ =	shalt  }
0x4d: {  	_ =	shalt  }
0x4e: {  	_ =	shalt  }
0x4f: {  	_ =	shalt  }
0x50: {  	_ =	shalt  }
0x51: {  	_ =	shalt  }
0x52: {  	_ =	shalt  }
0x53: {  	_ =	shalt  }
0x54: {  	_ =	shalt  }
0x55: {  	_ =	shalt  }
0x56: {  	_ =	shalt  }
0x57: {  	_ =	shalt  }
0x58: {  	_ =	shalt  }
0x59: {  	_ =	shalt  }
0x5a: {  	_ =	shalt  }
0x5b: {  	_ =	shalt  }
0x5c: {  	_ =	shalt  }
0x5d: {  	_ =	shalt  }
0x5e: {  	_ =	shalt  }
0x5f: {  	_ =	shalt  }
0x60: {  	_ =	shalt  }
0x61: {  	_ =	shalt  }
0x62: {  	_ =	shalt  }
0x63: {  	_ =	shalt  }
0x64: {  	_ =	shalt  }
0x65: {  	_ =	shalt  }
0x66: {  	_ =	shalt  }
0x67: {  	_ =	shalt  }
0x68: {  	_ =	shalt  }
0x69: {  	_ =	shalt  }
0x6a: {  	_ =	shalt  }
0x6b: {  	_ =	shalt  }
0x6c: {  	_ =	shalt  }
0x6d: {  	_ =	shalt  }
0x6e: {  	_ =	shalt  }
0x6f: {  	_ =	shalt  }
0x70: {  	_ =	shalt  }
0x71: {  	_ =	shalt  }
0x72: {  	_ =	shalt  }
0x73: {  	_ =	shalt  }
0x74: {  	_ =	shalt  }
0x75: {  	_ =	shalt  }
0x76: {  	_ =	shalt  }
0x77: {  	_ =	shalt  }
0x78: {  	_ =	shalt  }
0x79: {  	_ =	shalt  }
0x7a: {  	_ =	shalt  }
0x7b: {  	_ =	shalt  }
0x7c: {  	_ =	shalt  }
0x7d: {  	_ =	shalt  }
0x7e: {  	_ =	shalt  }
0x7f: {  	_ =	shalt  }
0x80: {  	_ =	shalt  }
0x81: {  	_ =	shalt  }
0x82: {  	_ =	shalt  }
0x83: {  	_ =	shalt  }
0x84: {  	_ =	shalt  }
0x85: {  	_ =	shalt  }
0x86: {  	_ =	shalt  }
0x87: {  	_ =	shalt  }
.Lfunc_end0:
.L_simem_size_0:
called_computation.1_lowered:
.L_overlay_start_0:
0x88: {  	s2 =	sld [smem:$0x3FD9]  }
0x89: {  	s3 =	sld [smem:$0x3FFE];
	_ =	sdelay $0x1  }
0x8a: {  	s1 =	srdreg.scid  }
0x8b: {  	s0 =	sand.u32 $0x1, s1  }
0x8c: {  	s16 =	sshll.u32 s0, $0xA;
	s2 =	sadd.s32 s3, s2  }
0x8d: {  	s2 =	sadd.s32 s2, s16  }
0x8e: {  	[smem:$0x3FBE] =	sst s2  }
0x8f: {  	_ = 	snop  }
0x90: {  	(tm) =	ssettm $0x1  }
0x91: {  	s17 =	sld [smem:$0x3FFB];
	_ =	sdelay $0x3  }
0x92: {  	_ =	strace s17  }
0x93: {  	s2 =	sld [smem:$0x3FFC];
	_ =	sdelay $0x3  }
0x94: {  	_ =	strace s2  }
0x95: {  	s2 =	sld [smem:$0x3FFD];
	_ =	sdelay $0x3  }
0x96: {  	_ =	strace s2  }
0x97: {  	_ =	strace $0x8FFFFFFF  }
0x98: {  	s18 =	sld [smem:$0x3FDB];
	_ =	sdelay $0x1  }
0x99: {  	s19 =	simm.s32 $_scs_section_size  }
0x9a: {  	s4 =	simm.s32 $_size__tile_overlayer_lowered;
	s5 =	simm.s32 $_tile_overlayer_lowered  }
0x9b: {  	s22 =	simm.s32 $0x1BFF;
	s21 =	sshll.u32 s5, $0x1;
	s2 =	sadd.s32 s19, s18  }
0x9c: {  	s6 =	simm.s32 $0x0;
	s20 =	sshll.u32 s4, $0x1;
	s4 =	sadd.s32 s21, s2  }
0x9d: {  	[timem:s6], [sflag:s22] =	dma.local [hbm:s4], s20  }
0x9e: {  	_ =	swait.ge [sflag:s22], s20  }
0x9f: {  	s3 =	ssub.s32 $0x0, s20;
	[sflag:s22] =	ssyncset.done $0x0  }
0xa0: {  	[sflag:s22] =	ssyncadd.s32 s3;
	_ =	sdelay $0x1  }
0xa1: {  	s23 =	simm.s32 $0x1B8B  }
0xa2: {  	_ =	swait.ge [sflag:s23], $0x1  }
0xa3: {  	[sflag:s23] =	ssyncset.done $0x0  }
0xa4: {  	s25 =	simm.s32 $0x1B8E;
	s24 =	sld [smem:$0x3FFE];
	[sflag:s23] =	ssyncadd.s32 $0xFFFFFFFF  }
0xa5: {  	s26 =	simm.s32 $execute0_lowered;
	[smem:$0x3FD2] =	sst s25  }
0xa6: {  	s4 =	sshll.u32 s26, $0x1;
	_ =	strace $0x80000049;
	[dreg:$0x1] =	wrdreg $0xFFFFFFFF  }
0xa7: {  	s28 =	simm.s32 $_size_execute0_lowered;
	s2 =	sadd.s32 s2, s4;
	[dreg:$0x0] =	wrdreg $0x0  }
0xa8: {  	s4 =	sshll.u32 s28, $0x1;
	[dreg:$0x2] =	wrdreg s2  }
0xa9: {  	[dreg:$0x3] =	wrdreg s4  }
0xaa: {  	[dreg:$0x4] =	wrdreg $0xC0  }
0xab: {  	_ =	task [dreg:s6], $0x5FFFF  }
0xac: {  	[dreg:$0x1] =	wrdreg $0xFFFFFFFF  }
0xad: {  	[dreg:$0x0] =	wrdreg $0x60  }
0xae: {  	[dreg:$0x2] =	wrdreg s24  }
0xaf: {  	[dreg:$0x3] =	wrdreg $0x90000  }
0xb0: {  	[dreg:$0x4] =	wrdreg $0x9  }
0xb1: {  	_ =	task.clear_ibuf [dreg:s6], $0x5FFFF;
	_ =	strace $0x90000049  }
0xb2: {  	s29 =	simm.s32 $0x9;
	_ =	strace $0x8000004B  }
0xb3: {  	_ =	swait.ge [sflag:s29], $0x1  }
0xb4: {  	[sflag:s29] =	ssyncadd.s32 $0xFFFFFFFF  }
0xb5: {  	_ =	strace $0x9000004B  }
0xb6: {  	_ =	sfence  }
0xb7: {  	s30 =	sld [smem:$0x0];
	_ =	sdelay $0x2  }
0xb8: {  	s31 =	sshll.u32 s1, $0xD;
	s1 =	sshrl.u32 s1, $0x2  }
0xb9: {  	s3 =	sand.u32 $0x4000, s31;
	s1 =	sadd.s32 s1, s30  }
0xba: {  	s0 =	sor.u32 s3, s0;
	s1 =	sshll.u32 s1, $0x11  }
0xbb: {  	s0 =	sor.u32 s1, s0  }
0xbc: {  	s0 =	sadd.s32 $0x8F2B, s0  }
0xbd: {  	[sflag:s0] =	ssyncadd.remote.s32 $0x1  }
0xbe: {  	_ =	sfence.sel $0xFFFF  }
0xbf: {  	[dreg:$0x0] =	wrdreg $0xFFFFFFFF;
	(pc) =	sbr.abs _section_cstart, $3  }
0xc0: {  	[dreg:$0x1] =	wrdreg $0xFFFFFFFF  }
0xc1: {  	_ =	task.clear_ibuf [dreg:s6], $0x2FFFF;
	_ =	strace $0x9FFFFFFF  }
0xc2: {  	(tm) =	ssettm $0x7FFFFFFF  }
0xc3: {  	_ =	shalt  }
tec
execute0_lowered:
.L_overlay_start_1:
0x0: {  	(tag) =	ssettag $0x1  }
0x1: {  	s6 =	rddreg [dreg:$0x0]  }
0x2: {  	s0 =	srdreg.scid;
	s2 =	rddreg [dreg:$0x1];
	s3 =	simm.s32 $0x0  }
0x3: {  	s14 =	simm.s32 $0x5000;
	s15 =	simm.s32 $0x1;
	s5 =	sand.u32 $0x1, s0  }
0x4: {  	s16 =	simm.s32 $0x2800;
	s0 =	stileid.u32;
	s8 =	smul.u32 $0x140000, s5  }
0x5: {  	s17 =	simm.s32 $0x80;
	[smem:$0x7FF] =	sst s3;
	s9 =	smul.u32 $0x14000, s0  }
0x6: {  	s4 =	sadd.s32 $0xD800, s6;
	s1 =	sshll.u32 s5, $0x4;
	s10 =	smul.u32 $0x50000, s0  }
0x7: {  	s5 =	ssub.s32 $0x2, s5;
	s18 =	sshll.u32 s0, $0x6;
	s1 =	sor.u32 s0, s1  }
0x8: {  	s31 =	sshrl.u32 s5, $0x1;
	s18 =	sor.u32 $0x1C01, s18;
	s7 =	smul.u32 $0x500, s1  }
0x9: {  	s1 =	rddreg [dreg:$0x2];
	_ =	strace $0x8000004A;
	s8 =	sadd.s32 s9, s8  }
0xa: {  	s10 =	sshrl.u32 s10, $0x2;
	s9 =	ssub.s32 s5, s31;
	s8 =	sshrl.u32 s8, $0x3  }
0xb: {  	s5 =	sadd.s32 s10, s2;
	s9 =	smax.u32 s9, $0x1;
	s7 =	sadd.s32 s7, s6  }
0xc: {  	s8 =	sadd.s32 s8, s6;
	s10 =	sadd.s32 $0x4000, s5;
	s11 =	sadd.s32 $0x8000, s5  }
0xd: {  	s12 =	sadd.s32 $0xC000, s5;
	s13 =	sadd.s32 $0x10000, s5;
	s19 =	sshrl.u32 s5, $0x3  }
0xe: {  	v0 =	vimm.f32 $0.0e+00;
	s6 =	sadd.s32 $0x5D800, s7;
	s7 =	sadd.s32 $0x3800, s7;
	s8 =	sadd.s32 $0x67800, s8  }
.LBB2_1:
0xf: {  	s20 =	simm.s32 $0x0;
	s21 =	simm.s32 $0x200  }
.LBB2_2:
0x10: {  	p0 =	sne.s32 s21, $0xFE00;
	[tilespmem:s20+$0x5070] =	vst v0  }
0x11: {  	[tilespmem:s20+$0x5000] =	vst v0  }
0x12: {  	[tilespmem:s20+$0x5010] =	vst v0  }
.Ltmp0:
0x13: {  	[tilespmem:s20+$0x5020] =	vst v0;
	(pc) =	sbr.rel @p0 .LBB2_2-.Ltmp0, $4  }
0x14: {  	[tilespmem:s20+$0x5030] =	vst v0  }
0x15: {  	[tilespmem:s20+$0x5040] =	vst v0  }
0x16: {  	[tilespmem:s20+$0x5050] =	vst v0  }
0x17: {  	[tilespmem:s20+$0x5060] =	vst v0;
	s20 =	sshra.s32 s21, $0x2;
	s21 =	sadd.s32 $0x200, s21  }
0x18: {  	[tilespmem:s20+$0x5070] =	vst v0  }
0x19: {  	[tilespmem:s20+$0x5000] =	vst v0  }
0x1a: {  	[tilespmem:s20+$0x5010] =	vst v0  }
0x1b: {  	[tilespmem:s20+$0x5020] =	vst v0  }
0x1c: {  	[tilespmem:s20+$0x5030] =	vst v0  }
0x1d: {  	[tilespmem:s20+$0x5040] =	vst v0  }
0x1e: {  	[tilespmem:s20+$0x5050] =	vst v0  }
0x1f: {  	[tilespmem:s20+$0x5060] =	vst v0  }
0x20: {  	[spmem:s5] =	stream.linear.scatter [tilespmem:s14], [sflag:$0x1], $0x4000, $0x38;
	[tilespmem:$0x1D000] =	vst v63  }
0x21: {  	_ =	swait.ge [sflag:s15], $0x4000  }
0x22: {  	[sflag:s15] =	ssyncset.done $0x0  }
0x23: {  	[sflag:s15] =	ssyncadd.s32 $0xFFFFC000  }
0x24: {  	[spmem:s10] =	stream.linear.scatter [tilespmem:s14], [sflag:$0x1], $0x4000, $0x38;
	[tilespmem:$0x1D000] =	vst v63  }
0x25: {  	_ =	swait.ge [sflag:s15], $0x4000  }
0x26: {  	[sflag:s15] =	ssyncset.done $0x0  }
0x27: {  	[sflag:s15] =	ssyncadd.s32 $0xFFFFC000  }
0x28: {  	[spmem:s11] =	stream.linear.scatter [tilespmem:s14], [sflag:$0x1], $0x4000, $0x38;
	[tilespmem:$0x1D000] =	vst v63  }
0x29: {  	_ =	swait.ge [sflag:s15], $0x4000  }
0x2a: {  	[sflag:s15] =	ssyncset.done $0x0  }
0x2b: {  	[sflag:s15] =	ssyncadd.s32 $0xFFFFC000  }
0x2c: {  	[spmem:s12] =	stream.linear.scatter [tilespmem:s14], [sflag:$0x1], $0x4000, $0x38;
	[tilespmem:$0x1D000] =	vst v63  }
0x2d: {  	_ =	swait.ge [sflag:s15], $0x4000  }
0x2e: {  	[sflag:s15] =	ssyncset.done $0x0  }
0x2f: {  	[sflag:s15] =	ssyncadd.s32 $0xFFFFC000  }
0x30: {  	[spmem:s13] =	stream.linear.scatter [tilespmem:s14], [sflag:$0x1], $0x4000, $0x38;
	[tilespmem:$0x1D000] =	vst v63  }
0x31: {  	_ =	swait.ge [sflag:s15], $0x4000  }
0x32: {  	[sflag:s15] =	ssyncset.done $0x0  }
0x33: {  	s29 =	simm.s32 $0x0;
	[sflag:s15] =	ssyncadd.s32 $0xFFFFC000  }
0x34: {  	[tilespmem:s29], [sflag:$0x1] =	stream.linear.gather [hbm4b:s6+s29], $0x2800, $0x38;
	[tilespmem:$0x1D000] =	vst v63  }
0x35: {  	_ =	swait.ge [sflag:s15], $0x2800  }
0x36: {  	[sflag:s15] =	ssyncset.done $0x0  }
0x37: {  	[sflag:s15] =	ssyncadd.s32 $0xFFFFD800  }
0x38: {  	[tilespmem:s16], [sflag:$0x1] =	stream.linear.gather [hbm4b:s7+s29], $0x2800, $0x38;
	[tilespmem:$0x1D000] =	vst v63  }
0x39: {  	_ =	swait.ge [sflag:s15], $0x2800  }
0x3a: {  	[sflag:s15] =	ssyncset.done $0x0  }
0x3b: {  	[sflag:s15] =	ssyncadd.s32 $0xFFFFD800  }
0x3c: {  	s30 =	simm.s32 $0x0;
	[bflag:$0x0] =	sbarrier.arrive $0xFFFF  }
0x3d: {  	[tilespmem:s14], [sflag:$0x1] =	stream.indirect.gather [hbm4b:s4+s17], $0x80, s30, s17, $0xb8;
	[tilespmem:$0x1D000] =	vst v63  }
0x3e: {  	_ =	swait.ge [sflag:s15], $0x4000  }
0x3f: {  	[sflag:s15] =	ssyncset.done $0x0  }
0x40: {  	s31 =	simm.s32 $0x2800;
	[sflag:s15] =	ssyncadd.s32 $0xFFFFC000  }
0x41: {  	[spmem:s2] =	stream.indirect.scatter.add.f32 [tilespmem:s14], [sflag:$0x1], $0x80, s31, s17, $0xb8;
	[tilespmem:$0x1D000] =	vst v63  }
0x42: {  	_ =	swait.ge [sflag:s15], $0x4000  }
0x43: {  	s20 =	simm.s32 $0x200;
	s21 =	simm.s32 $0x400;
	[sflag:s15] =	ssyncset.done $0x0  }
.LBB2_4:
0x44: {  	s22 =	sshra.s32 s20, $0x2  }
0x45: {  	[sflag:s15] =	ssyncadd.s32 $0xFFFFC000;
	s20 =	smov.u32 s21;
	s23 =	sadd.s32 $0x200, s21  }
0x46: {  	[tilespmem:s14], [sflag:$0x1] =	stream.indirect.gather [hbm4b:s4+s17], $0x80, s22, s17, $0xb8;
	[tilespmem:$0x1D000] =	vst v63  }
0x47: {  	p0 =	sne.s32 s21, $0x9E00;
	_ =	swait.ge [sflag:s15], $0x4000  }
.Ltmp1:
0x48: {  	[sflag:s15] =	ssyncset.done $0x0;
	(pc) =	sbr.rel @p0 .LBB2_4-.Ltmp1, $4  }
0x49: {  	s21 =	sadd.s32 $0x2800, s22;
	[sflag:s15] =	ssyncadd.s32 $0xFFFFC000  }
0x4a: {  	[spmem:s2] =	stream.indirect.scatter.add.f32 [tilespmem:s14], [sflag:$0x1], $0x80, s21, s17, $0xb8;
	[tilespmem:$0x1D000] =	vst v63  }
0x4b: {  	_ =	swait.ge [sflag:s15], $0x4000  }
0x4c: {  	s21 =	smov.u32 s23;
	[sflag:s15] =	ssyncset.done $0x0  }
0x4d: {  	s20 =	sshra.s32 s20, $0x2;
	[sflag:s15] =	ssyncadd.s32 $0xFFFFC000  }
0x4e: {  	[tilespmem:s14], [sflag:$0x1] =	stream.indirect.gather [hbm4b:s4+s17], $0x80, s20, s17, $0xb8;
	[tilespmem:$0x1D000] =	vst v63  }
0x4f: {  	_ =	swait.ge [sflag:s15], $0x4000  }
0x50: {  	[sflag:s15] =	ssyncset.done $0x0  }
0x51: {  	s20 =	sadd.s32 $0x2800, s20;
	[sflag:s15] =	ssyncadd.s32 $0xFFFFC000  }
0x52: {  	[spmem:s2] =	stream.indirect.scatter.add.f32 [tilespmem:s14], [sflag:$0x1], $0x80, s20, s17, $0xb8;
	[tilespmem:$0x1D000] =	vst v63  }
0x53: {  	_ =	swait.ge [sflag:s15], $0x4000  }
0x54: {  	s3 =	sadd.s32 $0x1, s3;
	[sflag:s15] =	ssyncset.done $0x0  }
0x55: {  	p0 =	sne.s32 s3, s9;
	[sflag:s15] =	ssyncadd.s32 $0xFFFFC000  }
.Ltmp2:
0x56: {  	[bflag:$0x0] =	sbarrier.arrive $0xFFFF;
	(pc) =	sbr.rel @p0 .LBB2_1-.Ltmp2, $4  }
0x57: {  	[hbm:s8], [sflag:s18] =	dma.local [spmem:s19], $0x2800  }
0x58: {  	_ =	swait.ge [sflag:s15], $0x2800  }
0x59: {  	[sflag:s15] =	ssyncset.done $0x0  }
0x5a: {  	[sflag:s15] =	ssyncadd.s32 $0xFFFFD800  }
0x5b: {  	_ =	sfence.sel $0x180000  }
0x5c: {  	[bflag:$0x0] =	sbarrier.arrive $0xFFFF  }
0x5d: {  	p0 =	sne.s32 s0, $0x0;
	_ =	strace $0x9000004A  }
0x5e: {  	s0 =	sadd.s32 @!p0 $0x100000, s1;
	[bflag:$0x2] =	sbarrier.arrive $0xFFFF  }
0x5f: {  	[sflag:s0] =	ssyncadd.tile.s32 @!p0 $0x1;
	_ =	shalt  }
.Lfunc_end2:
_tile_overlayer_lowered:
.L_overlay_start_2:
0x60: {  	(tag) =	ssettag $0x2  }
0x61: {  	s0 =	rddreg [dreg:$0x0];
	s2 =	stileid.u32  }
0x62: {  	s1 =	rddreg [dreg:$0x1];
	p0 =	sne.s32 s2, $0x0  }
0x63: {  	s3 =	rddreg [dreg:$0x2];
	[bflag:$0x3] =	sbarrier.arrive $0xFFFF;
	s2 =	simm.s32 @!p0 $0x1C01  }
0x64: {  	[timem:s3], [sflag:s2] =	dma.local @!p0 [hbm:s0], s1  }
0x65: {  	s0 =	simm.s32 @!p0 $0x1  }
0x66: {  	_ =	swait.ge @!p0 [sflag:s0], s1  }
0x67: {  	s1 =	ssub.s32 @!p0 $0x0, s1;
	[sflag:s0] =	ssyncset.done @!p0 $0x0  }
0x68: {  	[sflag:s0] =	ssyncadd.s32 @!p0 s1  }
0x69: {  	[bflag:$0x3] =	sbarrier.arrive $0xFFFF  }
0x6a: {  	_ =	shalt  }

// kernel: kernel.18.cloned.1.call-start
scs
__scs_entry_jumppad:
0x0: {  	(pc) =	sbr.rel $0x88, $3  }
0x1: {  	(tag) =	ssettag $0x0;
	lr =	simm.s32 $0x1  }
0x2: {  	[smem:$0x3F97] =	sst lr;
	_ =	strace $0xD0000000  }
0x3: {  	_ = 	snop  }
0x4: {  	_ = 	snop  }
0x5: {  	_ = 	snop  }
0x6: {  	_ = 	snop  }
0x7: {  	_ = 	snop  }
__scs_overlays_trampoline_lowered:
0x8: {  	[smem:$0x3FA6] =	sst s0  }
0x9: {  	[smem:$0x3FA7] =	sst s1  }
0xa: {  	[smem:$0x3FA8] =	sst s2  }
0xb: {  	[smem:$0x3FA9] =	sst s3  }
0xc: {  	[smem:$0x3FAA] =	sst s4  }
0xd: {  	[smem:$0x3FAB] =	sst s5  }
0xe: {  	[smem:$0x3FAC] =	sst s6  }
0xf: {  	[smem:$0x3FAD] =	sst s7  }
0x10: {  	[smem:$0x3FAE] =	sst s8  }
0x11: {  	[smem:$0x3FAF] =	sst s9;
	s0 =	simm.s32 @!p0 $0x0  }
0x12: {  	s1 =	sld [smem:$0x3F95];
	s0 =	simm.s32 @p0 $0x1  }
0x13: {  	[smem:$0x3FB0] =	sst s0;
	s0 =	simm.s32 @!p1 $0x0  }
0x14: {  	s2 =	sld [smem:$0x3F94];
	s0 =	simm.s32 @p1 $0x1  }
0x15: {  	[smem:$0x3FB1] =	sst s0;
	s0 =	simm.s32 @!p2 $0x0  }
0x16: {  	s3 =	sld [smem:$0x3FDB];
	s0 =	simm.s32 @p2 $0x1  }
0x17: {  	s4 =	simm.s32 $0x1BF5;
	[smem:$0x3FB3] =	sst s0  }
0x18: {  	s0 =	sld [smem:$0x3F96];
	_ =	swait.ge [sflag:s4], $0x0  }
0x19: {  	s7 =	sld [smem:$0x3F97]  }
0x1a: {  	s8 =	sadd.s32 $0xFFFFE003, lr  }
0x1b: {  	s9 =	sadd.s32 $0xFFFFFEF7, lr;
	s5 =	simm.s32 $0xFFFFFFFF;
	p2 =	slt.u32 s8, $0xFFFFF086  }
0x1c: {  	p1 =	slt.u32 s9, $0xF7A;
	s5 =	simm.s32 @!p2 $0x0  }
0x1d: {  	s5 =	simm.s32 @p1 $0x1;
	p0 =	seq.s32 s7, s2  }
0x1e: {  	s7 =	smul.u32 @!p0 $0xF7A, s2;
	p2 =	seq.s32 @!p0 s5, $0x0  }
0x1f: {  	s9 =	smul.u32 $0xF7A, s1;
	s8 =	simm.s32 @!p0 $0x1BF5;
	p2 =	por !p2, p0  }
0x20: {  	[sflag:s8] =	ssyncset.s32 @!p0 $0xFFFFF086;
	s6 =	sadd.s32 @!p0 s3, s7;
	s7 =	simm.s32 @!p0 $0x108  }
0x21: {  	s3 =	sadd.s32 s3, s9;
	s6 =	sadd.s32 @!p0 $0x88, s6;
	s7 =	simm.s32 @p2 $0x1082  }
0x22: {  	[simem:s7], [sflag:s8] =	dma.local @!p0 [hbm:s6], $0xF7A  }
0x23: {  	s9 =	sor.u32 $0xD0000000, s2;
	s6 =	simm.s32 $0x108;
	_ =	swait.ge @!p0 [sflag:s8], $0x0  }
0x24: {  	s3 =	sadd.s32 $0x88, s3;
	s6 =	simm.s32 @!p1 $0x1082;
	[sflag:s4] =	ssyncset.s32 $0xFFFFF086  }
0x25: {  	[simem:s6], [sflag:s4] =	dma.local [hbm:s3], $0xF7A  }
0x26: {  	[smem:$0x3F97] =	sst s1;
	(tag) =	ssettag s2;
	_ =	strace s9  }
0x27: {  	s1 =	sld [smem:$0x3FA7]  }
0x28: {  	s2 =	sld [smem:$0x3FA8]  }
0x29: {  	s4 =	sld [smem:$0x3FAA]  }
0x2a: {  	p0 =	seq.s32 s5, $0x0;
	s5 =	sld [smem:$0x3FAB]  }
0x2b: {  	s6 =	sld [smem:$0x3FAC]  }
0x2c: {  	s7 =	sld [smem:$0x3FAD]  }
0x2d: {  	s3 =	simm.s32 $0x108;
	s8 =	sld [smem:$0x3FAE]  }
0x2e: {  	s3 =	simm.s32 @!p0 $0x1082;
	s9 =	sld [smem:$0x3FAF]  }
0x2f: {  	lr =	sadd.s32 s0, s3;
	s0 =	sld [smem:$0x3FA6]  }
0x30: {  	s3 =	sld [smem:$0x3FA9]  }
0x31: {  	[smem:$0x3FB2] =	sst s10  }
0x32: {  	s10 =	sld [smem:$0x3FB0];
	_ =	sdelay $0x3  }
0x33: {  	p0 =	seq.s32 s10, $0x1;
	s10 =	sld [smem:$0x3FB2];
	_ =	sdelay $0x3  }
0x34: {  	[smem:$0x3FB2] =	sst s10  }
0x35: {  	s10 =	sld [smem:$0x3FB1];
	_ =	sdelay $0x3  }
0x36: {  	p1 =	seq.s32 s10, $0x1;
	s10 =	sld [smem:$0x3FB2];
	_ =	sdelay $0x3  }
0x37: {  	[smem:$0x3FB2] =	sst s10  }
0x38: {  	s10 =	sld [smem:$0x3FB3]  }
0x39: {  	_ = 	snop;
	(pc) =	sbr.ind lr, $3  }
0x3a: {  	_ = 	snop  }
0x3b: {  	_ = 	snop  }
0x3c: {  	p2 =	seq.s32 s10, $0x1;
	s10 =	sld [smem:$0x3FB2]  }
0x3d: {  	_ =	shalt  }
0x3e: {  	_ =	shalt  }
0x3f: {  	_ =	shalt  }
0x40: {  	_ =	shalt  }
0x41: {  	_ =	shalt  }
0x42: {  	_ =	shalt  }
0x43: {  	_ =	shalt  }
0x44: {  	_ =	shalt  }
0x45: {  	_ =	shalt  }
0x46: {  	_ =	shalt  }
0x47: {  	_ =	shalt  }
0x48: {  	_ =	shalt  }
0x49: {  	_ =	shalt  }
0x4a: {  	_ =	shalt  }
0x4b: {  	_ =	shalt  }
0x4c: {  	_ =	shalt  }
0x4d: {  	_ =	shalt  }
0x4e: {  	_ =	shalt  }
0x4f: {  	_ =	shalt  }
0x50: {  	_ =	shalt  }
0x51: {  	_ =	shalt  }
0x52: {  	_ =	shalt  }
0x53: {  	_ =	shalt  }
0x54: {  	_ =	shalt  }
0x55: {  	_ =	shalt  }
0x56: {  	_ =	shalt  }
0x57: {  	_ =	shalt  }
0x58: {  	_ =	shalt  }
0x59: {  	_ =	shalt  }
0x5a: {  	_ =	shalt  }
0x5b: {  	_ =	shalt  }
0x5c: {  	_ =	shalt  }
0x5d: {  	_ =	shalt  }
0x5e: {  	_ =	shalt  }
0x5f: {  	_ =	shalt  }
0x60: {  	_ =	shalt  }
0x61: {  	_ =	shalt  }
0x62: {  	_ =	shalt  }
0x63: {  	_ =	shalt  }
0x64: {  	_ =	shalt  }
0x65: {  	_ =	shalt  }
0x66: {  	_ =	shalt  }
0x67: {  	_ =	shalt  }
0x68: {  	_ =	shalt  }
0x69: {  	_ =	shalt  }
0x6a: {  	_ =	shalt  }
0x6b: {  	_ =	shalt  }
0x6c: {  	_ =	shalt  }
0x6d: {  	_ =	shalt  }
0x6e: {  	_ =	shalt  }
0x6f: {  	_ =	shalt  }
0x70: {  	_ =	shalt  }
0x71: {  	_ =	shalt  }
0x72: {  	_ =	shalt  }
0x73: {  	_ =	shalt  }
0x74: {  	_ =	shalt  }
0x75: {  	_ =	shalt  }
0x76: {  	_ =	shalt  }
0x77: {  	_ =	shalt  }
0x78: {  	_ =	shalt  }
0x79: {  	_ =	shalt  }
0x7a: {  	_ =	shalt  }
0x7b: {  	_ =	shalt  }
0x7c: {  	_ =	shalt  }
0x7d: {  	_ =	shalt  }
0x7e: {  	_ =	shalt  }
0x7f: {  	_ =	shalt  }
0x80: {  	_ =	shalt  }
0x81: {  	_ =	shalt  }
0x82: {  	_ =	shalt  }
0x83: {  	_ =	shalt  }
0x84: {  	_ =	shalt  }
0x85: {  	_ =	shalt  }
0x86: {  	_ =	shalt  }
0x87: {  	_ =	shalt  }
.Lfunc_end0:
.L_simem_size_0:
called_computation.2_lowered:
.L_overlay_start_0:
0x88: {  	s2 =	sld [smem:$0x3FD9]  }
0x89: {  	s3 =	sld [smem:$0x3FFE];
	_ =	sdelay $0x1  }
0x8a: {  	s1 =	srdreg.scid  }
0x8b: {  	s0 =	sand.u32 $0x1, s1  }
0x8c: {  	s16 =	sshll.u32 s0, $0xA;
	s2 =	sadd.s32 s3, s2  }
0x8d: {  	s2 =	sadd.s32 s2, s16  }
0x8e: {  	[smem:$0x3FBE] =	sst s2  }
0x8f: {  	_ = 	snop  }
0x90: {  	(tm) =	ssettm $0x1  }
0x91: {  	s17 =	sld [smem:$0x3FFB];
	_ =	sdelay $0x3  }
0x92: {  	_ =	strace s17  }
0x93: {  	s2 =	sld [smem:$0x3FFC];
	_ =	sdelay $0x3  }
0x94: {  	_ =	strace s2  }
0x95: {  	s2 =	sld [smem:$0x3FFD];
	_ =	sdelay $0x3  }
0x96: {  	_ =	strace s2  }
0x97: {  	_ =	strace $0x8FFFFFFF  }
0x98: {  	s18 =	sld [smem:$0x3FDB];
	_ =	sdelay $0x1  }
0x99: {  	s19 =	simm.s32 $_scs_section_size  }
0x9a: {  	s4 =	simm.s32 $_size__tile_overlayer_lowered;
	s5 =	simm.s32 $_tile_overlayer_lowered  }
0x9b: {  	s22 =	simm.s32 $0x1BFF;
	s21 =	sshll.u32 s5, $0x1;
	s2 =	sadd.s32 s19, s18  }
0x9c: {  	s6 =	simm.s32 $0x0;
	s20 =	sshll.u32 s4, $0x1;
	s4 =	sadd.s32 s21, s2  }
0x9d: {  	[timem:s6], [sflag:s22] =	dma.local [hbm:s4], s20  }
0x9e: {  	_ =	swait.ge [sflag:s22], s20  }
0x9f: {  	s3 =	ssub.s32 $0x0, s20;
	[sflag:s22] =	ssyncset.done $0x0  }
0xa0: {  	[sflag:s22] =	ssyncadd.s32 s3;
	_ =	sdelay $0x1  }
0xa1: {  	s23 =	simm.s32 $0x1B8B  }
0xa2: {  	_ =	swait.ge [sflag:s23], $0x1  }
0xa3: {  	[sflag:s23] =	ssyncset.done $0x0  }
0xa4: {  	s25 =	simm.s32 $0x1B8E;
	s24 =	sld [smem:$0x3FFE];
	[sflag:s23] =	ssyncadd.s32 $0xFFFFFFFF  }
0xa5: {  	s26 =	simm.s32 $execute0_lowered;
	[smem:$0x3FD2] =	sst s25  }
0xa6: {  	s4 =	sshll.u32 s26, $0x1;
	_ =	strace $0x8000004C;
	[dreg:$0x1] =	wrdreg $0xFFFFFFFF  }
0xa7: {  	s28 =	simm.s32 $_size_execute0_lowered;
	s2 =	sadd.s32 s2, s4;
	[dreg:$0x0] =	wrdreg $0x0  }
0xa8: {  	s4 =	sshll.u32 s28, $0x1;
	[dreg:$0x2] =	wrdreg s2  }
0xa9: {  	[dreg:$0x3] =	wrdreg s4  }
0xaa: {  	[dreg:$0x4] =	wrdreg $0xC0  }
0xab: {  	_ =	task [dreg:s6], $0x5FFFF  }
0xac: {  	[dreg:$0x1] =	wrdreg $0xFFFFFFFF  }
0xad: {  	[dreg:$0x0] =	wrdreg $0x60  }
0xae: {  	[dreg:$0x2] =	wrdreg s24  }
0xaf: {  	[dreg:$0x3] =	wrdreg $0x90000  }
0xb0: {  	[dreg:$0x4] =	wrdreg $0x9  }
0xb1: {  	_ =	task.clear_ibuf [dreg:s6], $0x5FFFF;
	_ =	strace $0x9000004C  }
0xb2: {  	s29 =	simm.s32 $0x9;
	_ =	strace $0x8000004E  }
0xb3: {  	_ =	swait.ge [sflag:s29], $0x1  }
0xb4: {  	[sflag:s29] =	ssyncadd.s32 $0xFFFFFFFF  }
0xb5: {  	_ =	strace $0x9000004E  }
0xb6: {  	_ =	sfence  }
0xb7: {  	s30 =	sld [smem:$0x0];
	_ =	sdelay $0x2  }
0xb8: {  	s31 =	sshll.u32 s1, $0xD;
	s1 =	sshrl.u32 s1, $0x2  }
0xb9: {  	s3 =	sand.u32 $0x4000, s31;
	s1 =	sadd.s32 s1, s30  }
0xba: {  	s0 =	sor.u32 s3, s0;
	s1 =	sshll.u32 s1, $0x11  }
0xbb: {  	s0 =	sor.u32 s1, s0  }
0xbc: {  	s0 =	sadd.s32 $0x8F2B, s0  }
0xbd: {  	[sflag:s0] =	ssyncadd.remote.s32 $0x1  }
0xbe: {  	_ =	sfence.sel $0xFFFF  }
0xbf: {  	[dreg:$0x0] =	wrdreg $0xFFFFFFFF;
	(pc) =	sbr.abs _section_cstart, $3  }
0xc0: {  	[dreg:$0x1] =	wrdreg $0xFFFFFFFF  }
0xc1: {  	_ =	task.clear_ibuf [dreg:s6], $0x2FFFF;
	_ =	strace $0x9FFFFFFF  }
0xc2: {  	(tm) =	ssettm $0x7FFFFFFF  }
0xc3: {  	_ =	shalt  }
tec
execute0_lowered:
.L_overlay_start_1:
0x0: {  	(tag) =	ssettag $0x1  }
0x1: {  	s6 =	rddreg [dreg:$0x0]  }
0x2: {  	s0 =	srdreg.scid;
	s2 =	rddreg [dreg:$0x1];
	s3 =	simm.s32 $0x0  }
0x3: {  	s14 =	simm.s32 $0x5000;
	s15 =	simm.s32 $0x1;
	s5 =	sand.u32 $0x1, s0  }
0x4: {  	s16 =	simm.s32 $0x2800;
	s0 =	stileid.u32;
	s8 =	smul.u32 $0x140000, s5  }
0x5: {  	s17 =	simm.s32 $0x80;
	[smem:$0x7FF] =	sst s3;
	s9 =	smul.u32 $0x14000, s0  }
0x6: {  	s4 =	sadd.s32 $0xD800, s6;
	s1 =	sshll.u32 s5, $0x4;
	s10 =	smul.u32 $0x50000, s0  }
0x7: {  	s5 =	ssub.s32 $0x2, s5;
	s18 =	sshll.u32 s0, $0x6;
	s1 =	sor.u32 s0, s1  }
0x8: {  	s31 =	sshrl.u32 s5, $0x1;
	s18 =	sor.u32 $0x1C01, s18;
	s7 =	smul.u32 $0x500, s1  }
0x9: {  	s1 =	rddreg [dreg:$0x2];
	_ =	strace $0x8000004D;
	s8 =	sadd.s32 s9, s8  }
0xa: {  	s10 =	sshrl.u32 s10, $0x2;
	s9 =	ssub.s32 s5, s31;
	s8 =	sshrl.u32 s8, $0x3  }
0xb: {  	s5 =	sadd.s32 s10, s2;
	s9 =	smax.u32 s9, $0x1;
	s7 =	sadd.s32 s7, s6  }
0xc: {  	s8 =	sadd.s32 s8, s6;
	s10 =	sadd.s32 $0x4000, s5;
	s11 =	sadd.s32 $0x8000, s5  }
0xd: {  	s12 =	sadd.s32 $0xC000, s5;
	s13 =	sadd.s32 $0x10000, s5;
	s19 =	sshrl.u32 s5, $0x3  }
0xe: {  	v0 =	vimm.f32 $0.0e+00;
	s6 =	sadd.s32 $0x5D800, s7;
	s7 =	sadd.s32 $0x3800, s7;
	s8 =	sadd.s32 $0x67800, s8  }
.LBB2_1:
0xf: {  	s20 =	simm.s32 $0x0;
	s21 =	simm.s32 $0x200  }
.LBB2_2:
0x10: {  	p0 =	sne.s32 s21, $0xFE00;
	[tilespmem:s20+$0x5070] =	vst v0  }
0x11: {  	[tilespmem:s20+$0x5000] =	vst v0  }
0x12: {  	[tilespmem:s20+$0x5010] =	vst v0  }
.Ltmp0:
0x13: {  	[tilespmem:s20+$0x5020] =	vst v0;
	(pc) =	sbr.rel @p0 .LBB2_2-.Ltmp0, $4  }
0x14: {  	[tilespmem:s20+$0x5030] =	vst v0  }
0x15: {  	[tilespmem:s20+$0x5040] =	vst v0  }
0x16: {  	[tilespmem:s20+$0x5050] =	vst v0  }
0x17: {  	[tilespmem:s20+$0x5060] =	vst v0;
	s20 =	sshra.s32 s21, $0x2;
	s21 =	sadd.s32 $0x200, s21  }
0x18: {  	[tilespmem:s20+$0x5070] =	vst v0  }
0x19: {  	[tilespmem:s20+$0x5000] =	vst v0  }
0x1a: {  	[tilespmem:s20+$0x5010] =	vst v0  }
0x1b: {  	[tilespmem:s20+$0x5020] =	vst v0  }
0x1c: {  	[tilespmem:s20+$0x5030] =	vst v0  }
0x1d: {  	[tilespmem:s20+$0x5040] =	vst v0  }
0x1e: {  	[tilespmem:s20+$0x5050] =	vst v0  }
0x1f: {  	[tilespmem:s20+$0x5060] =	vst v0  }
0x20: {  	[spmem:s5] =	stream.linear.scatter [tilespmem:s14], [sflag:$0x1], $0x4000, $0x38;
	[tilespmem:$0x1D000] =	vst v63  }
0x21: {  	_ =	swait.ge [sflag:s15], $0x4000  }
0x22: {  	[sflag:s15] =	ssyncset.done $0x0  }
0x23: {  	[sflag:s15] =	ssyncadd.s32 $0xFFFFC000  }
0x24: {  	[spmem:s10] =	stream.linear.scatter [tilespmem:s14], [sflag:$0x1], $0x4000, $0x38;
	[tilespmem:$0x1D000] =	vst v63  }
0x25: {  	_ =	swait.ge [sflag:s15], $0x4000  }
0x26: {  	[sflag:s15] =	ssyncset.done $0x0  }
0x27: {  	[sflag:s15] =	ssyncadd.s32 $0xFFFFC000  }
0x28: {  	[spmem:s11] =	stream.linear.scatter [tilespmem:s14], [sflag:$0x1], $0x4000, $0x38;
	[tilespmem:$0x1D000] =	vst v63  }
0x29: {  	_ =	swait.ge [sflag:s15], $0x4000  }
0x2a: {  	[sflag:s15] =	ssyncset.done $0x0  }
0x2b: {  	[sflag:s15] =	ssyncadd.s32 $0xFFFFC000  }
0x2c: {  	[spmem:s12] =	stream.linear.scatter [tilespmem:s14], [sflag:$0x1], $0x4000, $0x38;
	[tilespmem:$0x1D000] =	vst v63  }
0x2d: {  	_ =	swait.ge [sflag:s15], $0x4000  }
0x2e: {  	[sflag:s15] =	ssyncset.done $0x0  }
0x2f: {  	[sflag:s15] =	ssyncadd.s32 $0xFFFFC000  }
0x30: {  	[spmem:s13] =	stream.linear.scatter [tilespmem:s14], [sflag:$0x1], $0x4000, $0x38;
	[tilespmem:$0x1D000] =	vst v63  }
0x31: {  	_ =	swait.ge [sflag:s15], $0x4000  }
0x32: {  	[sflag:s15] =	ssyncset.done $0x0  }
0x33: {  	s29 =	simm.s32 $0x0;
	[sflag:s15] =	ssyncadd.s32 $0xFFFFC000  }
0x34: {  	[tilespmem:s29], [sflag:$0x1] =	stream.linear.gather [hbm4b:s6+s29], $0x2800, $0x38;
	[tilespmem:$0x1D000] =	vst v63  }
0x35: {  	_ =	swait.ge [sflag:s15], $0x2800  }
0x36: {  	[sflag:s15] =	ssyncset.done $0x0  }
0x37: {  	[sflag:s15] =	ssyncadd.s32 $0xFFFFD800  }
0x38: {  	[tilespmem:s16], [sflag:$0x1] =	stream.linear.gather [hbm4b:s7+s29], $0x2800, $0x38;
	[tilespmem:$0x1D000] =	vst v63  }
0x39: {  	_ =	swait.ge [sflag:s15], $0x2800  }
0x3a: {  	[sflag:s15] =	ssyncset.done $0x0  }
0x3b: {  	[sflag:s15] =	ssyncadd.s32 $0xFFFFD800  }
0x3c: {  	s30 =	simm.s32 $0x0;
	[bflag:$0x0] =	sbarrier.arrive $0xFFFF  }
0x3d: {  	[tilespmem:s14], [sflag:$0x1] =	stream.indirect.gather [hbm4b:s4+s17], $0x80, s30, s17, $0xb8;
	[tilespmem:$0x1D000] =	vst v63  }
0x3e: {  	_ =	swait.ge [sflag:s15], $0x4000  }
0x3f: {  	[sflag:s15] =	ssyncset.done $0x0  }
0x40: {  	s31 =	simm.s32 $0x2800;
	[sflag:s15] =	ssyncadd.s32 $0xFFFFC000  }
0x41: {  	[spmem:s2] =	stream.indirect.scatter.add.f32 [tilespmem:s14], [sflag:$0x1], $0x80, s31, s17, $0xb8;
	[tilespmem:$0x1D000] =	vst v63  }
0x42: {  	_ =	swait.ge [sflag:s15], $0x4000  }
0x43: {  	s20 =	simm.s32 $0x200;
	s21 =	simm.s32 $0x400;
	[sflag:s15] =	ssyncset.done $0x0  }
.LBB2_4:
0x44: {  	s22 =	sshra.s32 s20, $0x2  }
0x45: {  	[sflag:s15] =	ssyncadd.s32 $0xFFFFC000;
	s20 =	smov.u32 s21;
	s23 =	sadd.s32 $0x200, s21  }
0x46: {  	[tilespmem:s14], [sflag:$0x1] =	stream.indirect.gather [hbm4b:s4+s17], $0x80, s22, s17, $0xb8;
	[tilespmem:$0x1D000] =	vst v63  }
0x47: {  	p0 =	sne.s32 s21, $0x9E00;
	_ =	swait.ge [sflag:s15], $0x4000  }
.Ltmp1:
0x48: {  	[sflag:s15] =	ssyncset.done $0x0;
	(pc) =	sbr.rel @p0 .LBB2_4-.Ltmp1, $4  }
0x49: {  	s21 =	sadd.s32 $0x2800, s22;
	[sflag:s15] =	ssyncadd.s32 $0xFFFFC000  }
0x4a: {  	[spmem:s2] =	stream.indirect.scatter.add.f32 [tilespmem:s14], [sflag:$0x1], $0x80, s21, s17, $0xb8;
	[tilespmem:$0x1D000] =	vst v63  }
0x4b: {  	_ =	swait.ge [sflag:s15], $0x4000  }
0x4c: {  	s21 =	smov.u32 s23;
	[sflag:s15] =	ssyncset.done $0x0  }
0x4d: {  	s20 =	sshra.s32 s20, $0x2;
	[sflag:s15] =	ssyncadd.s32 $0xFFFFC000  }
0x4e: {  	[tilespmem:s14], [sflag:$0x1] =	stream.indirect.gather [hbm4b:s4+s17], $0x80, s20, s17, $0xb8;
	[tilespmem:$0x1D000] =	vst v63  }
0x4f: {  	_ =	swait.ge [sflag:s15], $0x4000  }
0x50: {  	[sflag:s15] =	ssyncset.done $0x0  }
0x51: {  	s20 =	sadd.s32 $0x2800, s20;
	[sflag:s15] =	ssyncadd.s32 $0xFFFFC000  }
0x52: {  	[spmem:s2] =	stream.indirect.scatter.add.f32 [tilespmem:s14], [sflag:$0x1], $0x80, s20, s17, $0xb8;
	[tilespmem:$0x1D000] =	vst v63  }
0x53: {  	_ =	swait.ge [sflag:s15], $0x4000  }
0x54: {  	s3 =	sadd.s32 $0x1, s3;
	[sflag:s15] =	ssyncset.done $0x0  }
0x55: {  	p0 =	sne.s32 s3, s9;
	[sflag:s15] =	ssyncadd.s32 $0xFFFFC000  }
.Ltmp2:
0x56: {  	[bflag:$0x0] =	sbarrier.arrive $0xFFFF;
	(pc) =	sbr.rel @p0 .LBB2_1-.Ltmp2, $4  }
0x57: {  	[hbm:s8], [sflag:s18] =	dma.local [spmem:s19], $0x2800  }
0x58: {  	_ =	swait.ge [sflag:s15], $0x2800  }
0x59: {  	[sflag:s15] =	ssyncset.done $0x0  }
0x5a: {  	[sflag:s15] =	ssyncadd.s32 $0xFFFFD800  }
0x5b: {  	_ =	sfence.sel $0x180000  }
0x5c: {  	[bflag:$0x0] =	sbarrier.arrive $0xFFFF  }
0x5d: {  	p0 =	sne.s32 s0, $0x0;
	_ =	strace $0x9000004D  }
0x5e: {  	s0 =	sadd.s32 @!p0 $0x100000, s1;
	[bflag:$0x2] =	sbarrier.arrive $0xFFFF  }
0x5f: {  	[sflag:s0] =	ssyncadd.tile.s32 @!p0 $0x1;
	_ =	shalt  }
.Lfunc_end2:
_tile_overlayer_lowered:
.L_overlay_start_2:
0x60: {  	(tag) =	ssettag $0x2  }
0x61: {  	s0 =	rddreg [dreg:$0x0];
	s2 =	stileid.u32  }
0x62: {  	s1 =	rddreg [dreg:$0x1];
	p0 =	sne.s32 s2, $0x0  }
0x63: {  	s3 =	rddreg [dreg:$0x2];
	[bflag:$0x3] =	sbarrier.arrive $0xFFFF;
	s2 =	simm.s32 @!p0 $0x1C01  }
0x64: {  	[timem:s3], [sflag:s2] =	dma.local @!p0 [hbm:s0], s1  }
0x65: {  	s0 =	simm.s32 @!p0 $0x1  }
0x66: {  	_ =	swait.ge @!p0 [sflag:s0], s1  }
0x67: {  	s1 =	ssub.s32 @!p0 $0x0, s1;
	[sflag:s0] =	ssyncset.done @!p0 $0x0  }
0x68: {  	[sflag:s0] =	ssyncadd.s32 @!p0 s1  }
0x69: {  	[bflag:$0x3] =	sbarrier.arrive $0xFFFF  }
0x6a: {  	_ =	shalt  }

// kernel: kernel.21.cloned.1.call-start
scs
__scs_entry_jumppad:
0x0: {  	(pc) =	sbr.rel $0x88, $3  }
0x1: {  	(tag) =	ssettag $0x0;
	lr =	simm.s32 $0x1  }
0x2: {  	[smem:$0x3F97] =	sst lr;
	_ =	strace $0xD0000000  }
0x3: {  	_ = 	snop  }
0x4: {  	_ = 	snop  }
0x5: {  	_ = 	snop  }
0x6: {  	_ = 	snop  }
0x7: {  	_ = 	snop  }
__scs_overlays_trampoline_lowered:
0x8: {  	[smem:$0x3FA6] =	sst s0  }
0x9: {  	[smem:$0x3FA7] =	sst s1  }
0xa: {  	[smem:$0x3FA8] =	sst s2  }
0xb: {  	[smem:$0x3FA9] =	sst s3  }
0xc: {  	[smem:$0x3FAA] =	sst s4  }
0xd: {  	[smem:$0x3FAB] =	sst s5  }
0xe: {  	[smem:$0x3FAC] =	sst s6  }
0xf: {  	[smem:$0x3FAD] =	sst s7  }
0x10: {  	[smem:$0x3FAE] =	sst s8  }
0x11: {  	[smem:$0x3FAF] =	sst s9;
	s0 =	simm.s32 @!p0 $0x0  }
0x12: {  	s1 =	sld [smem:$0x3F95];
	s0 =	simm.s32 @p0 $0x1  }
0x13: {  	[smem:$0x3FB0] =	sst s0;
	s0 =	simm.s32 @!p1 $0x0  }
0x14: {  	s2 =	sld [smem:$0x3F94];
	s0 =	simm.s32 @p1 $0x1  }
0x15: {  	[smem:$0x3FB1] =	sst s0;
	s0 =	simm.s32 @!p2 $0x0  }
0x16: {  	s3 =	sld [smem:$0x3FDB];
	s0 =	simm.s32 @p2 $0x1  }
0x17: {  	s4 =	simm.s32 $0x1BF5;
	[smem:$0x3FB3] =	sst s0  }
0x18: {  	s0 =	sld [smem:$0x3F96];
	_ =	swait.ge [sflag:s4], $0x0  }
0x19: {  	s7 =	sld [smem:$0x3F97]  }
0x1a: {  	s8 =	sadd.s32 $0xFFFFE003, lr  }
0x1b: {  	s9 =	sadd.s32 $0xFFFFFEF7, lr;
	s5 =	simm.s32 $0xFFFFFFFF;
	p2 =	slt.u32 s8, $0xFFFFF086  }
0x1c: {  	p1 =	slt.u32 s9, $0xF7A;
	s5 =	simm.s32 @!p2 $0x0  }
0x1d: {  	s5 =	simm.s32 @p1 $0x1;
	p0 =	seq.s32 s7, s2  }
0x1e: {  	s7 =	smul.u32 @!p0 $0xF7A, s2;
	p2 =	seq.s32 @!p0 s5, $0x0  }
0x1f: {  	s9 =	smul.u32 $0xF7A, s1;
	s8 =	simm.s32 @!p0 $0x1BF5;
	p2 =	por !p2, p0  }
0x20: {  	[sflag:s8] =	ssyncset.s32 @!p0 $0xFFFFF086;
	s6 =	sadd.s32 @!p0 s3, s7;
	s7 =	simm.s32 @!p0 $0x108  }
0x21: {  	s3 =	sadd.s32 s3, s9;
	s6 =	sadd.s32 @!p0 $0x88, s6;
	s7 =	simm.s32 @p2 $0x1082  }
0x22: {  	[simem:s7], [sflag:s8] =	dma.local @!p0 [hbm:s6], $0xF7A  }
0x23: {  	s9 =	sor.u32 $0xD0000000, s2;
	s6 =	simm.s32 $0x108;
	_ =	swait.ge @!p0 [sflag:s8], $0x0  }
0x24: {  	s3 =	sadd.s32 $0x88, s3;
	s6 =	simm.s32 @!p1 $0x1082;
	[sflag:s4] =	ssyncset.s32 $0xFFFFF086  }
0x25: {  	[simem:s6], [sflag:s4] =	dma.local [hbm:s3], $0xF7A  }
0x26: {  	[smem:$0x3F97] =	sst s1;
	(tag) =	ssettag s2;
	_ =	strace s9  }
0x27: {  	s1 =	sld [smem:$0x3FA7]  }
0x28: {  	s2 =	sld [smem:$0x3FA8]  }
0x29: {  	s4 =	sld [smem:$0x3FAA]  }
0x2a: {  	p0 =	seq.s32 s5, $0x0;
	s5 =	sld [smem:$0x3FAB]  }
0x2b: {  	s6 =	sld [smem:$0x3FAC]  }
0x2c: {  	s7 =	sld [smem:$0x3FAD]  }
0x2d: {  	s3 =	simm.s32 $0x108;
	s8 =	sld [smem:$0x3FAE]  }
0x2e: {  	s3 =	simm.s32 @!p0 $0x1082;
	s9 =	sld [smem:$0x3FAF]  }
0x2f: {  	lr =	sadd.s32 s0, s3;
	s0 =	sld [smem:$0x3FA6]  }
0x30: {  	s3 =	sld [smem:$0x3FA9]  }
0x31: {  	[smem:$0x3FB2] =	sst s10  }
0x32: {  	s10 =	sld [smem:$0x3FB0];
	_ =	sdelay $0x3  }
0x33: {  	p0 =	seq.s32 s10, $0x1;
	s10 =	sld [smem:$0x3FB2];
	_ =	sdelay $0x3  }
0x34: {  	[smem:$0x3FB2] =	sst s10  }
0x35: {  	s10 =	sld [smem:$0x3FB1];
	_ =	sdelay $0x3  }
0x36: {  	p1 =	seq.s32 s10, $0x1;
	s10 =	sld [smem:$0x3FB2];
	_ =	sdelay $0x3  }
0x37: {  	[smem:$0x3FB2] =	sst s10  }
0x38: {  	s10 =	sld [smem:$0x3FB3]  }
0x39: {  	_ = 	snop;
	(pc) =	sbr.ind lr, $3  }
0x3a: {  	_ = 	snop  }
0x3b: {  	_ = 	snop  }
0x3c: {  	p2 =	seq.s32 s10, $0x1;
	s10 =	sld [smem:$0x3FB2]  }
0x3d: {  	_ =	shalt  }
0x3e: {  	_ =	shalt  }
0x3f: {  	_ =	shalt  }
0x40: {  	_ =	shalt  }
0x41: {  	_ =	shalt  }
0x42: {  	_ =	shalt  }
0x43: {  	_ =	shalt  }
0x44: {  	_ =	shalt  }
0x45: {  	_ =	shalt  }
0x46: {  	_ =	shalt  }
0x47: {  	_ =	shalt  }
0x48: {  	_ =	shalt  }
0x49: {  	_ =	shalt  }
0x4a: {  	_ =	shalt  }
0x4b: {  	_ =	shalt  }
0x4c: {  	_ =	shalt  }
0x4d: {  	_ =	shalt  }
0x4e: {  	_ =	shalt  }
0x4f: {  	_ =	shalt  }
0x50: {  	_ =	shalt  }
0x51: {  	_ =	shalt  }
0x52: {  	_ =	shalt  }
0x53: {  	_ =	shalt  }
0x54: {  	_ =	shalt  }
0x55: {  	_ =	shalt  }
0x56: {  	_ =	shalt  }
0x57: {  	_ =	shalt  }
0x58: {  	_ =	shalt  }
0x59: {  	_ =	shalt  }
0x5a: {  	_ =	shalt  }
0x5b: {  	_ =	shalt  }
0x5c: {  	_ =	shalt  }
0x5d: {  	_ =	shalt  }
0x5e: {  	_ =	shalt  }
0x5f: {  	_ =	shalt  }
0x60: {  	_ =	shalt  }
0x61: {  	_ =	shalt  }
0x62: {  	_ =	shalt  }
0x63: {  	_ =	shalt  }
0x64: {  	_ =	shalt  }
0x65: {  	_ =	shalt  }
0x66: {  	_ =	shalt  }
0x67: {  	_ =	shalt  }
0x68: {  	_ =	shalt  }
0x69: {  	_ =	shalt  }
0x6a: {  	_ =	shalt  }
0x6b: {  	_ =	shalt  }
0x6c: {  	_ =	shalt  }
0x6d: {  	_ =	shalt  }
0x6e: {  	_ =	shalt  }
0x6f: {  	_ =	shalt  }
0x70: {  	_ =	shalt  }
0x71: {  	_ =	shalt  }
0x72: {  	_ =	shalt  }
0x73: {  	_ =	shalt  }
0x74: {  	_ =	shalt  }
0x75: {  	_ =	shalt  }
0x76: {  	_ =	shalt  }
0x77: {  	_ =	shalt  }
0x78: {  	_ =	shalt  }
0x79: {  	_ =	shalt  }
0x7a: {  	_ =	shalt  }
0x7b: {  	_ =	shalt  }
0x7c: {  	_ =	shalt  }
0x7d: {  	_ =	shalt  }
0x7e: {  	_ =	shalt  }
0x7f: {  	_ =	shalt  }
0x80: {  	_ =	shalt  }
0x81: {  	_ =	shalt  }
0x82: {  	_ =	shalt  }
0x83: {  	_ =	shalt  }
0x84: {  	_ =	shalt  }
0x85: {  	_ =	shalt  }
0x86: {  	_ =	shalt  }
0x87: {  	_ =	shalt  }
.Lfunc_end0:
.L_simem_size_0:
called_computation.3_lowered:
.L_overlay_start_0:
0x88: {  	s2 =	sld [smem:$0x3FD9]  }
0x89: {  	s3 =	sld [smem:$0x3FFE];
	_ =	sdelay $0x1  }
0x8a: {  	s1 =	srdreg.scid  }
0x8b: {  	s0 =	sand.u32 $0x1, s1  }
0x8c: {  	s16 =	sshll.u32 s0, $0xA;
	s2 =	sadd.s32 s3, s2  }
0x8d: {  	s2 =	sadd.s32 s2, s16  }
0x8e: {  	[smem:$0x3FBE] =	sst s2  }
0x8f: {  	_ = 	snop  }
0x90: {  	(tm) =	ssettm $0x1  }
0x91: {  	s17 =	sld [smem:$0x3FFB];
	_ =	sdelay $0x3  }
0x92: {  	_ =	strace s17  }
0x93: {  	s2 =	sld [smem:$0x3FFC];
	_ =	sdelay $0x3  }
0x94: {  	_ =	strace s2  }
0x95: {  	s2 =	sld [smem:$0x3FFD];
	_ =	sdelay $0x3  }
0x96: {  	_ =	strace s2  }
0x97: {  	_ =	strace $0x8FFFFFFF  }
0x98: {  	s18 =	sld [smem:$0x3FDB];
	_ =	sdelay $0x1  }
0x99: {  	s19 =	simm.s32 $_scs_section_size  }
0x9a: {  	s4 =	simm.s32 $_size__tile_overlayer_lowered;
	s5 =	simm.s32 $_tile_overlayer_lowered  }
0x9b: {  	s22 =	simm.s32 $0x1BFF;
	s21 =	sshll.u32 s5, $0x1;
	s2 =	sadd.s32 s19, s18  }
0x9c: {  	s6 =	simm.s32 $0x0;
	s20 =	sshll.u32 s4, $0x1;
	s4 =	sadd.s32 s21, s2  }
0x9d: {  	[timem:s6], [sflag:s22] =	dma.local [hbm:s4], s20  }
0x9e: {  	_ =	swait.ge [sflag:s22], s20  }
0x9f: {  	s3 =	ssub.s32 $0x0, s20;
	[sflag:s22] =	ssyncset.done $0x0  }
0xa0: {  	[sflag:s22] =	ssyncadd.s32 s3;
	_ =	sdelay $0x1  }
0xa1: {  	s23 =	simm.s32 $0x1B8B  }
0xa2: {  	_ =	swait.ge [sflag:s23], $0x1  }
0xa3: {  	[sflag:s23] =	ssyncset.done $0x0  }
0xa4: {  	s25 =	simm.s32 $0x1B8E;
	s24 =	sld [smem:$0x3FFE];
	[sflag:s23] =	ssyncadd.s32 $0xFFFFFFFF  }
0xa5: {  	s26 =	simm.s32 $execute0_lowered;
	[smem:$0x3FD2] =	sst s25  }
0xa6: {  	s4 =	sshll.u32 s26, $0x1;
	_ =	strace $0x8000004F;
	[dreg:$0x1] =	wrdreg $0xFFFFFFFF  }
0xa7: {  	s28 =	simm.s32 $_size_execute0_lowered;
	s2 =	sadd.s32 s2, s4;
	[dreg:$0x0] =	wrdreg $0x0  }
0xa8: {  	s4 =	sshll.u32 s28, $0x1;
	[dreg:$0x2] =	wrdreg s2  }
0xa9: {  	[dreg:$0x3] =	wrdreg s4  }
0xaa: {  	[dreg:$0x4] =	wrdreg $0xC0  }
0xab: {  	_ =	task [dreg:s6], $0x5FFFF  }
0xac: {  	[dreg:$0x1] =	wrdreg $0xFFFFFFFF  }
0xad: {  	[dreg:$0x0] =	wrdreg $0x60  }
0xae: {  	[dreg:$0x2] =	wrdreg s24  }
0xaf: {  	[dreg:$0x3] =	wrdreg $0x90000  }
0xb0: {  	[dreg:$0x4] =	wrdreg $0x9  }
0xb1: {  	_ =	task.clear_ibuf [dreg:s6], $0x5FFFF;
	_ =	strace $0x9000004F  }
0xb2: {  	s29 =	simm.s32 $0x9;
	_ =	strace $0x80000051  }
0xb3: {  	_ =	swait.ge [sflag:s29], $0x1  }
0xb4: {  	[sflag:s29] =	ssyncadd.s32 $0xFFFFFFFF  }
0xb5: {  	_ =	strace $0x90000051  }
0xb6: {  	_ =	sfence  }
0xb7: {  	s30 =	sld [smem:$0x0];
	_ =	sdelay $0x2  }
0xb8: {  	s31 =	sshll.u32 s1, $0xD;
	s1 =	sshrl.u32 s1, $0x2  }
0xb9: {  	s3 =	sand.u32 $0x4000, s31;
	s1 =	sadd.s32 s1, s30  }
0xba: {  	s0 =	sor.u32 s3, s0;
	s1 =	sshll.u32 s1, $0x11  }
0xbb: {  	s0 =	sor.u32 s1, s0  }
0xbc: {  	s0 =	sadd.s32 $0x8F2B, s0  }
0xbd: {  	[sflag:s0] =	ssyncadd.remote.s32 $0x1  }
0xbe: {  	_ =	sfence.sel $0xFFFF  }
0xbf: {  	[dreg:$0x0] =	wrdreg $0xFFFFFFFF;
	(pc) =	sbr.abs _section_cstart, $3  }
0xc0: {  	[dreg:$0x1] =	wrdreg $0xFFFFFFFF  }
0xc1: {  	_ =	task.clear_ibuf [dreg:s6], $0x2FFFF;
	_ =	strace $0x9FFFFFFF  }
0xc2: {  	(tm) =	ssettm $0x7FFFFFFF  }
0xc3: {  	_ =	shalt  }
tec
execute0_lowered:
.L_overlay_start_1:
0x0: {  	(tag) =	ssettag $0x1  }
0x1: {  	s6 =	rddreg [dreg:$0x0]  }
0x2: {  	s0 =	srdreg.scid;
	s2 =	rddreg [dreg:$0x1];
	s3 =	simm.s32 $0x0  }
0x3: {  	s14 =	simm.s32 $0x5000;
	s15 =	simm.s32 $0x1;
	s5 =	sand.u32 $0x1, s0  }
0x4: {  	s16 =	simm.s32 $0x2800;
	s0 =	stileid.u32;
	s8 =	smul.u32 $0x140000, s5  }
0x5: {  	s17 =	simm.s32 $0x80;
	[smem:$0x7FF] =	sst s3;
	s9 =	smul.u32 $0x14000, s0  }
0x6: {  	s4 =	sadd.s32 $0xD800, s6;
	s1 =	sshll.u32 s5, $0x4;
	s10 =	smul.u32 $0x50000, s0  }
0x7: {  	s5 =	ssub.s32 $0x2, s5;
	s18 =	sshll.u32 s0, $0x6;
	s1 =	sor.u32 s0, s1  }
0x8: {  	s31 =	sshrl.u32 s5, $0x1;
	s18 =	sor.u32 $0x1C01, s18;
	s7 =	smul.u32 $0x500, s1  }
0x9: {  	s1 =	rddreg [dreg:$0x2];
	_ =	strace $0x80000050;
	s8 =	sadd.s32 s9, s8  }
0xa: {  	s10 =	sshrl.u32 s10, $0x2;
	s9 =	ssub.s32 s5, s31;
	s8 =	sshrl.u32 s8, $0x3  }
0xb: {  	s5 =	sadd.s32 s10, s2;
	s9 =	smax.u32 s9, $0x1;
	s7 =	sadd.s32 s7, s6  }
0xc: {  	s8 =	sadd.s32 s8, s6;
	s10 =	sadd.s32 $0x4000, s5;
	s11 =	sadd.s32 $0x8000, s5  }
0xd: {  	s12 =	sadd.s32 $0xC000, s5;
	s13 =	sadd.s32 $0x10000, s5;
	s19 =	sshrl.u32 s5, $0x3  }
0xe: {  	v0 =	vimm.f32 $0.0e+00;
	s6 =	sadd.s32 $0x5D800, s7;
	s7 =	sadd.s32 $0x3800, s7;
	s8 =	sadd.s32 $0x67800, s8  }
.LBB2_1:
0xf: {  	s20 =	simm.s32 $0x0;
	s21 =	simm.s32 $0x200  }
.LBB2_2:
0x10: {  	p0 =	sne.s32 s21, $0xFE00;
	[tilespmem:s20+$0x5070] =	vst v0  }
0x11: {  	[tilespmem:s20+$0x5000] =	vst v0  }
0x12: {  	[tilespmem:s20+$0x5010] =	vst v0  }
.Ltmp0:
0x13: {  	[tilespmem:s20+$0x5020] =	vst v0;
	(pc) =	sbr.rel @p0 .LBB2_2-.Ltmp0, $4  }
0x14: {  	[tilespmem:s20+$0x5030] =	vst v0  }
0x15: {  	[tilespmem:s20+$0x5040] =	vst v0  }
0x16: {  	[tilespmem:s20+$0x5050] =	vst v0  }
0x17: {  	[tilespmem:s20+$0x5060] =	vst v0;
	s20 =	sshra.s32 s21, $0x2;
	s21 =	sadd.s32 $0x200, s21  }
0x18: {  	[tilespmem:s20+$0x5070] =	vst v0  }
0x19: {  	[tilespmem:s20+$0x5000] =	vst v0  }
0x1a: {  	[tilespmem:s20+$0x5010] =	vst v0  }
0x1b: {  	[tilespmem:s20+$0x5020] =	vst v0  }
0x1c: {  	[tilespmem:s20+$0x5030] =	vst v0  }
0x1d: {  	[tilespmem:s20+$0x5040] =	vst v0  }
0x1e: {  	[tilespmem:s20+$0x5050] =	vst v0  }
0x1f: {  	[tilespmem:s20+$0x5060] =	vst v0  }
0x20: {  	[spmem:s5] =	stream.linear.scatter [tilespmem:s14], [sflag:$0x1], $0x4000, $0x38;
	[tilespmem:$0x1D000] =	vst v63  }
0x21: {  	_ =	swait.ge [sflag:s15], $0x4000  }
0x22: {  	[sflag:s15] =	ssyncset.done $0x0  }
0x23: {  	[sflag:s15] =	ssyncadd.s32 $0xFFFFC000  }
0x24: {  	[spmem:s10] =	stream.linear.scatter [tilespmem:s14], [sflag:$0x1], $0x4000, $0x38;
	[tilespmem:$0x1D000] =	vst v63  }
0x25: {  	_ =	swait.ge [sflag:s15], $0x4000  }
0x26: {  	[sflag:s15] =	ssyncset.done $0x0  }
0x27: {  	[sflag:s15] =	ssyncadd.s32 $0xFFFFC000  }
0x28: {  	[spmem:s11] =	stream.linear.scatter [tilespmem:s14], [sflag:$0x1], $0x4000, $0x38;
	[tilespmem:$0x1D000] =	vst v63  }
0x29: {  	_ =	swait.ge [sflag:s15], $0x4000  }
0x2a: {  	[sflag:s15] =	ssyncset.done $0x0  }
0x2b: {  	[sflag:s15] =	ssyncadd.s32 $0xFFFFC000  }
0x2c: {  	[spmem:s12] =	stream.linear.scatter [tilespmem:s14], [sflag:$0x1], $0x4000, $0x38;
	[tilespmem:$0x1D000] =	vst v63  }
0x2d: {  	_ =	swait.ge [sflag:s15], $0x4000  }
0x2e: {  	[sflag:s15] =	ssyncset.done $0x0  }
0x2f: {  	[sflag:s15] =	ssyncadd.s32 $0xFFFFC000  }
0x30: {  	[spmem:s13] =	stream.linear.scatter [tilespmem:s14], [sflag:$0x1], $0x4000, $0x38;
	[tilespmem:$0x1D000] =	vst v63  }
0x31: {  	_ =	swait.ge [sflag:s15], $0x4000  }
0x32: {  	[sflag:s15] =	ssyncset.done $0x0  }
0x33: {  	s29 =	simm.s32 $0x0;
	[sflag:s15] =	ssyncadd.s32 $0xFFFFC000  }
0x34: {  	[tilespmem:s29], [sflag:$0x1] =	stream.linear.gather [hbm4b:s6+s29], $0x2800, $0x38;
	[tilespmem:$0x1D000] =	vst v63  }
0x35: {  	_ =	swait.ge [sflag:s15], $0x2800  }
0x36: {  	[sflag:s15] =	ssyncset.done $0x0  }
0x37: {  	[sflag:s15] =	ssyncadd.s32 $0xFFFFD800  }
0x38: {  	[tilespmem:s16], [sflag:$0x1] =	stream.linear.gather [hbm4b:s7+s29], $0x2800, $0x38;
	[tilespmem:$0x1D000] =	vst v63  }
0x39: {  	_ =	swait.ge [sflag:s15], $0x2800  }
0x3a: {  	[sflag:s15] =	ssyncset.done $0x0  }
0x3b: {  	[sflag:s15] =	ssyncadd.s32 $0xFFFFD800  }
0x3c: {  	s30 =	simm.s32 $0x0;
	[bflag:$0x0] =	sbarrier.arrive $0xFFFF  }
0x3d: {  	[tilespmem:s14], [sflag:$0x1] =	stream.indirect.gather [hbm4b:s4+s17], $0x80, s30, s17, $0xb8;
	[tilespmem:$0x1D000] =	vst v63  }
0x3e: {  	_ =	swait.ge [sflag:s15], $0x4000  }
0x3f: {  	[sflag:s15] =	ssyncset.done $0x0  }
0x40: {  	s31 =	simm.s32 $0x2800;
	[sflag:s15] =	ssyncadd.s32 $0xFFFFC000  }
0x41: {  	[spmem:s2] =	stream.indirect.scatter.add.f32 [tilespmem:s14], [sflag:$0x1], $0x80, s31, s17, $0xb8;
	[tilespmem:$0x1D000] =	vst v63  }
0x42: {  	_ =	swait.ge [sflag:s15], $0x4000  }
0x43: {  	s20 =	simm.s32 $0x200;
	s21 =	simm.s32 $0x400;
	[sflag:s15] =	ssyncset.done $0x0  }
.LBB2_4:
0x44: {  	s22 =	sshra.s32 s20, $0x2  }
0x45: {  	[sflag:s15] =	ssyncadd.s32 $0xFFFFC000;
	s20 =	smov.u32 s21;
	s23 =	sadd.s32 $0x200, s21  }
0x46: {  	[tilespmem:s14], [sflag:$0x1] =	stream.indirect.gather [hbm4b:s4+s17], $0x80, s22, s17, $0xb8;
	[tilespmem:$0x1D000] =	vst v63  }
0x47: {  	p0 =	sne.s32 s21, $0x9E00;
	_ =	swait.ge [sflag:s15], $0x4000  }
.Ltmp1:
0x48: {  	[sflag:s15] =	ssyncset.done $0x0;
	(pc) =	sbr.rel @p0 .LBB2_4-.Ltmp1, $4  }
0x49: {  	s21 =	sadd.s32 $0x2800, s22;
	[sflag:s15] =	ssyncadd.s32 $0xFFFFC000  }
0x4a: {  	[spmem:s2] =	stream.indirect.scatter.add.f32 [tilespmem:s14], [sflag:$0x1], $0x80, s21, s17, $0xb8;
	[tilespmem:$0x1D000] =	vst v63  }
0x4b: {  	_ =	swait.ge [sflag:s15], $0x4000  }
0x4c: {  	s21 =	smov.u32 s23;
	[sflag:s15] =	ssyncset.done $0x0  }
0x4d: {  	s20 =	sshra.s32 s20, $0x2;
	[sflag:s15] =	ssyncadd.s32 $0xFFFFC000  }
0x4e: {  	[tilespmem:s14], [sflag:$0x1] =	stream.indirect.gather [hbm4b:s4+s17], $0x80, s20, s17, $0xb8;
	[tilespmem:$0x1D000] =	vst v63  }
0x4f: {  	_ =	swait.ge [sflag:s15], $0x4000  }
0x50: {  	[sflag:s15] =	ssyncset.done $0x0  }
0x51: {  	s20 =	sadd.s32 $0x2800, s20;
	[sflag:s15] =	ssyncadd.s32 $0xFFFFC000  }
0x52: {  	[spmem:s2] =	stream.indirect.scatter.add.f32 [tilespmem:s14], [sflag:$0x1], $0x80, s20, s17, $0xb8;
	[tilespmem:$0x1D000] =	vst v63  }
0x53: {  	_ =	swait.ge [sflag:s15], $0x4000  }
0x54: {  	s3 =	sadd.s32 $0x1, s3;
	[sflag:s15] =	ssyncset.done $0x0  }
0x55: {  	p0 =	sne.s32 s3, s9;
	[sflag:s15] =	ssyncadd.s32 $0xFFFFC000  }
.Ltmp2:
0x56: {  	[bflag:$0x0] =	sbarrier.arrive $0xFFFF;
	(pc) =	sbr.rel @p0 .LBB2_1-.Ltmp2, $4  }
0x57: {  	[hbm:s8], [sflag:s18] =	dma.local [spmem:s19], $0x2800  }
0x58: {  	_ =	swait.ge [sflag:s15], $0x2800  }
0x59: {  	[sflag:s15] =	ssyncset.done $0x0  }
0x5a: {  	[sflag:s15] =	ssyncadd.s32 $0xFFFFD800  }
0x5b: {  	_ =	sfence.sel $0x180000  }
0x5c: {  	[bflag:$0x0] =	sbarrier.arrive $0xFFFF  }
0x5d: {  	p0 =	sne.s32 s0, $0x0;
	_ =	strace $0x90000050  }
0x5e: {  	s0 =	sadd.s32 @!p0 $0x100000, s1;
	[bflag:$0x2] =	sbarrier.arrive $0xFFFF  }
0x5f: {  	[sflag:s0] =	ssyncadd.tile.s32 @!p0 $0x1;
	_ =	shalt  }
.Lfunc_end2:
_tile_overlayer_lowered:
.L_overlay_start_2:
0x60: {  	(tag) =	ssettag $0x2  }
0x61: {  	s0 =	rddreg [dreg:$0x0];
	s2 =	stileid.u32  }
0x62: {  	s1 =	rddreg [dreg:$0x1];
	p0 =	sne.s32 s2, $0x0  }
0x63: {  	s3 =	rddreg [dreg:$0x2];
	[bflag:$0x3] =	sbarrier.arrive $0xFFFF;
	s2 =	simm.s32 @!p0 $0x1C01  }
0x64: {  	[timem:s3], [sflag:s2] =	dma.local @!p0 [hbm:s0], s1  }
0x65: {  	s0 =	simm.s32 @!p0 $0x1  }
0x66: {  	_ =	swait.ge @!p0 [sflag:s0], s1  }
0x67: {  	s1 =	ssub.s32 @!p0 $0x0, s1;
	[sflag:s0] =	ssyncset.done @!p0 $0x0  }
0x68: {  	[sflag:s0] =	ssyncadd.s32 @!p0 s1  }
0x69: {  	[bflag:$0x3] =	sbarrier.arrive $0xFFFF  }
0x6a: {  	_ =	shalt  }

// kernel: kernel.24.cloned.1.call-start
scs
__scs_entry_jumppad:
0x0: {  	(pc) =	sbr.rel $0x88, $3  }
0x1: {  	(tag) =	ssettag $0x0;
	lr =	simm.s32 $0x1  }
0x2: {  	[smem:$0x3F97] =	sst lr;
	_ =	strace $0xD0000000  }
0x3: {  	_ = 	snop  }
0x4: {  	_ = 	snop  }
0x5: {  	_ = 	snop  }
0x6: {  	_ = 	snop  }
0x7: {  	_ = 	snop  }
__scs_overlays_trampoline_lowered:
0x8: {  	[smem:$0x3FA6] =	sst s0  }
0x9: {  	[smem:$0x3FA7] =	sst s1  }
0xa: {  	[smem:$0x3FA8] =	sst s2  }
0xb: {  	[smem:$0x3FA9] =	sst s3  }
0xc: {  	[smem:$0x3FAA] =	sst s4  }
0xd: {  	[smem:$0x3FAB] =	sst s5  }
0xe: {  	[smem:$0x3FAC] =	sst s6  }
0xf: {  	[smem:$0x3FAD] =	sst s7  }
0x10: {  	[smem:$0x3FAE] =	sst s8  }
0x11: {  	[smem:$0x3FAF] =	sst s9;
	s0 =	simm.s32 @!p0 $0x0  }
0x12: {  	s1 =	sld [smem:$0x3F95];
	s0 =	simm.s32 @p0 $0x1  }
0x13: {  	[smem:$0x3FB0] =	sst s0;
	s0 =	simm.s32 @!p1 $0x0  }
0x14: {  	s2 =	sld [smem:$0x3F94];
	s0 =	simm.s32 @p1 $0x1  }
0x15: {  	[smem:$0x3FB1] =	sst s0;
	s0 =	simm.s32 @!p2 $0x0  }
0x16: {  	s3 =	sld [smem:$0x3FDB];
	s0 =	simm.s32 @p2 $0x1  }
0x17: {  	s4 =	simm.s32 $0x1BF5;
	[smem:$0x3FB3] =	sst s0  }
0x18: {  	s0 =	sld [smem:$0x3F96];
	_ =	swait.ge [sflag:s4], $0x0  }
0x19: {  	s7 =	sld [smem:$0x3F97]  }
0x1a: {  	s8 =	sadd.s32 $0xFFFFE003, lr  }
0x1b: {  	s9 =	sadd.s32 $0xFFFFFEF7, lr;
	s5 =	simm.s32 $0xFFFFFFFF;
	p2 =	slt.u32 s8, $0xFFFFF086  }
0x1c: {  	p1 =	slt.u32 s9, $0xF7A;
	s5 =	simm.s32 @!p2 $0x0  }
0x1d: {  	s5 =	simm.s32 @p1 $0x1;
	p0 =	seq.s32 s7, s2  }
0x1e: {  	s7 =	smul.u32 @!p0 $0xF7A, s2;
	p2 =	seq.s32 @!p0 s5, $0x0  }
0x1f: {  	s9 =	smul.u32 $0xF7A, s1;
	s8 =	simm.s32 @!p0 $0x1BF5;
	p2 =	por !p2, p0  }
0x20: {  	[sflag:s8] =	ssyncset.s32 @!p0 $0xFFFFF086;
	s6 =	sadd.s32 @!p0 s3, s7;
	s7 =	simm.s32 @!p0 $0x108  }
0x21: {  	s3 =	sadd.s32 s3, s9;
	s6 =	sadd.s32 @!p0 $0x88, s6;
	s7 =	simm.s32 @p2 $0x1082  }
0x22: {  	[simem:s7], [sflag:s8] =	dma.local @!p0 [hbm:s6], $0xF7A  }
0x23: {  	s9 =	sor.u32 $0xD0000000, s2;
	s6 =	simm.s32 $0x108;
	_ =	swait.ge @!p0 [sflag:s8], $0x0  }
0x24: {  	s3 =	sadd.s32 $0x88, s3;
	s6 =	simm.s32 @!p1 $0x1082;
	[sflag:s4] =	ssyncset.s32 $0xFFFFF086  }
0x25: {  	[simem:s6], [sflag:s4] =	dma.local [hbm:s3], $0xF7A  }
0x26: {  	[smem:$0x3F97] =	sst s1;
	(tag) =	ssettag s2;
	_ =	strace s9  }
0x27: {  	s1 =	sld [smem:$0x3FA7]  }
0x28: {  	s2 =	sld [smem:$0x3FA8]  }
0x29: {  	s4 =	sld [smem:$0x3FAA]  }
0x2a: {  	p0 =	seq.s32 s5, $0x0;
	s5 =	sld [smem:$0x3FAB]  }
0x2b: {  	s6 =	sld [smem:$0x3FAC]  }
0x2c: {  	s7 =	sld [smem:$0x3FAD]  }
0x2d: {  	s3 =	simm.s32 $0x108;
	s8 =	sld [smem:$0x3FAE]  }
0x2e: {  	s3 =	simm.s32 @!p0 $0x1082;
	s9 =	sld [smem:$0x3FAF]  }
0x2f: {  	lr =	sadd.s32 s0, s3;
	s0 =	sld [smem:$0x3FA6]  }
0x30: {  	s3 =	sld [smem:$0x3FA9]  }
0x31: {  	[smem:$0x3FB2] =	sst s10  }
0x32: {  	s10 =	sld [smem:$0x3FB0];
	_ =	sdelay $0x3  }
0x33: {  	p0 =	seq.s32 s10, $0x1;
	s10 =	sld [smem:$0x3FB2];
	_ =	sdelay $0x3  }
0x34: {  	[smem:$0x3FB2] =	sst s10  }
0x35: {  	s10 =	sld [smem:$0x3FB1];
	_ =	sdelay $0x3  }
0x36: {  	p1 =	seq.s32 s10, $0x1;
	s10 =	sld [smem:$0x3FB2];
	_ =	sdelay $0x3  }
0x37: {  	[smem:$0x3FB2] =	sst s10  }
0x38: {  	s10 =	sld [smem:$0x3FB3]  }
0x39: {  	_ = 	snop;
	(pc) =	sbr.ind lr, $3  }
0x3a: {  	_ = 	snop  }
0x3b: {  	_ = 	snop  }
0x3c: {  	p2 =	seq.s32 s10, $0x1;
	s10 =	sld [smem:$0x3FB2]  }
0x3d: {  	_ =	shalt  }
0x3e: {  	_ =	shalt  }
0x3f: {  	_ =	shalt  }
0x40: {  	_ =	shalt  }
0x41: {  	_ =	shalt  }
0x42: {  	_ =	shalt  }
0x43: {  	_ =	shalt  }
0x44: {  	_ =	shalt  }
0x45: {  	_ =	shalt  }
0x46: {  	_ =	shalt  }
0x47: {  	_ =	shalt  }
0x48: {  	_ =	shalt  }
0x49: {  	_ =	shalt  }
0x4a: {  	_ =	shalt  }
0x4b: {  	_ =	shalt  }
0x4c: {  	_ =	shalt  }
0x4d: {  	_ =	shalt  }
0x4e: {  	_ =	shalt  }
0x4f: {  	_ =	shalt  }
0x50: {  	_ =	shalt  }
0x51: {  	_ =	shalt  }
0x52: {  	_ =	shalt  }
0x53: {  	_ =	shalt  }
0x54: {  	_ =	shalt  }
0x55: {  	_ =	shalt  }
0x56: {  	_ =	shalt  }
0x57: {  	_ =	shalt  }
0x58: {  	_ =	shalt  }
0x59: {  	_ =	shalt  }
0x5a: {  	_ =	shalt  }
0x5b: {  	_ =	shalt  }
0x5c: {  	_ =	shalt  }
0x5d: {  	_ =	shalt  }
0x5e: {  	_ =	shalt  }
0x5f: {  	_ =	shalt  }
0x60: {  	_ =	shalt  }
0x61: {  	_ =	shalt  }
0x62: {  	_ =	shalt  }
0x63: {  	_ =	shalt  }
0x64: {  	_ =	shalt  }
0x65: {  	_ =	shalt  }
0x66: {  	_ =	shalt  }
0x67: {  	_ =	shalt  }
0x68: {  	_ =	shalt  }
0x69: {  	_ =	shalt  }
0x6a: {  	_ =	shalt  }
0x6b: {  	_ =	shalt  }
0x6c: {  	_ =	shalt  }
0x6d: {  	_ =	shalt  }
0x6e: {  	_ =	shalt  }
0x6f: {  	_ =	shalt  }
0x70: {  	_ =	shalt  }
0x71: {  	_ =	shalt  }
0x72: {  	_ =	shalt  }
0x73: {  	_ =	shalt  }
0x74: {  	_ =	shalt  }
0x75: {  	_ =	shalt  }
0x76: {  	_ =	shalt  }
0x77: {  	_ =	shalt  }
0x78: {  	_ =	shalt  }
0x79: {  	_ =	shalt  }
0x7a: {  	_ =	shalt  }
0x7b: {  	_ =	shalt  }
0x7c: {  	_ =	shalt  }
0x7d: {  	_ =	shalt  }
0x7e: {  	_ =	shalt  }
0x7f: {  	_ =	shalt  }
0x80: {  	_ =	shalt  }
0x81: {  	_ =	shalt  }
0x82: {  	_ =	shalt  }
0x83: {  	_ =	shalt  }
0x84: {  	_ =	shalt  }
0x85: {  	_ =	shalt  }
0x86: {  	_ =	shalt  }
0x87: {  	_ =	shalt  }
.Lfunc_end0:
.L_simem_size_0:
called_computation.4_lowered:
.L_overlay_start_0:
0x88: {  	s2 =	sld [smem:$0x3FD9]  }
0x89: {  	s3 =	sld [smem:$0x3FFE];
	_ =	sdelay $0x1  }
0x8a: {  	s1 =	srdreg.scid  }
0x8b: {  	s0 =	sand.u32 $0x1, s1  }
0x8c: {  	s16 =	sshll.u32 s0, $0xA;
	s2 =	sadd.s32 s3, s2  }
0x8d: {  	s2 =	sadd.s32 s2, s16  }
0x8e: {  	[smem:$0x3FBE] =	sst s2  }
0x8f: {  	_ = 	snop  }
0x90: {  	(tm) =	ssettm $0x1  }
0x91: {  	s17 =	sld [smem:$0x3FFB];
	_ =	sdelay $0x3  }
0x92: {  	_ =	strace s17  }
0x93: {  	s2 =	sld [smem:$0x3FFC];
	_ =	sdelay $0x3  }
0x94: {  	_ =	strace s2  }
0x95: {  	s2 =	sld [smem:$0x3FFD];
	_ =	sdelay $0x3  }
0x96: {  	_ =	strace s2  }
0x97: {  	_ =	strace $0x8FFFFFFF  }
0x98: {  	s18 =	sld [smem:$0x3FDB];
	_ =	sdelay $0x1  }
0x99: {  	s19 =	simm.s32 $_scs_section_size  }
0x9a: {  	s4 =	simm.s32 $_size__tile_overlayer_lowered;
	s5 =	simm.s32 $_tile_overlayer_lowered  }
0x9b: {  	s22 =	simm.s32 $0x1BFF;
	s21 =	sshll.u32 s5, $0x1;
	s2 =	sadd.s32 s19, s18  }
0x9c: {  	s6 =	simm.s32 $0x0;
	s20 =	sshll.u32 s4, $0x1;
	s4 =	sadd.s32 s21, s2  }
0x9d: {  	[timem:s6], [sflag:s22] =	dma.local [hbm:s4], s20  }
0x9e: {  	_ =	swait.ge [sflag:s22], s20  }
0x9f: {  	s3 =	ssub.s32 $0x0, s20;
	[sflag:s22] =	ssyncset.done $0x0  }
0xa0: {  	[sflag:s22] =	ssyncadd.s32 s3;
	_ =	sdelay $0x1  }
0xa1: {  	s23 =	simm.s32 $0x1B8B  }
0xa2: {  	_ =	swait.ge [sflag:s23], $0x1  }
0xa3: {  	[sflag:s23] =	ssyncset.done $0x0  }
0xa4: {  	s25 =	simm.s32 $0x1B8E;
	s24 =	sld [smem:$0x3FFE];
	[sflag:s23] =	ssyncadd.s32 $0xFFFFFFFF  }
0xa5: {  	s26 =	simm.s32 $execute0_lowered;
	[smem:$0x3FD2] =	sst s25  }
0xa6: {  	s4 =	sshll.u32 s26, $0x1;
	_ =	strace $0x80000052;
	[dreg:$0x1] =	wrdreg $0xFFFFFFFF  }
0xa7: {  	s28 =	simm.s32 $_size_execute0_lowered;
	s2 =	sadd.s32 s2, s4;
	[dreg:$0x0] =	wrdreg $0x0  }
0xa8: {  	s4 =	sshll.u32 s28, $0x1;
	[dreg:$0x2] =	wrdreg s2  }
0xa9: {  	[dreg:$0x3] =	wrdreg s4  }
0xaa: {  	[dreg:$0x4] =	wrdreg $0xC0  }
0xab: {  	_ =	task [dreg:s6], $0x5FFFF  }
0xac: {  	[dreg:$0x1] =	wrdreg $0xFFFFFFFF  }
0xad: {  	[dreg:$0x0] =	wrdreg $0x60  }
0xae: {  	[dreg:$0x2] =	wrdreg s24  }
0xaf: {  	[dreg:$0x3] =	wrdreg $0x90000  }
0xb0: {  	[dreg:$0x4] =	wrdreg $0x9  }
0xb1: {  	_ =	task.clear_ibuf [dreg:s6], $0x5FFFF;
	_ =	strace $0x90000052  }
0xb2: {  	s29 =	simm.s32 $0x9;
	_ =	strace $0x80000054  }
0xb3: {  	_ =	swait.ge [sflag:s29], $0x1  }
0xb4: {  	[sflag:s29] =	ssyncadd.s32 $0xFFFFFFFF  }
0xb5: {  	_ =	strace $0x90000054  }
0xb6: {  	_ =	sfence  }
0xb7: {  	s30 =	sld [smem:$0x0];
	_ =	sdelay $0x2  }
0xb8: {  	s31 =	sshll.u32 s1, $0xD;
	s1 =	sshrl.u32 s1, $0x2  }
0xb9: {  	s3 =	sand.u32 $0x4000, s31;
	s1 =	sadd.s32 s1, s30  }
0xba: {  	s0 =	sor.u32 s3, s0;
	s1 =	sshll.u32 s1, $0x11  }
0xbb: {  	s0 =	sor.u32 s1, s0  }
0xbc: {  	s0 =	sadd.s32 $0x8F2B, s0  }
0xbd: {  	[sflag:s0] =	ssyncadd.remote.s32 $0x1  }
0xbe: {  	_ =	sfence.sel $0xFFFF  }
0xbf: {  	[dreg:$0x0] =	wrdreg $0xFFFFFFFF;
	(pc) =	sbr.abs _section_cstart, $3  }
0xc0: {  	[dreg:$0x1] =	wrdreg $0xFFFFFFFF  }
0xc1: {  	_ =	task.clear_ibuf [dreg:s6], $0x2FFFF;
	_ =	strace $0x9FFFFFFF  }
0xc2: {  	(tm) =	ssettm $0x7FFFFFFF  }
0xc3: {  	_ =	shalt  }
tec
execute0_lowered:
.L_overlay_start_1:
0x0: {  	(tag) =	ssettag $0x1  }
0x1: {  	s6 =	rddreg [dreg:$0x0]  }
0x2: {  	s0 =	srdreg.scid;
	s2 =	rddreg [dreg:$0x1];
	s3 =	simm.s32 $0x0  }
0x3: {  	s14 =	simm.s32 $0x5000;
	s15 =	simm.s32 $0x1;
	s5 =	sand.u32 $0x1, s0  }
0x4: {  	s16 =	simm.s32 $0x2800;
	s0 =	stileid.u32;
	s8 =	smul.u32 $0x140000, s5  }
0x5: {  	s17 =	simm.s32 $0x80;
	[smem:$0x7FF] =	sst s3;
	s9 =	smul.u32 $0x14000, s0  }
0x6: {  	s4 =	sadd.s32 $0xD800, s6;
	s1 =	sshll.u32 s5, $0x4;
	s10 =	smul.u32 $0x50000, s0  }
0x7: {  	s5 =	ssub.s32 $0x2, s5;
	s18 =	sshll.u32 s0, $0x6;
	s1 =	sor.u32 s0, s1  }
0x8: {  	s31 =	sshrl.u32 s5, $0x1;
	s18 =	sor.u32 $0x1C01, s18;
	s7 =	smul.u32 $0x500, s1  }
0x9: {  	s1 =	rddreg [dreg:$0x2];
	_ =	strace $0x80000053;
	s8 =	sadd.s32 s9, s8  }
0xa: {  	s10 =	sshrl.u32 s10, $0x2;
	s9 =	ssub.s32 s5, s31;
	s8 =	sshrl.u32 s8, $0x3  }
0xb: {  	s5 =	sadd.s32 s10, s2;
	s9 =	smax.u32 s9, $0x1;
	s7 =	sadd.s32 s7, s6  }
0xc: {  	s8 =	sadd.s32 s8, s6;
	s10 =	sadd.s32 $0x4000, s5;
	s11 =	sadd.s32 $0x8000, s5  }
0xd: {  	s12 =	sadd.s32 $0xC000, s5;
	s13 =	sadd.s32 $0x10000, s5;
	s19 =	sshrl.u32 s5, $0x3  }
0xe: {  	v0 =	vimm.f32 $0.0e+00;
	s6 =	sadd.s32 $0x5D800, s7;
	s7 =	sadd.s32 $0x3800, s7;
	s8 =	sadd.s32 $0x67800, s8  }
.LBB2_1:
0xf: {  	s20 =	simm.s32 $0x0;
	s21 =	simm.s32 $0x200  }
.LBB2_2:
0x10: {  	p0 =	sne.s32 s21, $0xFE00;
	[tilespmem:s20+$0x5070] =	vst v0  }
0x11: {  	[tilespmem:s20+$0x5000] =	vst v0  }
0x12: {  	[tilespmem:s20+$0x5010] =	vst v0  }
.Ltmp0:
0x13: {  	[tilespmem:s20+$0x5020] =	vst v0;
	(pc) =	sbr.rel @p0 .LBB2_2-.Ltmp0, $4  }
0x14: {  	[tilespmem:s20+$0x5030] =	vst v0  }
0x15: {  	[tilespmem:s20+$0x5040] =	vst v0  }
0x16: {  	[tilespmem:s20+$0x5050] =	vst v0  }
0x17: {  	[tilespmem:s20+$0x5060] =	vst v0;
	s20 =	sshra.s32 s21, $0x2;
	s21 =	sadd.s32 $0x200, s21  }
0x18: {  	[tilespmem:s20+$0x5070] =	vst v0  }
0x19: {  	[tilespmem:s20+$0x5000] =	vst v0  }
0x1a: {  	[tilespmem:s20+$0x5010] =	vst v0  }
0x1b: {  	[tilespmem:s20+$0x5020] =	vst v0  }
0x1c: {  	[tilespmem:s20+$0x5030] =	vst v0  }
0x1d: {  	[tilespmem:s20+$0x5040] =	vst v0  }
0x1e: {  	[tilespmem:s20+$0x5050] =	vst v0  }
0x1f: {  	[tilespmem:s20+$0x5060] =	vst v0  }
0x20: {  	[spmem:s5] =	stream.linear.scatter [tilespmem:s14], [sflag:$0x1], $0x4000, $0x38;
	[tilespmem:$0x1D000] =	vst v63  }
0x21: {  	_ =	swait.ge [sflag:s15], $0x4000  }
0x22: {  	[sflag:s15] =	ssyncset.done $0x0  }
0x23: {  	[sflag:s15] =	ssyncadd.s32 $0xFFFFC000  }
0x24: {  	[spmem:s10] =	stream.linear.scatter [tilespmem:s14], [sflag:$0x1], $0x4000, $0x38;
	[tilespmem:$0x1D000] =	vst v63  }
0x25: {  	_ =	swait.ge [sflag:s15], $0x4000  }
0x26: {  	[sflag:s15] =	ssyncset.done $0x0  }
0x27: {  	[sflag:s15] =	ssyncadd.s32 $0xFFFFC000  }
0x28: {  	[spmem:s11] =	stream.linear.scatter [tilespmem:s14], [sflag:$0x1], $0x4000, $0x38;
	[tilespmem:$0x1D000] =	vst v63  }
0x29: {  	_ =	swait.ge [sflag:s15], $0x4000  }
0x2a: {  	[sflag:s15] =	ssyncset.done $0x0  }
0x2b: {  	[sflag:s15] =	ssyncadd.s32 $0xFFFFC000  }
0x2c: {  	[spmem:s12] =	stream.linear.scatter [tilespmem:s14], [sflag:$0x1], $0x4000, $0x38;
	[tilespmem:$0x1D000] =	vst v63  }
0x2d: {  	_ =	swait.ge [sflag:s15], $0x4000  }
0x2e: {  	[sflag:s15] =	ssyncset.done $0x0  }
0x2f: {  	[sflag:s15] =	ssyncadd.s32 $0xFFFFC000  }
0x30: {  	[spmem:s13] =	stream.linear.scatter [tilespmem:s14], [sflag:$0x1], $0x4000, $0x38;
	[tilespmem:$0x1D000] =	vst v63  }
0x31: {  	_ =	swait.ge [sflag:s15], $0x4000  }
0x32: {  	[sflag:s15] =	ssyncset.done $0x0  }
0x33: {  	s29 =	simm.s32 $0x0;
	[sflag:s15] =	ssyncadd.s32 $0xFFFFC000  }
0x34: {  	[tilespmem:s29], [sflag:$0x1] =	stream.linear.gather [hbm4b:s6+s29], $0x2800, $0x38;
	[tilespmem:$0x1D000] =	vst v63  }
0x35: {  	_ =	swait.ge [sflag:s15], $0x2800  }
0x36: {  	[sflag:s15] =	ssyncset.done $0x0  }
0x37: {  	[sflag:s15] =	ssyncadd.s32 $0xFFFFD800  }
0x38: {  	[tilespmem:s16], [sflag:$0x1] =	stream.linear.gather [hbm4b:s7+s29], $0x2800, $0x38;
	[tilespmem:$0x1D000] =	vst v63  }
0x39: {  	_ =	swait.ge [sflag:s15], $0x2800  }
0x3a: {  	[sflag:s15] =	ssyncset.done $0x0  }
0x3b: {  	[sflag:s15] =	ssyncadd.s32 $0xFFFFD800  }
0x3c: {  	s30 =	simm.s32 $0x0;
	[bflag:$0x0] =	sbarrier.arrive $0xFFFF  }
0x3d: {  	[tilespmem:s14], [sflag:$0x1] =	stream.indirect.gather [hbm4b:s4+s17], $0x80, s30, s17, $0xb8;
	[tilespmem:$0x1D000] =	vst v63  }
0x3e: {  	_ =	swait.ge [sflag:s15], $0x4000  }
0x3f: {  	[sflag:s15] =	ssyncset.done $0x0  }
0x40: {  	s31 =	simm.s32 $0x2800;
	[sflag:s15] =	ssyncadd.s32 $0xFFFFC000  }
0x41: {  	[spmem:s2] =	stream.indirect.scatter.add.f32 [tilespmem:s14], [sflag:$0x1], $0x80, s31, s17, $0xb8;
	[tilespmem:$0x1D000] =	vst v63  }
0x42: {  	_ =	swait.ge [sflag:s15], $0x4000  }
0x43: {  	s20 =	simm.s32 $0x200;
	s21 =	simm.s32 $0x400;
	[sflag:s15] =	ssyncset.done $0x0  }
.LBB2_4:
0x44: {  	s22 =	sshra.s32 s20, $0x2  }
0x45: {  	[sflag:s15] =	ssyncadd.s32 $0xFFFFC000;
	s20 =	smov.u32 s21;
	s23 =	sadd.s32 $0x200, s21  }
0x46: {  	[tilespmem:s14], [sflag:$0x1] =	stream.indirect.gather [hbm4b:s4+s17], $0x80, s22, s17, $0xb8;
	[tilespmem:$0x1D000] =	vst v63  }
0x47: {  	p0 =	sne.s32 s21, $0x9E00;
	_ =	swait.ge [sflag:s15], $0x4000  }
.Ltmp1:
0x48: {  	[sflag:s15] =	ssyncset.done $0x0;
	(pc) =	sbr.rel @p0 .LBB2_4-.Ltmp1, $4  }
0x49: {  	s21 =	sadd.s32 $0x2800, s22;
	[sflag:s15] =	ssyncadd.s32 $0xFFFFC000  }
0x4a: {  	[spmem:s2] =	stream.indirect.scatter.add.f32 [tilespmem:s14], [sflag:$0x1], $0x80, s21, s17, $0xb8;
	[tilespmem:$0x1D000] =	vst v63  }
0x4b: {  	_ =	swait.ge [sflag:s15], $0x4000  }
0x4c: {  	s21 =	smov.u32 s23;
	[sflag:s15] =	ssyncset.done $0x0  }
0x4d: {  	s20 =	sshra.s32 s20, $0x2;
	[sflag:s15] =	ssyncadd.s32 $0xFFFFC000  }
0x4e: {  	[tilespmem:s14], [sflag:$0x1] =	stream.indirect.gather [hbm4b:s4+s17], $0x80, s20, s17, $0xb8;
	[tilespmem:$0x1D000] =	vst v63  }
0x4f: {  	_ =	swait.ge [sflag:s15], $0x4000  }
0x50: {  	[sflag:s15] =	ssyncset.done $0x0  }
0x51: {  	s20 =	sadd.s32 $0x2800, s20;
	[sflag:s15] =	ssyncadd.s32 $0xFFFFC000  }
0x52: {  	[spmem:s2] =	stream.indirect.scatter.add.f32 [tilespmem:s14], [sflag:$0x1], $0x80, s20, s17, $0xb8;
	[tilespmem:$0x1D000] =	vst v63  }
0x53: {  	_ =	swait.ge [sflag:s15], $0x4000  }
0x54: {  	s3 =	sadd.s32 $0x1, s3;
	[sflag:s15] =	ssyncset.done $0x0  }
0x55: {  	p0 =	sne.s32 s3, s9;
	[sflag:s15] =	ssyncadd.s32 $0xFFFFC000  }
.Ltmp2:
0x56: {  	[bflag:$0x0] =	sbarrier.arrive $0xFFFF;
	(pc) =	sbr.rel @p0 .LBB2_1-.Ltmp2, $4  }
0x57: {  	[hbm:s8], [sflag:s18] =	dma.local [spmem:s19], $0x2800  }
0x58: {  	_ =	swait.ge [sflag:s15], $0x2800  }
0x59: {  	[sflag:s15] =	ssyncset.done $0x0  }
0x5a: {  	[sflag:s15] =	ssyncadd.s32 $0xFFFFD800  }
0x5b: {  	_ =	sfence.sel $0x180000  }
0x5c: {  	[bflag:$0x0] =	sbarrier.arrive $0xFFFF  }
0x5d: {  	p0 =	sne.s32 s0, $0x0;
	_ =	strace $0x90000053  }
0x5e: {  	s0 =	sadd.s32 @!p0 $0x100000, s1;
	[bflag:$0x2] =	sbarrier.arrive $0xFFFF  }
0x5f: {  	[sflag:s0] =	ssyncadd.tile.s32 @!p0 $0x1;
	_ =	shalt  }
.Lfunc_end2:
_tile_overlayer_lowered:
.L_overlay_start_2:
0x60: {  	(tag) =	ssettag $0x2  }
0x61: {  	s0 =	rddreg [dreg:$0x0];
	s2 =	stileid.u32  }
0x62: {  	s1 =	rddreg [dreg:$0x1];
	p0 =	sne.s32 s2, $0x0  }
0x63: {  	s3 =	rddreg [dreg:$0x2];
	[bflag:$0x3] =	sbarrier.arrive $0xFFFF;
	s2 =	simm.s32 @!p0 $0x1C01  }
0x64: {  	[timem:s3], [sflag:s2] =	dma.local @!p0 [hbm:s0], s1  }
0x65: {  	s0 =	simm.s32 @!p0 $0x1  }
0x66: {  	_ =	swait.ge @!p0 [sflag:s0], s1  }
0x67: {  	s1 =	ssub.s32 @!p0 $0x0, s1;
	[sflag:s0] =	ssyncset.done @!p0 $0x0  }
0x68: {  	[sflag:s0] =	ssyncadd.s32 @!p0 s1  }
0x69: {  	[bflag:$0x3] =	sbarrier.arrive $0xFFFF  }
0x6a: {  	_ =	shalt  }

</sc_bundles>
